<compile_context>
chip_gen: v7x
topology: tpu7x:2x2x1
jax: 0.10.2.dev20260603
libtpu: 0.0.44.dev20260713+nightly
codegen_flags: <defaults>
</compile_context>

<pallas_src>
import functools

import jax
import jax.numpy as jnp
from jax import lax
from jax.experimental import pallas as pl
from jax.experimental.pallas import tpu as pltpu
from jax.experimental.pallas import tpu_sc as plsc


@functools.partial(jax.jit, static_argnames=("B", "E", "D", "NC", "NS"))
def _routing_gather(table, weights, *, B, E, D, NC, NS):
    NW = NC * NS
    b_per_w = B // NW
    K = 32
    n_groups = b_per_w // K
    L = 16

    mesh = plsc.VectorSubcoreMesh(core_axis_name="c", subcore_axis_name="s")

    @functools.partial(
        pl.kernel,
        out_type=jax.ShapeDtypeStruct((B, D), jnp.float32),
        mesh=mesh,
        compiler_params=pltpu.CompilerParams(
            needs_layout_passes=False,
            disable_bounds_checks=True,
            disable_semaphore_checks=True,
        ),
        scratch_types=[
            pltpu.VMEM((E, D), jnp.float32),
            pltpu.VMEM((b_per_w, E), jnp.float32),
            pltpu.VMEM((K, D), jnp.float32),
            pltpu.SemaphoreType.DMA,
            pltpu.SemaphoreType.DMA,
        ],
    )
    def k(table_hbm, w_hbm, out_hbm, table_v, w_v, dummy_v, sem_t, sem_w):
        wid = lax.axis_index("s") * NC + lax.axis_index("c")
        base = wid * b_per_w

        tcopy = pltpu.async_copy(table_hbm, table_v, sem_t)
        pltpu.sync_copy(w_hbm.at[pl.ds(base, b_per_w), :], w_v)

        lane = lax.iota(jnp.int32, L)

        def drain_group():
            pltpu.make_async_copy(
                out_hbm.at[pl.ds(0, K), :], dummy_v, sem_w).wait()

        nib = (lane & 7) * 4

        @pl.loop(0, n_groups)
        def _group(g):
            for h in range(K // L):
                rows = g * K + h * L + lane
                best_v = plsc.load_gather(
                    w_v, [rows, jnp.zeros((L,), jnp.int32)])
                best_e = jnp.zeros((L,), jnp.int32)
                for e in range(1, E):
                    v = plsc.load_gather(
                        w_v, [rows, jnp.full((L,), e, jnp.int32)])
                    better = v > best_v
                    best_v = jnp.where(better, v, best_v)
                    best_e = jnp.where(
                        better, jnp.full((L,), e, jnp.int32), best_e)

                sh = best_e << nib
                w0 = jnp.sum(jnp.where(lane < 8, sh, 0), axis=0)
                w1 = jnp.sum(jnp.where(lane >= 8, sh, 0), axis=0)
                if h == 0:
                    @pl.when(g == 0)
                    def _():
                        tcopy.wait()
                for j in range(L):
                    e = ((w0 if j < 8 else w1) >> ((j & 7) * 4)) & 7
                    pltpu.async_copy(
                        table_v.at[e],
                        out_hbm.at[base + g * K + h * L + j], sem_w)

            @pl.when(g > 1)
            def _():
                drain_group()

        drain_group()
        drain_group()

    return k(table, weights)


def kernel(opinions, weights):
    E, B, D = opinions.shape
    info = plsc.get_sparse_core_info()
    table = opinions[0, :E, :]
    return _routing_gather(
        table, weights, B=B, E=E, D=D,
        NC=info.num_cores, NS=info.num_subcores)

# --- scband reference (transcript-rebuilt; emitter-appended) ---
"""Pipeline reference for scband-output-layer-53824530154128 (READ-ONLY COPY).

The authoritative reference and input builder live on the scoring server;
editing this copy changes nothing except your own understanding.
"""

import jax, jax.numpy as jnp
import numpy as np


def setup_inputs(seed: int = 0) -> dict:
    key = jax.random.key(seed)
    k1, k2 = jax.random.split(key)
    # opinions: E expert outputs stacked; Concatenate(axis=0) over list of [B, d]
    # is equivalent to reshape of stacked [E, B, d] -> [E*B, d].
    opinions = jax.random.normal(k1, (8, 8192, 1024), dtype=jnp.float32)
    # weights: Concatenate(axis=1) over list of [B, 1] -> [B, E]
    weights = jax.random.normal(k2, (8192, 8), dtype=jnp.float32)
    return {"opinions": opinions, "weights": weights}


def reference(opinions, weights):
    # Faithful translation of OutputLayer.call:
    #   opinions = Concatenate(axis=0)(opinions)  -> [E*B, d]
    #   weights  = Concatenate(axis=1)(weights)   -> [B, E]
    #   elems    = argmax(weights, axis=1)        -> [B]
    #   outputs  = map_fn(lambda x: opinions[x], elems)  -> gather rows [B, d]
    E, B, d = opinions.shape
    opinions_cat = opinions.reshape(E * B, d)
    elems = jnp.argmax(weights, axis=1)
    outputs = jnp.take(opinions_cat, elems, axis=0)
    return outputs

if __name__ == "__main__":
    import jax
    _d = setup_inputs()
    print(jax.jit(kernel)(*tuple(_d.values())))

</pallas_src>

<mosaic_0001>
#map = affine_map<(d0, d1) -> (0, 0)>
module attributes {stable_mosaic.version = 14 : i64} {
  func.func @k(%arg0: i32, %arg1: i32, %arg2: memref<8x1024xf32, #tpu.memory_space<hbm>>, %arg3: memref<8192x8xf32, #tpu.memory_space<hbm>>, %arg4: memref<8192x1024xf32, #tpu.memory_space<hbm>>, %arg5: memref<8x1024xf32, #tpu.memory_space<vmem>>, %arg6: memref<256x8xf32, #tpu.memory_space<vmem>>, %arg7: memref<32x1024xf32, #tpu.memory_space<vmem>>, %arg8: memref<!tpu.dma_semaphore, #tpu.memory_space<semaphore_mem>>, %arg9: memref<!tpu.dma_semaphore, #tpu.memory_space<semaphore_mem>>) attributes {dimension_semantics = [#tpu.dimension_semantics<core_parallel>, #tpu.dimension_semantics<subcore_parallel>], iteration_bounds = array<i64: 2, 16>, scalar_prefetch = 0 : i64, scratch_operands = 5 : i64, tpu.core_type = #tpu.core_type<sc_vector_subcore>, window_params = [{transform_indices = #map}, {transform_indices = #map}, {transform_indices = #map}]} {
    %mul3A = arith.constant 2 : i32
    %mul3A_0 = arith.muli %arg1, %mul3A : i32
    %add3A = arith.addi %mul3A_0, %arg0 : i32
    %mul3A_1 = arith.constant 256 : i32
    %mul3A_2 = arith.muli %add3A, %mul3A_1 : i32
    tpu.enqueue_dma source(%arg2 : memref<8x1024xf32, #tpu.memory_space<hbm>>) target(%arg5 : memref<8x1024xf32, #tpu.memory_space<vmem>>) target_semaphore(%arg8 : memref<!tpu.dma_semaphore, #tpu.memory_space<semaphore_mem>>)
    "tpu.region"() ({
      %run_scoped3A = tpu.sem_alloc : memref<!tpu.dma_semaphore, #tpu.memory_space<semaphore_mem>>
      %dma_start3A = arith.constant 0 : i32
      %dma_start3A_23 = tpu.memref_slice %arg3[%mul3A_2, %dma_start3A] : memref<8192x8xf32, #tpu.memory_space<hbm>> -> memref<256x8xf32, #tpu.memory_space<hbm>>
      %dma_start3A_24 = arith.constant 0 : i32
      %dma_start3A_25 = tpu.memref_slice %arg3[%mul3A_2, %dma_start3A_24] : memref<8192x8xf32, #tpu.memory_space<hbm>> -> memref<256x8xf32, #tpu.memory_space<hbm>>
      tpu.enqueue_dma source(%dma_start3A_25 : memref<256x8xf32, #tpu.memory_space<hbm>>) target(%arg6 : memref<256x8xf32, #tpu.memory_space<vmem>>) target_semaphore(%run_scoped3A : memref<!tpu.dma_semaphore, #tpu.memory_space<semaphore_mem>>)
      %dma_wait3A_26 = arith.constant 0 : i32
      %dma_wait3A_27 = tpu.memref_slice %arg3[%mul3A_2, %dma_wait3A_26] : memref<8192x8xf32, #tpu.memory_space<hbm>> -> memref<256x8xf32, #tpu.memory_space<hbm>>
      %dma_wait3A_28 = arith.constant 0 : i32
      %dma_wait3A_29 = tpu.memref_slice %arg3[%mul3A_2, %dma_wait3A_28] : memref<8192x8xf32, #tpu.memory_space<hbm>> -> memref<256x8xf32, #tpu.memory_space<hbm>>
      tpu.wait_dma2 semaphore(%run_scoped3A : memref<!tpu.dma_semaphore, #tpu.memory_space<semaphore_mem>>) src(%dma_wait3A_29 : memref<256x8xf32, #tpu.memory_space<hbm>>) dst(%arg6 : memref<256x8xf32, #tpu.memory_space<vmem>>)
      tpu.yield
    }) : () -> ()
    %iota3A = tpu.iota {dimensions = array<i32: 0>} : vector<16xi32>
    %and3A = arith.constant 7 : i32
    %and3A_3 = vector.broadcast %and3A : i32 to vector<16xi32>
    %and3A_4 = arith.andi %iota3A, %and3A_3 : vector<16xi32>
    %mul3A_5 = arith.constant 4 : i32
    %mul3A_6 = vector.broadcast %mul3A_5 : i32 to vector<16xi32>
    %mul3A_7 = arith.muli %and3A_4, %mul3A_6 : vector<16xi32>
    %scan3A = arith.constant 0 : i32
    %scan3A_8 = arith.constant 8 : i32
    %scan3A_9 = arith.addi %scan3A, %scan3A_8 : i32
    %scan3A_10 = arith.constant 1 : i32
    scf.for %scan3A_23 = %scan3A to %scan3A_9 step %scan3A_10  : i32 {
      %mul3A_24 = arith.constant 1 : i32
      %mul3A_25 = arith.muli %scan3A_23, %mul3A_24 : i32
      %add3A_26 = arith.constant 0 : i32
      %add3A_27 = arith.addi %add3A_26, %mul3A_25 : i32
      %mul3A_28 = arith.constant 32 : i32
      %mul3A_29 = arith.muli %add3A_27, %mul3A_28 : i32
      %add3A_30 = arith.constant 0 : i32
      %add3A_31 = arith.addi %mul3A_29, %add3A_30 : i32
      %add3A_32 = vector.broadcast %add3A_31 : i32 to vector<16xi32>
      %add3A_33 = arith.addi %add3A_32, %iota3A : vector<16xi32>
      %broadcast_in_dim3A = arith.constant 0 : i32
      %broadcast_in_dim3A_34 = vector.broadcast %broadcast_in_dim3A : i32 to vector<16xi32>
      %gather3A = tpu.vector_load_idx %arg6[%add3A_33, %broadcast_in_dim3A_34] : memref<256x8xf32, #tpu.memory_space<vmem>>[vector<16xi32>, vector<16xi32>], vector<16xf32>,
      %broadcast_in_dim3A_35 = arith.constant 0 : i32
      %broadcast_in_dim3A_36 = vector.broadcast %broadcast_in_dim3A_35 : i32 to vector<16xi32>
      %broadcast_in_dim3A_37 = arith.constant 1 : i32
      %broadcast_in_dim3A_38 = vector.broadcast %broadcast_in_dim3A_37 : i32 to vector<16xi32>
      %gather3A_39 = tpu.vector_load_idx %arg6[%add3A_33, %broadcast_in_dim3A_38] : memref<256x8xf32, #tpu.memory_space<vmem>>[vector<16xi32>, vector<16xi32>], vector<16xf32>,
      %gt3A = arith.cmpf ogt, %gather3A_39, %gather3A : vector<16xf32>
      %select_n3A = arith.select %gt3A, %gather3A_39, %gather3A : vector<16xi1>, vector<16xf32>
      %broadcast_in_dim3A_40 = arith.constant 1 : i32
      %broadcast_in_dim3A_41 = vector.broadcast %broadcast_in_dim3A_40 : i32 to vector<16xi32>
      %select_n3A_42 = arith.select %gt3A, %broadcast_in_dim3A_41, %broadcast_in_dim3A_36 : vector<16xi1>, vector<16xi32>
      %broadcast_in_dim3A_43 = arith.constant 2 : i32
      %broadcast_in_dim3A_44 = vector.broadcast %broadcast_in_dim3A_43 : i32 to vector<16xi32>
      %gather3A_45 = tpu.vector_load_idx %arg6[%add3A_33, %broadcast_in_dim3A_44] : memref<256x8xf32, #tpu.memory_space<vmem>>[vector<16xi32>, vector<16xi32>], vector<16xf32>,
      %gt3A_46 = arith.cmpf ogt, %gather3A_45, %select_n3A : vector<16xf32>
      %select_n3A_47 = arith.select %gt3A_46, %gather3A_45, %select_n3A : vector<16xi1>, vector<16xf32>
      %broadcast_in_dim3A_48 = arith.constant 2 : i32
      %broadcast_in_dim3A_49 = vector.broadcast %broadcast_in_dim3A_48 : i32 to vector<16xi32>
      %select_n3A_50 = arith.select %gt3A_46, %broadcast_in_dim3A_49, %select_n3A_42 : vector<16xi1>, vector<16xi32>
      %broadcast_in_dim3A_51 = arith.constant 3 : i32
      %broadcast_in_dim3A_52 = vector.broadcast %broadcast_in_dim3A_51 : i32 to vector<16xi32>
      %gather3A_53 = tpu.vector_load_idx %arg6[%add3A_33, %broadcast_in_dim3A_52] : memref<256x8xf32, #tpu.memory_space<vmem>>[vector<16xi32>, vector<16xi32>], vector<16xf32>,
      %gt3A_54 = arith.cmpf ogt, %gather3A_53, %select_n3A_47 : vector<16xf32>
      %select_n3A_55 = arith.select %gt3A_54, %gather3A_53, %select_n3A_47 : vector<16xi1>, vector<16xf32>
      %broadcast_in_dim3A_56 = arith.constant 3 : i32
      %broadcast_in_dim3A_57 = vector.broadcast %broadcast_in_dim3A_56 : i32 to vector<16xi32>
      %select_n3A_58 = arith.select %gt3A_54, %broadcast_in_dim3A_57, %select_n3A_50 : vector<16xi1>, vector<16xi32>
      %broadcast_in_dim3A_59 = arith.constant 4 : i32
      %broadcast_in_dim3A_60 = vector.broadcast %broadcast_in_dim3A_59 : i32 to vector<16xi32>
      %gather3A_61 = tpu.vector_load_idx %arg6[%add3A_33, %broadcast_in_dim3A_60] : memref<256x8xf32, #tpu.memory_space<vmem>>[vector<16xi32>, vector<16xi32>], vector<16xf32>,
      %gt3A_62 = arith.cmpf ogt, %gather3A_61, %select_n3A_55 : vector<16xf32>
      %select_n3A_63 = arith.select %gt3A_62, %gather3A_61, %select_n3A_55 : vector<16xi1>, vector<16xf32>
      %broadcast_in_dim3A_64 = arith.constant 4 : i32
      %broadcast_in_dim3A_65 = vector.broadcast %broadcast_in_dim3A_64 : i32 to vector<16xi32>
      %select_n3A_66 = arith.select %gt3A_62, %broadcast_in_dim3A_65, %select_n3A_58 : vector<16xi1>, vector<16xi32>
      %broadcast_in_dim3A_67 = arith.constant 5 : i32
      %broadcast_in_dim3A_68 = vector.broadcast %broadcast_in_dim3A_67 : i32 to vector<16xi32>
      %gather3A_69 = tpu.vector_load_idx %arg6[%add3A_33, %broadcast_in_dim3A_68] : memref<256x8xf32, #tpu.memory_space<vmem>>[vector<16xi32>, vector<16xi32>], vector<16xf32>,
      %gt3A_70 = arith.cmpf ogt, %gather3A_69, %select_n3A_63 : vector<16xf32>
      %select_n3A_71 = arith.select %gt3A_70, %gather3A_69, %select_n3A_63 : vector<16xi1>, vector<16xf32>
      %broadcast_in_dim3A_72 = arith.constant 5 : i32
      %broadcast_in_dim3A_73 = vector.broadcast %broadcast_in_dim3A_72 : i32 to vector<16xi32>
      %select_n3A_74 = arith.select %gt3A_70, %broadcast_in_dim3A_73, %select_n3A_66 : vector<16xi1>, vector<16xi32>
      %broadcast_in_dim3A_75 = arith.constant 6 : i32
      %broadcast_in_dim3A_76 = vector.broadcast %broadcast_in_dim3A_75 : i32 to vector<16xi32>
      %gather3A_77 = tpu.vector_load_idx %arg6[%add3A_33, %broadcast_in_dim3A_76] : memref<256x8xf32, #tpu.memory_space<vmem>>[vector<16xi32>, vector<16xi32>], vector<16xf32>,
      %gt3A_78 = arith.cmpf ogt, %gather3A_77, %select_n3A_71 : vector<16xf32>
      %select_n3A_79 = arith.select %gt3A_78, %gather3A_77, %select_n3A_71 : vector<16xi1>, vector<16xf32>
      %broadcast_in_dim3A_80 = arith.constant 6 : i32
      %broadcast_in_dim3A_81 = vector.broadcast %broadcast_in_dim3A_80 : i32 to vector<16xi32>
      %select_n3A_82 = arith.select %gt3A_78, %broadcast_in_dim3A_81, %select_n3A_74 : vector<16xi1>, vector<16xi32>
      %broadcast_in_dim3A_83 = arith.constant 7 : i32
      %broadcast_in_dim3A_84 = vector.broadcast %broadcast_in_dim3A_83 : i32 to vector<16xi32>
      %gather3A_85 = tpu.vector_load_idx %arg6[%add3A_33, %broadcast_in_dim3A_84] : memref<256x8xf32, #tpu.memory_space<vmem>>[vector<16xi32>, vector<16xi32>], vector<16xf32>,
      %gt3A_86 = arith.cmpf ogt, %gather3A_85, %select_n3A_79 : vector<16xf32>
      %select_n3A_87 = arith.select %gt3A_86, %gather3A_85, %select_n3A_79 : vector<16xi1>, vector<16xf32>
      %broadcast_in_dim3A_88 = arith.constant 7 : i32
      %broadcast_in_dim3A_89 = vector.broadcast %broadcast_in_dim3A_88 : i32 to vector<16xi32>
      %select_n3A_90 = arith.select %gt3A_86, %broadcast_in_dim3A_89, %select_n3A_82 : vector<16xi1>, vector<16xi32>
      %shift_left3A = arith.shli %select_n3A_90, %mul3A_7 : vector<16xi32>
      %lt3A = arith.constant 8 : i32
      %lt3A_91 = vector.broadcast %lt3A : i32 to vector<16xi32>
      %lt3A_92 = arith.cmpi slt, %iota3A, %lt3A_91 : vector<16xi32>
      %jit3A = arith.constant 0 : i32
      %broadcast_in_dim3A_93 = vector.broadcast %jit3A : i32 to vector<16xi32>
      %select_n3A_94 = arith.select %lt3A_92, %shift_left3A, %broadcast_in_dim3A_93 : vector<16xi1>, vector<16xi32>
      %reduce_sum3A = arith.constant true
      %reduce_sum3A_95 = vector.broadcast %reduce_sum3A : i1 to vector<16xi1>
      %reduce_sum3A_96 = tpu.scan <sum>, %select_n3A_94 masked %reduce_sum3A_95 : vector<16xi32>, vector<16xi1> -> vector<16xi32>
      %reduce_sum3A_97 = vector.extract %reduce_sum3A_96[15] : i32 from vector<16xi32>
      %ge3A = arith.constant 8 : i32
      %ge3A_98 = vector.broadcast %ge3A : i32 to vector<16xi32>
      %ge3A_99 = arith.cmpi sge, %iota3A, %ge3A_98 : vector<16xi32>
      %jit3A_100 = arith.constant 0 : i32
      %broadcast_in_dim3A_101 = vector.broadcast %jit3A_100 : i32 to vector<16xi32>
      %select_n3A_102 = arith.select %ge3A_99, %shift_left3A, %broadcast_in_dim3A_101 : vector<16xi1>, vector<16xi32>
      %reduce_sum3A_103 = arith.constant true
      %reduce_sum3A_104 = vector.broadcast %reduce_sum3A_103 : i1 to vector<16xi1>
      %reduce_sum3A_105 = tpu.scan <sum>, %select_n3A_102 masked %reduce_sum3A_104 : vector<16xi32>, vector<16xi1> -> vector<16xi32>
      %reduce_sum3A_106 = vector.extract %reduce_sum3A_105[15] : i32 from vector<16xi32>
      %eq3A = arith.constant 0 : i32
      %eq3A_107 = arith.cmpi eq, %add3A_27, %eq3A : i32
      %convert_element_type3A = arith.extui %eq3A_107 : i1 to i32
      %cond3A = arith.constant 0 : i32
      %cond3A_108 = arith.cmpi ne, %convert_element_type3A, %cond3A : i32
      scf.if %cond3A_108 {
        tpu.wait_dma2 semaphore(%arg8 : memref<!tpu.dma_semaphore, #tpu.memory_space<semaphore_mem>>) src(%arg2 : memref<8x1024xf32, #tpu.memory_space<hbm>>) dst(%arg5 : memref<8x1024xf32, #tpu.memory_space<vmem>>)
      } else {
      }
      %shift_right_arithmetic3A = arith.constant 0 : i32
      %shift_right_arithmetic3A_109 = arith.shrsi %reduce_sum3A_97, %shift_right_arithmetic3A : i32
      %and3A_110 = arith.constant 7 : i32
      %and3A_111 = arith.andi %shift_right_arithmetic3A_109, %and3A_110 : i32
      %mul3A_112 = arith.constant 32 : i32
      %mul3A_113 = arith.muli %add3A_27, %mul3A_112 : i32
      %add3A_114 = arith.addi %mul3A_2, %mul3A_113 : i32
      %add3A_115 = arith.constant 0 : i32
      %add3A_116 = arith.addi %add3A_114, %add3A_115 : i32
      %add3A_117 = arith.constant 0 : i32
      %add3A_118 = arith.addi %add3A_116, %add3A_117 : i32
      %dma_start3A = arith.constant 0 : i32
      %dma_start3A_119 = tpu.memref_slice %arg5[%and3A_111, %dma_start3A] : memref<8x1024xf32, #tpu.memory_space<vmem>> -> memref<1x1024xf32, #tpu.memory_space<vmem>>
      %dma_start3A_120 = tpu.memref_squeeze %dma_start3A_119 : memref<1x1024xf32, #tpu.memory_space<vmem>> -> memref<1024xf32, #tpu.memory_space<vmem>>
      %dma_start3A_121 = arith.constant 0 : i32
      %dma_start3A_122 = tpu.memref_slice %arg4[%add3A_118, %dma_start3A_121] : memref<8192x1024xf32, #tpu.memory_space<hbm>> -> memref<1x1024xf32, #tpu.memory_space<hbm>>
      %dma_start3A_123 = tpu.memref_squeeze %dma_start3A_122 : memref<1x1024xf32, #tpu.memory_space<hbm>> -> memref<1024xf32, #tpu.memory_space<hbm>>
      %dma_start3A_124 = arith.constant 0 : i32
      %dma_start3A_125 = tpu.memref_slice %arg4[%add3A_118, %dma_start3A_124] : memref<8192x1024xf32, #tpu.memory_space<hbm>> -> memref<1x1024xf32, #tpu.memory_space<hbm>>
      %dma_start3A_126 = tpu.memref_squeeze %dma_start3A_125 : memref<1x1024xf32, #tpu.memory_space<hbm>> -> memref<1024xf32, #tpu.memory_space<hbm>>
      %dma_start3A_127 = arith.constant 0 : i32
      %dma_start3A_128 = tpu.memref_slice %arg5[%and3A_111, %dma_start3A_127] : memref<8x1024xf32, #tpu.memory_space<vmem>> -> memref<1x1024xf32, #tpu.memory_space<vmem>>
      %dma_start3A_129 = tpu.memref_squeeze %dma_start3A_128 : memref<1x1024xf32, #tpu.memory_space<vmem>> -> memref<1024xf32, #tpu.memory_space<vmem>>
      tpu.enqueue_dma source(%dma_start3A_129 : memref<1024xf32, #tpu.memory_space<vmem>>) target(%dma_start3A_126 : memref<1024xf32, #tpu.memory_space<hbm>>) target_semaphore(%arg9 : memref<!tpu.dma_semaphore, #tpu.memory_space<semaphore_mem>>)
      %shift_right_arithmetic3A_130 = arith.constant 4 : i32
      %shift_right_arithmetic3A_131 = arith.shrsi %reduce_sum3A_97, %shift_right_arithmetic3A_130 : i32
      %and3A_132 = arith.constant 7 : i32
      %and3A_133 = arith.andi %shift_right_arithmetic3A_131, %and3A_132 : i32
      %mul3A_134 = arith.constant 32 : i32
      %mul3A_135 = arith.muli %add3A_27, %mul3A_134 : i32
      %add3A_136 = arith.addi %mul3A_2, %mul3A_135 : i32
      %add3A_137 = arith.constant 0 : i32
      %add3A_138 = arith.addi %add3A_136, %add3A_137 : i32
      %add3A_139 = arith.constant 1 : i32
      %add3A_140 = arith.addi %add3A_138, %add3A_139 : i32
      %dma_start3A_141 = arith.constant 0 : i32
      %dma_start3A_142 = tpu.memref_slice %arg5[%and3A_133, %dma_start3A_141] : memref<8x1024xf32, #tpu.memory_space<vmem>> -> memref<1x1024xf32, #tpu.memory_space<vmem>>
      %dma_start3A_143 = tpu.memref_squeeze %dma_start3A_142 : memref<1x1024xf32, #tpu.memory_space<vmem>> -> memref<1024xf32, #tpu.memory_space<vmem>>
      %dma_start3A_144 = arith.constant 0 : i32
      %dma_start3A_145 = tpu.memref_slice %arg4[%add3A_140, %dma_start3A_144] : memref<8192x1024xf32, #tpu.memory_space<hbm>> -> memref<1x1024xf32, #tpu.memory_space<hbm>>
      %dma_start3A_146 = tpu.memref_squeeze %dma_start3A_145 : memref<1x1024xf32, #tpu.memory_space<hbm>> -> memref<1024xf32, #tpu.memory_space<hbm>>
      %dma_start3A_147 = arith.constant 0 : i32
      %dma_start3A_148 = tpu.memref_slice %arg4[%add3A_140, %dma_start3A_147] : memref<8192x1024xf32, #tpu.memory_space<hbm>> -> memref<1x1024xf32, #tpu.memory_space<hbm>>
      %dma_start3A_149 = tpu.memref_squeeze %dma_start3A_148 : memref<1x1024xf32, #tpu.memory_space<hbm>> -> memref<1024xf32, #tpu.memory_space<hbm>>
      %dma_start3A_150 = arith.constant 0 : i32
      %dma_start3A_151 = tpu.memref_slice %arg5[%and3A_133, %dma_start3A_150] : memref<8x1024xf32, #tpu.memory_space<vmem>> -> memref<1x1024xf32, #tpu.memory_space<vmem>>
      %dma_start3A_152 = tpu.memref_squeeze %dma_start3A_151 : memref<1x1024xf32, #tpu.memory_space<vmem>> -> memref<1024xf32, #tpu.memory_space<vmem>>
      tpu.enqueue_dma source(%dma_start3A_152 : memref<1024xf32, #tpu.memory_space<vmem>>) target(%dma_start3A_149 : memref<1024xf32, #tpu.memory_space<hbm>>) target_semaphore(%arg9 : memref<!tpu.dma_semaphore, #tpu.memory_space<semaphore_mem>>)
      %shift_right_arithmetic3A_153 = arith.constant 8 : i32
      %shift_right_arithmetic3A_154 = arith.shrsi %reduce_sum3A_97, %shift_right_arithmetic3A_153 : i32
      %and3A_155 = arith.constant 7 : i32
      %and3A_156 = arith.andi %shift_right_arithmetic3A_154, %and3A_155 : i32
      %mul3A_157 = arith.constant 32 : i32
      %mul3A_158 = arith.muli %add3A_27, %mul3A_157 : i32
      %add3A_159 = arith.addi %mul3A_2, %mul3A_158 : i32
      %add3A_160 = arith.constant 0 : i32
      %add3A_161 = arith.addi %add3A_159, %add3A_160 : i32
      %add3A_162 = arith.constant 2 : i32
      %add3A_163 = arith.addi %add3A_161, %add3A_162 : i32
      %dma_start3A_164 = arith.constant 0 : i32
      %dma_start3A_165 = tpu.memref_slice %arg5[%and3A_156, %dma_start3A_164] : memref<8x1024xf32, #tpu.memory_space<vmem>> -> memref<1x1024xf32, #tpu.memory_space<vmem>>
      %dma_start3A_166 = tpu.memref_squeeze %dma_start3A_165 : memref<1x1024xf32, #tpu.memory_space<vmem>> -> memref<1024xf32, #tpu.memory_space<vmem>>
      %dma_start3A_167 = arith.constant 0 : i32
      %dma_start3A_168 = tpu.memref_slice %arg4[%add3A_163, %dma_start3A_167] : memref<8192x1024xf32, #tpu.memory_space<hbm>> -> memref<1x1024xf32, #tpu.memory_space<hbm>>
      %dma_start3A_169 = tpu.memref_squeeze %dma_start3A_168 : memref<1x1024xf32, #tpu.memory_space<hbm>> -> memref<1024xf32, #tpu.memory_space<hbm>>
      %dma_start3A_170 = arith.constant 0 : i32
      %dma_start3A_171 = tpu.memref_slice %arg4[%add3A_163, %dma_start3A_170] : memref<8192x1024xf32, #tpu.memory_space<hbm>> -> memref<1x1024xf32, #tpu.memory_space<hbm>>
      %dma_start3A_172 = tpu.memref_squeeze %dma_start3A_171 : memref<1x1024xf32, #tpu.memory_space<hbm>> -> memref<1024xf32, #tpu.memory_space<hbm>>
      %dma_start3A_173 = arith.constant 0 : i32
      %dma_start3A_174 = tpu.memref_slice %arg5[%and3A_156, %dma_start3A_173] : memref<8x1024xf32, #tpu.memory_space<vmem>> -> memref<1x1024xf32, #tpu.memory_space<vmem>>
      %dma_start3A_175 = tpu.memref_squeeze %dma_start3A_174 : memref<1x1024xf32, #tpu.memory_space<vmem>> -> memref<1024xf32, #tpu.memory_space<vmem>>
      tpu.enqueue_dma source(%dma_start3A_175 : memref<1024xf32, #tpu.memory_space<vmem>>) target(%dma_start3A_172 : memref<1024xf32, #tpu.memory_space<hbm>>) target_semaphore(%arg9 : memref<!tpu.dma_semaphore, #tpu.memory_space<semaphore_mem>>)
      %shift_right_arithmetic3A_176 = arith.constant 12 : i32
      %shift_right_arithmetic3A_177 = arith.shrsi %reduce_sum3A_97, %shift_right_arithmetic3A_176 : i32
      %and3A_178 = arith.constant 7 : i32
      %and3A_179 = arith.andi %shift_right_arithmetic3A_177, %and3A_178 : i32
      %mul3A_180 = arith.constant 32 : i32
      %mul3A_181 = arith.muli %add3A_27, %mul3A_180 : i32
      %add3A_182 = arith.addi %mul3A_2, %mul3A_181 : i32
      %add3A_183 = arith.constant 0 : i32
      %add3A_184 = arith.addi %add3A_182, %add3A_183 : i32
      %add3A_185 = arith.constant 3 : i32
      %add3A_186 = arith.addi %add3A_184, %add3A_185 : i32
      %dma_start3A_187 = arith.constant 0 : i32
      %dma_start3A_188 = tpu.memref_slice %arg5[%and3A_179, %dma_start3A_187] : memref<8x1024xf32, #tpu.memory_space<vmem>> -> memref<1x1024xf32, #tpu.memory_space<vmem>>
      %dma_start3A_189 = tpu.memref_squeeze %dma_start3A_188 : memref<1x1024xf32, #tpu.memory_space<vmem>> -> memref<1024xf32, #tpu.memory_space<vmem>>
      %dma_start3A_190 = arith.constant 0 : i32
      %dma_start3A_191 = tpu.memref_slice %arg4[%add3A_186, %dma_start3A_190] : memref<8192x1024xf32, #tpu.memory_space<hbm>> -> memref<1x1024xf32, #tpu.memory_space<hbm>>
      %dma_start3A_192 = tpu.memref_squeeze %dma_start3A_191 : memref<1x1024xf32, #tpu.memory_space<hbm>> -> memref<1024xf32, #tpu.memory_space<hbm>>
      %dma_start3A_193 = arith.constant 0 : i32
      %dma_start3A_194 = tpu.memref_slice %arg4[%add3A_186, %dma_start3A_193] : memref<8192x1024xf32, #tpu.memory_space<hbm>> -> memref<1x1024xf32, #tpu.memory_space<hbm>>
      %dma_start3A_195 = tpu.memref_squeeze %dma_start3A_194 : memref<1x1024xf32, #tpu.memory_space<hbm>> -> memref<1024xf32, #tpu.memory_space<hbm>>
      %dma_start3A_196 = arith.constant 0 : i32
      %dma_start3A_197 = tpu.memref_slice %arg5[%and3A_179, %dma_start3A_196] : memref<8x1024xf32, #tpu.memory_space<vmem>> -> memref<1x1024xf32, #tpu.memory_space<vmem>>
      %dma_start3A_198 = tpu.memref_squeeze %dma_start3A_197 : memref<1x1024xf32, #tpu.memory_space<vmem>> -> memref<1024xf32, #tpu.memory_space<vmem>>
      tpu.enqueue_dma source(%dma_start3A_198 : memref<1024xf32, #tpu.memory_space<vmem>>) target(%dma_start3A_195 : memref<1024xf32, #tpu.memory_space<hbm>>) target_semaphore(%arg9 : memref<!tpu.dma_semaphore, #tpu.memory_space<semaphore_mem>>)
      %shift_right_arithmetic3A_199 = arith.constant 16 : i32
      %shift_right_arithmetic3A_200 = arith.shrsi %reduce_sum3A_97, %shift_right_arithmetic3A_199 : i32
      %and3A_201 = arith.constant 7 : i32
      %and3A_202 = arith.andi %shift_right_arithmetic3A_200, %and3A_201 : i32
      %mul3A_203 = arith.constant 32 : i32
      %mul3A_204 = arith.muli %add3A_27, %mul3A_203 : i32
      %add3A_205 = arith.addi %mul3A_2, %mul3A_204 : i32
      %add3A_206 = arith.constant 0 : i32
      %add3A_207 = arith.addi %add3A_205, %add3A_206 : i32
      %add3A_208 = arith.constant 4 : i32
      %add3A_209 = arith.addi %add3A_207, %add3A_208 : i32
      %dma_start3A_210 = arith.constant 0 : i32
      %dma_start3A_211 = tpu.memref_slice %arg5[%and3A_202, %dma_start3A_210] : memref<8x1024xf32, #tpu.memory_space<vmem>> -> memref<1x1024xf32, #tpu.memory_space<vmem>>
      %dma_start3A_212 = tpu.memref_squeeze %dma_start3A_211 : memref<1x1024xf32, #tpu.memory_space<vmem>> -> memref<1024xf32, #tpu.memory_space<vmem>>
      %dma_start3A_213 = arith.constant 0 : i32
      %dma_start3A_214 = tpu.memref_slice %arg4[%add3A_209, %dma_start3A_213] : memref<8192x1024xf32, #tpu.memory_space<hbm>> -> memref<1x1024xf32, #tpu.memory_space<hbm>>
      %dma_start3A_215 = tpu.memref_squeeze %dma_start3A_214 : memref<1x1024xf32, #tpu.memory_space<hbm>> -> memref<1024xf32, #tpu.memory_space<hbm>>
      %dma_start3A_216 = arith.constant 0 : i32
      %dma_start3A_217 = tpu.memref_slice %arg4[%add3A_209, %dma_start3A_216] : memref<8192x1024xf32, #tpu.memory_space<hbm>> -> memref<1x1024xf32, #tpu.memory_space<hbm>>
      %dma_start3A_218 = tpu.memref_squeeze %dma_start3A_217 : memref<1x1024xf32, #tpu.memory_space<hbm>> -> memref<1024xf32, #tpu.memory_space<hbm>>
      %dma_start3A_219 = arith.constant 0 : i32
      %dma_start3A_220 = tpu.memref_slice %arg5[%and3A_202, %dma_start3A_219] : memref<8x1024xf32, #tpu.memory_space<vmem>> -> memref<1x1024xf32, #tpu.memory_space<vmem>>
      %dma_start3A_221 = tpu.memref_squeeze %dma_start3A_220 : memref<1x1024xf32, #tpu.memory_space<vmem>> -> memref<1024xf32, #tpu.memory_space<vmem>>
      tpu.enqueue_dma source(%dma_start3A_221 : memref<1024xf32, #tpu.memory_space<vmem>>) target(%dma_start3A_218 : memref<1024xf32, #tpu.memory_space<hbm>>) target_semaphore(%arg9 : memref<!tpu.dma_semaphore, #tpu.memory_space<semaphore_mem>>)
      %shift_right_arithmetic3A_222 = arith.constant 20 : i32
      %shift_right_arithmetic3A_223 = arith.shrsi %reduce_sum3A_97, %shift_right_arithmetic3A_222 : i32
      %and3A_224 = arith.constant 7 : i32
      %and3A_225 = arith.andi %shift_right_arithmetic3A_223, %and3A_224 : i32
      %mul3A_226 = arith.constant 32 : i32
      %mul3A_227 = arith.muli %add3A_27, %mul3A_226 : i32
      %add3A_228 = arith.addi %mul3A_2, %mul3A_227 : i32
      %add3A_229 = arith.constant 0 : i32
      %add3A_230 = arith.addi %add3A_228, %add3A_229 : i32
      %add3A_231 = arith.constant 5 : i32
      %add3A_232 = arith.addi %add3A_230, %add3A_231 : i32
      %dma_start3A_233 = arith.constant 0 : i32
      %dma_start3A_234 = tpu.memref_slice %arg5[%and3A_225, %dma_start3A_233] : memref<8x1024xf32, #tpu.memory_space<vmem>> -> memref<1x1024xf32, #tpu.memory_space<vmem>>
      %dma_start3A_235 = tpu.memref_squeeze %dma_start3A_234 : memref<1x1024xf32, #tpu.memory_space<vmem>> -> memref<1024xf32, #tpu.memory_space<vmem>>
      %dma_start3A_236 = arith.constant 0 : i32
      %dma_start3A_237 = tpu.memref_slice %arg4[%add3A_232, %dma_start3A_236] : memref<8192x1024xf32, #tpu.memory_space<hbm>> -> memref<1x1024xf32, #tpu.memory_space<hbm>>
      %dma_start3A_238 = tpu.memref_squeeze %dma_start3A_237 : memref<1x1024xf32, #tpu.memory_space<hbm>> -> memref<1024xf32, #tpu.memory_space<hbm>>
      %dma_start3A_239 = arith.constant 0 : i32
      %dma_start3A_240 = tpu.memref_slice %arg4[%add3A_232, %dma_start3A_239] : memref<8192x1024xf32, #tpu.memory_space<hbm>> -> memref<1x1024xf32, #tpu.memory_space<hbm>>
      %dma_start3A_241 = tpu.memref_squeeze %dma_start3A_240 : memref<1x1024xf32, #tpu.memory_space<hbm>> -> memref<1024xf32, #tpu.memory_space<hbm>>
      %dma_start3A_242 = arith.constant 0 : i32
      %dma_start3A_243 = tpu.memref_slice %arg5[%and3A_225, %dma_start3A_242] : memref<8x1024xf32, #tpu.memory_space<vmem>> -> memref<1x1024xf32, #tpu.memory_space<vmem>>
      %dma_start3A_244 = tpu.memref_squeeze %dma_start3A_243 : memref<1x1024xf32, #tpu.memory_space<vmem>> -> memref<1024xf32, #tpu.memory_space<vmem>>
      tpu.enqueue_dma source(%dma_start3A_244 : memref<1024xf32, #tpu.memory_space<vmem>>) target(%dma_start3A_241 : memref<1024xf32, #tpu.memory_space<hbm>>) target_semaphore(%arg9 : memref<!tpu.dma_semaphore, #tpu.memory_space<semaphore_mem>>)
      %shift_right_arithmetic3A_245 = arith.constant 24 : i32
      %shift_right_arithmetic3A_246 = arith.shrsi %reduce_sum3A_97, %shift_right_arithmetic3A_245 : i32
      %and3A_247 = arith.constant 7 : i32
      %and3A_248 = arith.andi %shift_right_arithmetic3A_246, %and3A_247 : i32
      %mul3A_249 = arith.constant 32 : i32
      %mul3A_250 = arith.muli %add3A_27, %mul3A_249 : i32
      %add3A_251 = arith.addi %mul3A_2, %mul3A_250 : i32
      %add3A_252 = arith.constant 0 : i32
      %add3A_253 = arith.addi %add3A_251, %add3A_252 : i32
      %add3A_254 = arith.constant 6 : i32
      %add3A_255 = arith.addi %add3A_253, %add3A_254 : i32
      %dma_start3A_256 = arith.constant 0 : i32
      %dma_start3A_257 = tpu.memref_slice %arg5[%and3A_248, %dma_start3A_256] : memref<8x1024xf32, #tpu.memory_space<vmem>> -> memref<1x1024xf32, #tpu.memory_space<vmem>>
      %dma_start3A_258 = tpu.memref_squeeze %dma_start3A_257 : memref<1x1024xf32, #tpu.memory_space<vmem>> -> memref<1024xf32, #tpu.memory_space<vmem>>
      %dma_start3A_259 = arith.constant 0 : i32
      %dma_start3A_260 = tpu.memref_slice %arg4[%add3A_255, %dma_start3A_259] : memref<8192x1024xf32, #tpu.memory_space<hbm>> -> memref<1x1024xf32, #tpu.memory_space<hbm>>
      %dma_start3A_261 = tpu.memref_squeeze %dma_start3A_260 : memref<1x1024xf32, #tpu.memory_space<hbm>> -> memref<1024xf32, #tpu.memory_space<hbm>>
      %dma_start3A_262 = arith.constant 0 : i32
      %dma_start3A_263 = tpu.memref_slice %arg4[%add3A_255, %dma_start3A_262] : memref<8192x1024xf32, #tpu.memory_space<hbm>> -> memref<1x1024xf32, #tpu.memory_space<hbm>>
      %dma_start3A_264 = tpu.memref_squeeze %dma_start3A_263 : memref<1x1024xf32, #tpu.memory_space<hbm>> -> memref<1024xf32, #tpu.memory_space<hbm>>
      %dma_start3A_265 = arith.constant 0 : i32
      %dma_start3A_266 = tpu.memref_slice %arg5[%and3A_248, %dma_start3A_265] : memref<8x1024xf32, #tpu.memory_space<vmem>> -> memref<1x1024xf32, #tpu.memory_space<vmem>>
      %dma_start3A_267 = tpu.memref_squeeze %dma_start3A_266 : memref<1x1024xf32, #tpu.memory_space<vmem>> -> memref<1024xf32, #tpu.memory_space<vmem>>
      tpu.enqueue_dma source(%dma_start3A_267 : memref<1024xf32, #tpu.memory_space<vmem>>) target(%dma_start3A_264 : memref<1024xf32, #tpu.memory_space<hbm>>) target_semaphore(%arg9 : memref<!tpu.dma_semaphore, #tpu.memory_space<semaphore_mem>>)
      %shift_right_arithmetic3A_268 = arith.constant 28 : i32
      %shift_right_arithmetic3A_269 = arith.shrsi %reduce_sum3A_97, %shift_right_arithmetic3A_268 : i32
      %and3A_270 = arith.constant 7 : i32
      %and3A_271 = arith.andi %shift_right_arithmetic3A_269, %and3A_270 : i32
      %mul3A_272 = arith.constant 32 : i32
      %mul3A_273 = arith.muli %add3A_27, %mul3A_272 : i32
      %add3A_274 = arith.addi %mul3A_2, %mul3A_273 : i32
      %add3A_275 = arith.constant 0 : i32
      %add3A_276 = arith.addi %add3A_274, %add3A_275 : i32
      %add3A_277 = arith.constant 7 : i32
      %add3A_278 = arith.addi %add3A_276, %add3A_277 : i32
      %dma_start3A_279 = arith.constant 0 : i32
      %dma_start3A_280 = tpu.memref_slice %arg5[%and3A_271, %dma_start3A_279] : memref<8x1024xf32, #tpu.memory_space<vmem>> -> memref<1x1024xf32, #tpu.memory_space<vmem>>
      %dma_start3A_281 = tpu.memref_squeeze %dma_start3A_280 : memref<1x1024xf32, #tpu.memory_space<vmem>> -> memref<1024xf32, #tpu.memory_space<vmem>>
      %dma_start3A_282 = arith.constant 0 : i32
      %dma_start3A_283 = tpu.memref_slice %arg4[%add3A_278, %dma_start3A_282] : memref<8192x1024xf32, #tpu.memory_space<hbm>> -> memref<1x1024xf32, #tpu.memory_space<hbm>>
      %dma_start3A_284 = tpu.memref_squeeze %dma_start3A_283 : memref<1x1024xf32, #tpu.memory_space<hbm>> -> memref<1024xf32, #tpu.memory_space<hbm>>
      %dma_start3A_285 = arith.constant 0 : i32
      %dma_start3A_286 = tpu.memref_slice %arg4[%add3A_278, %dma_start3A_285] : memref<8192x1024xf32, #tpu.memory_space<hbm>> -> memref<1x1024xf32, #tpu.memory_space<hbm>>
      %dma_start3A_287 = tpu.memref_squeeze %dma_start3A_286 : memref<1x1024xf32, #tpu.memory_space<hbm>> -> memref<1024xf32, #tpu.memory_space<hbm>>
      %dma_start3A_288 = arith.constant 0 : i32
      %dma_start3A_289 = tpu.memref_slice %arg5[%and3A_271, %dma_start3A_288] : memref<8x1024xf32, #tpu.memory_space<vmem>> -> memref<1x1024xf32, #tpu.memory_space<vmem>>
      %dma_start3A_290 = tpu.memref_squeeze %dma_start3A_289 : memref<1x1024xf32, #tpu.memory_space<vmem>> -> memref<1024xf32, #tpu.memory_space<vmem>>
      tpu.enqueue_dma source(%dma_start3A_290 : memref<1024xf32, #tpu.memory_space<vmem>>) target(%dma_start3A_287 : memref<1024xf32, #tpu.memory_space<hbm>>) target_semaphore(%arg9 : memref<!tpu.dma_semaphore, #tpu.memory_space<semaphore_mem>>)
      %shift_right_arithmetic3A_291 = arith.constant 0 : i32
      %shift_right_arithmetic3A_292 = arith.shrsi %reduce_sum3A_106, %shift_right_arithmetic3A_291 : i32
      %and3A_293 = arith.constant 7 : i32
      %and3A_294 = arith.andi %shift_right_arithmetic3A_292, %and3A_293 : i32
      %mul3A_295 = arith.constant 32 : i32
      %mul3A_296 = arith.muli %add3A_27, %mul3A_295 : i32
      %add3A_297 = arith.addi %mul3A_2, %mul3A_296 : i32
      %add3A_298 = arith.constant 0 : i32
      %add3A_299 = arith.addi %add3A_297, %add3A_298 : i32
      %add3A_300 = arith.constant 8 : i32
      %add3A_301 = arith.addi %add3A_299, %add3A_300 : i32
      %dma_start3A_302 = arith.constant 0 : i32
      %dma_start3A_303 = tpu.memref_slice %arg5[%and3A_294, %dma_start3A_302] : memref<8x1024xf32, #tpu.memory_space<vmem>> -> memref<1x1024xf32, #tpu.memory_space<vmem>>
      %dma_start3A_304 = tpu.memref_squeeze %dma_start3A_303 : memref<1x1024xf32, #tpu.memory_space<vmem>> -> memref<1024xf32, #tpu.memory_space<vmem>>
      %dma_start3A_305 = arith.constant 0 : i32
      %dma_start3A_306 = tpu.memref_slice %arg4[%add3A_301, %dma_start3A_305] : memref<8192x1024xf32, #tpu.memory_space<hbm>> -> memref<1x1024xf32, #tpu.memory_space<hbm>>
      %dma_start3A_307 = tpu.memref_squeeze %dma_start3A_306 : memref<1x1024xf32, #tpu.memory_space<hbm>> -> memref<1024xf32, #tpu.memory_space<hbm>>
      %dma_start3A_308 = arith.constant 0 : i32
      %dma_start3A_309 = tpu.memref_slice %arg4[%add3A_301, %dma_start3A_308] : memref<8192x1024xf32, #tpu.memory_space<hbm>> -> memref<1x1024xf32, #tpu.memory_space<hbm>>
      %dma_start3A_310 = tpu.memref_squeeze %dma_start3A_309 : memref<1x1024xf32, #tpu.memory_space<hbm>> -> memref<1024xf32, #tpu.memory_space<hbm>>
      %dma_start3A_311 = arith.constant 0 : i32
      %dma_start3A_312 = tpu.memref_slice %arg5[%and3A_294, %dma_start3A_311] : memref<8x1024xf32, #tpu.memory_space<vmem>> -> memref<1x1024xf32, #tpu.memory_space<vmem>>
      %dma_start3A_313 = tpu.memref_squeeze %dma_start3A_312 : memref<1x1024xf32, #tpu.memory_space<vmem>> -> memref<1024xf32, #tpu.memory_space<vmem>>
      tpu.enqueue_dma source(%dma_start3A_313 : memref<1024xf32, #tpu.memory_space<vmem>>) target(%dma_start3A_310 : memref<1024xf32, #tpu.memory_space<hbm>>) target_semaphore(%arg9 : memref<!tpu.dma_semaphore, #tpu.memory_space<semaphore_mem>>)
      %shift_right_arithmetic3A_314 = arith.constant 4 : i32
      %shift_right_arithmetic3A_315 = arith.shrsi %reduce_sum3A_106, %shift_right_arithmetic3A_314 : i32
      %and3A_316 = arith.constant 7 : i32
      %and3A_317 = arith.andi %shift_right_arithmetic3A_315, %and3A_316 : i32
      %mul3A_318 = arith.constant 32 : i32
      %mul3A_319 = arith.muli %add3A_27, %mul3A_318 : i32
      %add3A_320 = arith.addi %mul3A_2, %mul3A_319 : i32
      %add3A_321 = arith.constant 0 : i32
      %add3A_322 = arith.addi %add3A_320, %add3A_321 : i32
      %add3A_323 = arith.constant 9 : i32
      %add3A_324 = arith.addi %add3A_322, %add3A_323 : i32
      %dma_start3A_325 = arith.constant 0 : i32
      %dma_start3A_326 = tpu.memref_slice %arg5[%and3A_317, %dma_start3A_325] : memref<8x1024xf32, #tpu.memory_space<vmem>> -> memref<1x1024xf32, #tpu.memory_space<vmem>>
      %dma_start3A_327 = tpu.memref_squeeze %dma_start3A_326 : memref<1x1024xf32, #tpu.memory_space<vmem>> -> memref<1024xf32, #tpu.memory_space<vmem>>
      %dma_start3A_328 = arith.constant 0 : i32
      %dma_start3A_329 = tpu.memref_slice %arg4[%add3A_324, %dma_start3A_328] : memref<8192x1024xf32, #tpu.memory_space<hbm>> -> memref<1x1024xf32, #tpu.memory_space<hbm>>
      %dma_start3A_330 = tpu.memref_squeeze %dma_start3A_329 : memref<1x1024xf32, #tpu.memory_space<hbm>> -> memref<1024xf32, #tpu.memory_space<hbm>>
      %dma_start3A_331 = arith.constant 0 : i32
      %dma_start3A_332 = tpu.memref_slice %arg4[%add3A_324, %dma_start3A_331] : memref<8192x1024xf32, #tpu.memory_space<hbm>> -> memref<1x1024xf32, #tpu.memory_space<hbm>>
      %dma_start3A_333 = tpu.memref_squeeze %dma_start3A_332 : memref<1x1024xf32, #tpu.memory_space<hbm>> -> memref<1024xf32, #tpu.memory_space<hbm>>
      %dma_start3A_334 = arith.constant 0 : i32
      %dma_start3A_335 = tpu.memref_slice %arg5[%and3A_317, %dma_start3A_334] : memref<8x1024xf32, #tpu.memory_space<vmem>> -> memref<1x1024xf32, #tpu.memory_space<vmem>>
      %dma_start3A_336 = tpu.memref_squeeze %dma_start3A_335 : memref<1x1024xf32, #tpu.memory_space<vmem>> -> memref<1024xf32, #tpu.memory_space<vmem>>
      tpu.enqueue_dma source(%dma_start3A_336 : memref<1024xf32, #tpu.memory_space<vmem>>) target(%dma_start3A_333 : memref<1024xf32, #tpu.memory_space<hbm>>) target_semaphore(%arg9 : memref<!tpu.dma_semaphore, #tpu.memory_space<semaphore_mem>>)
      %shift_right_arithmetic3A_337 = arith.constant 8 : i32
      %shift_right_arithmetic3A_338 = arith.shrsi %reduce_sum3A_106, %shift_right_arithmetic3A_337 : i32
      %and3A_339 = arith.constant 7 : i32
      %and3A_340 = arith.andi %shift_right_arithmetic3A_338, %and3A_339 : i32
      %mul3A_341 = arith.constant 32 : i32
      %mul3A_342 = arith.muli %add3A_27, %mul3A_341 : i32
      %add3A_343 = arith.addi %mul3A_2, %mul3A_342 : i32
      %add3A_344 = arith.constant 0 : i32
      %add3A_345 = arith.addi %add3A_343, %add3A_344 : i32
      %add3A_346 = arith.constant 10 : i32
      %add3A_347 = arith.addi %add3A_345, %add3A_346 : i32
      %dma_start3A_348 = arith.constant 0 : i32
      %dma_start3A_349 = tpu.memref_slice %arg5[%and3A_340, %dma_start3A_348] : memref<8x1024xf32, #tpu.memory_space<vmem>> -> memref<1x1024xf32, #tpu.memory_space<vmem>>
      %dma_start3A_350 = tpu.memref_squeeze %dma_start3A_349 : memref<1x1024xf32, #tpu.memory_space<vmem>> -> memref<1024xf32, #tpu.memory_space<vmem>>
      %dma_start3A_351 = arith.constant 0 : i32
      %dma_start3A_352 = tpu.memref_slice %arg4[%add3A_347, %dma_start3A_351] : memref<8192x1024xf32, #tpu.memory_space<hbm>> -> memref<1x1024xf32, #tpu.memory_space<hbm>>
      %dma_start3A_353 = tpu.memref_squeeze %dma_start3A_352 : memref<1x1024xf32, #tpu.memory_space<hbm>> -> memref<1024xf32, #tpu.memory_space<hbm>>
      %dma_start3A_354 = arith.constant 0 : i32
      %dma_start3A_355 = tpu.memref_slice %arg4[%add3A_347, %dma_start3A_354] : memref<8192x1024xf32, #tpu.memory_space<hbm>> -> memref<1x1024xf32, #tpu.memory_space<hbm>>
      %dma_start3A_356 = tpu.memref_squeeze %dma_start3A_355 : memref<1x1024xf32, #tpu.memory_space<hbm>> -> memref<1024xf32, #tpu.memory_space<hbm>>
      %dma_start3A_357 = arith.constant 0 : i32
      %dma_start3A_358 = tpu.memref_slice %arg5[%and3A_340, %dma_start3A_357] : memref<8x1024xf32, #tpu.memory_space<vmem>> -> memref<1x1024xf32, #tpu.memory_space<vmem>>
      %dma_start3A_359 = tpu.memref_squeeze %dma_start3A_358 : memref<1x1024xf32, #tpu.memory_space<vmem>> -> memref<1024xf32, #tpu.memory_space<vmem>>
      tpu.enqueue_dma source(%dma_start3A_359 : memref<1024xf32, #tpu.memory_space<vmem>>) target(%dma_start3A_356 : memref<1024xf32, #tpu.memory_space<hbm>>) target_semaphore(%arg9 : memref<!tpu.dma_semaphore, #tpu.memory_space<semaphore_mem>>)
      %shift_right_arithmetic3A_360 = arith.constant 12 : i32
      %shift_right_arithmetic3A_361 = arith.shrsi %reduce_sum3A_106, %shift_right_arithmetic3A_360 : i32
      %and3A_362 = arith.constant 7 : i32
      %and3A_363 = arith.andi %shift_right_arithmetic3A_361, %and3A_362 : i32
      %mul3A_364 = arith.constant 32 : i32
      %mul3A_365 = arith.muli %add3A_27, %mul3A_364 : i32
      %add3A_366 = arith.addi %mul3A_2, %mul3A_365 : i32
      %add3A_367 = arith.constant 0 : i32
      %add3A_368 = arith.addi %add3A_366, %add3A_367 : i32
      %add3A_369 = arith.constant 11 : i32
      %add3A_370 = arith.addi %add3A_368, %add3A_369 : i32
      %dma_start3A_371 = arith.constant 0 : i32
      %dma_start3A_372 = tpu.memref_slice %arg5[%and3A_363, %dma_start3A_371] : memref<8x1024xf32, #tpu.memory_space<vmem>> -> memref<1x1024xf32, #tpu.memory_space<vmem>>
      %dma_start3A_373 = tpu.memref_squeeze %dma_start3A_372 : memref<1x1024xf32, #tpu.memory_space<vmem>> -> memref<1024xf32, #tpu.memory_space<vmem>>
      %dma_start3A_374 = arith.constant 0 : i32
      %dma_start3A_375 = tpu.memref_slice %arg4[%add3A_370, %dma_start3A_374] : memref<8192x1024xf32, #tpu.memory_space<hbm>> -> memref<1x1024xf32, #tpu.memory_space<hbm>>
      %dma_start3A_376 = tpu.memref_squeeze %dma_start3A_375 : memref<1x1024xf32, #tpu.memory_space<hbm>> -> memref<1024xf32, #tpu.memory_space<hbm>>
      %dma_start3A_377 = arith.constant 0 : i32
      %dma_start3A_378 = tpu.memref_slice %arg4[%add3A_370, %dma_start3A_377] : memref<8192x1024xf32, #tpu.memory_space<hbm>> -> memref<1x1024xf32, #tpu.memory_space<hbm>>
      %dma_start3A_379 = tpu.memref_squeeze %dma_start3A_378 : memref<1x1024xf32, #tpu.memory_space<hbm>> -> memref<1024xf32, #tpu.memory_space<hbm>>
      %dma_start3A_380 = arith.constant 0 : i32
      %dma_start3A_381 = tpu.memref_slice %arg5[%and3A_363, %dma_start3A_380] : memref<8x1024xf32, #tpu.memory_space<vmem>> -> memref<1x1024xf32, #tpu.memory_space<vmem>>
      %dma_start3A_382 = tpu.memref_squeeze %dma_start3A_381 : memref<1x1024xf32, #tpu.memory_space<vmem>> -> memref<1024xf32, #tpu.memory_space<vmem>>
      tpu.enqueue_dma source(%dma_start3A_382 : memref<1024xf32, #tpu.memory_space<vmem>>) target(%dma_start3A_379 : memref<1024xf32, #tpu.memory_space<hbm>>) target_semaphore(%arg9 : memref<!tpu.dma_semaphore, #tpu.memory_space<semaphore_mem>>)
      %shift_right_arithmetic3A_383 = arith.constant 16 : i32
      %shift_right_arithmetic3A_384 = arith.shrsi %reduce_sum3A_106, %shift_right_arithmetic3A_383 : i32
      %and3A_385 = arith.constant 7 : i32
      %and3A_386 = arith.andi %shift_right_arithmetic3A_384, %and3A_385 : i32
      %mul3A_387 = arith.constant 32 : i32
      %mul3A_388 = arith.muli %add3A_27, %mul3A_387 : i32
      %add3A_389 = arith.addi %mul3A_2, %mul3A_388 : i32
      %add3A_390 = arith.constant 0 : i32
      %add3A_391 = arith.addi %add3A_389, %add3A_390 : i32
      %add3A_392 = arith.constant 12 : i32
      %add3A_393 = arith.addi %add3A_391, %add3A_392 : i32
      %dma_start3A_394 = arith.constant 0 : i32
      %dma_start3A_395 = tpu.memref_slice %arg5[%and3A_386, %dma_start3A_394] : memref<8x1024xf32, #tpu.memory_space<vmem>> -> memref<1x1024xf32, #tpu.memory_space<vmem>>
      %dma_start3A_396 = tpu.memref_squeeze %dma_start3A_395 : memref<1x1024xf32, #tpu.memory_space<vmem>> -> memref<1024xf32, #tpu.memory_space<vmem>>
      %dma_start3A_397 = arith.constant 0 : i32
      %dma_start3A_398 = tpu.memref_slice %arg4[%add3A_393, %dma_start3A_397] : memref<8192x1024xf32, #tpu.memory_space<hbm>> -> memref<1x1024xf32, #tpu.memory_space<hbm>>
      %dma_start3A_399 = tpu.memref_squeeze %dma_start3A_398 : memref<1x1024xf32, #tpu.memory_space<hbm>> -> memref<1024xf32, #tpu.memory_space<hbm>>
      %dma_start3A_400 = arith.constant 0 : i32
      %dma_start3A_401 = tpu.memref_slice %arg4[%add3A_393, %dma_start3A_400] : memref<8192x1024xf32, #tpu.memory_space<hbm>> -> memref<1x1024xf32, #tpu.memory_space<hbm>>
      %dma_start3A_402 = tpu.memref_squeeze %dma_start3A_401 : memref<1x1024xf32, #tpu.memory_space<hbm>> -> memref<1024xf32, #tpu.memory_space<hbm>>
      %dma_start3A_403 = arith.constant 0 : i32
      %dma_start3A_404 = tpu.memref_slice %arg5[%and3A_386, %dma_start3A_403] : memref<8x1024xf32, #tpu.memory_space<vmem>> -> memref<1x1024xf32, #tpu.memory_space<vmem>>
      %dma_start3A_405 = tpu.memref_squeeze %dma_start3A_404 : memref<1x1024xf32, #tpu.memory_space<vmem>> -> memref<1024xf32, #tpu.memory_space<vmem>>
      tpu.enqueue_dma source(%dma_start3A_405 : memref<1024xf32, #tpu.memory_space<vmem>>) target(%dma_start3A_402 : memref<1024xf32, #tpu.memory_space<hbm>>) target_semaphore(%arg9 : memref<!tpu.dma_semaphore, #tpu.memory_space<semaphore_mem>>)
      %shift_right_arithmetic3A_406 = arith.constant 20 : i32
      %shift_right_arithmetic3A_407 = arith.shrsi %reduce_sum3A_106, %shift_right_arithmetic3A_406 : i32
      %and3A_408 = arith.constant 7 : i32
      %and3A_409 = arith.andi %shift_right_arithmetic3A_407, %and3A_408 : i32
      %mul3A_410 = arith.constant 32 : i32
      %mul3A_411 = arith.muli %add3A_27, %mul3A_410 : i32
      %add3A_412 = arith.addi %mul3A_2, %mul3A_411 : i32
      %add3A_413 = arith.constant 0 : i32
      %add3A_414 = arith.addi %add3A_412, %add3A_413 : i32
      %add3A_415 = arith.constant 13 : i32
      %add3A_416 = arith.addi %add3A_414, %add3A_415 : i32
      %dma_start3A_417 = arith.constant 0 : i32
      %dma_start3A_418 = tpu.memref_slice %arg5[%and3A_409, %dma_start3A_417] : memref<8x1024xf32, #tpu.memory_space<vmem>> -> memref<1x1024xf32, #tpu.memory_space<vmem>>
      %dma_start3A_419 = tpu.memref_squeeze %dma_start3A_418 : memref<1x1024xf32, #tpu.memory_space<vmem>> -> memref<1024xf32, #tpu.memory_space<vmem>>
      %dma_start3A_420 = arith.constant 0 : i32
      %dma_start3A_421 = tpu.memref_slice %arg4[%add3A_416, %dma_start3A_420] : memref<8192x1024xf32, #tpu.memory_space<hbm>> -> memref<1x1024xf32, #tpu.memory_space<hbm>>
      %dma_start3A_422 = tpu.memref_squeeze %dma_start3A_421 : memref<1x1024xf32, #tpu.memory_space<hbm>> -> memref<1024xf32, #tpu.memory_space<hbm>>
      %dma_start3A_423 = arith.constant 0 : i32
      %dma_start3A_424 = tpu.memref_slice %arg4[%add3A_416, %dma_start3A_423] : memref<8192x1024xf32, #tpu.memory_space<hbm>> -> memref<1x1024xf32, #tpu.memory_space<hbm>>
      %dma_start3A_425 = tpu.memref_squeeze %dma_start3A_424 : memref<1x1024xf32, #tpu.memory_space<hbm>> -> memref<1024xf32, #tpu.memory_space<hbm>>
      %dma_start3A_426 = arith.constant 0 : i32
      %dma_start3A_427 = tpu.memref_slice %arg5[%and3A_409, %dma_start3A_426] : memref<8x1024xf32, #tpu.memory_space<vmem>> -> memref<1x1024xf32, #tpu.memory_space<vmem>>
      %dma_start3A_428 = tpu.memref_squeeze %dma_start3A_427 : memref<1x1024xf32, #tpu.memory_space<vmem>> -> memref<1024xf32, #tpu.memory_space<vmem>>
      tpu.enqueue_dma source(%dma_start3A_428 : memref<1024xf32, #tpu.memory_space<vmem>>) target(%dma_start3A_425 : memref<1024xf32, #tpu.memory_space<hbm>>) target_semaphore(%arg9 : memref<!tpu.dma_semaphore, #tpu.memory_space<semaphore_mem>>)
      %shift_right_arithmetic3A_429 = arith.constant 24 : i32
      %shift_right_arithmetic3A_430 = arith.shrsi %reduce_sum3A_106, %shift_right_arithmetic3A_429 : i32
      %and3A_431 = arith.constant 7 : i32
      %and3A_432 = arith.andi %shift_right_arithmetic3A_430, %and3A_431 : i32
      %mul3A_433 = arith.constant 32 : i32
      %mul3A_434 = arith.muli %add3A_27, %mul3A_433 : i32
      %add3A_435 = arith.addi %mul3A_2, %mul3A_434 : i32
      %add3A_436 = arith.constant 0 : i32
      %add3A_437 = arith.addi %add3A_435, %add3A_436 : i32
      %add3A_438 = arith.constant 14 : i32
      %add3A_439 = arith.addi %add3A_437, %add3A_438 : i32
      %dma_start3A_440 = arith.constant 0 : i32
      %dma_start3A_441 = tpu.memref_slice %arg5[%and3A_432, %dma_start3A_440] : memref<8x1024xf32, #tpu.memory_space<vmem>> -> memref<1x1024xf32, #tpu.memory_space<vmem>>
      %dma_start3A_442 = tpu.memref_squeeze %dma_start3A_441 : memref<1x1024xf32, #tpu.memory_space<vmem>> -> memref<1024xf32, #tpu.memory_space<vmem>>
      %dma_start3A_443 = arith.constant 0 : i32
      %dma_start3A_444 = tpu.memref_slice %arg4[%add3A_439, %dma_start3A_443] : memref<8192x1024xf32, #tpu.memory_space<hbm>> -> memref<1x1024xf32, #tpu.memory_space<hbm>>
      %dma_start3A_445 = tpu.memref_squeeze %dma_start3A_444 : memref<1x1024xf32, #tpu.memory_space<hbm>> -> memref<1024xf32, #tpu.memory_space<hbm>>
      %dma_start3A_446 = arith.constant 0 : i32
      %dma_start3A_447 = tpu.memref_slice %arg4[%add3A_439, %dma_start3A_446] : memref<8192x1024xf32, #tpu.memory_space<hbm>> -> memref<1x1024xf32, #tpu.memory_space<hbm>>
      %dma_start3A_448 = tpu.memref_squeeze %dma_start3A_447 : memref<1x1024xf32, #tpu.memory_space<hbm>> -> memref<1024xf32, #tpu.memory_space<hbm>>
      %dma_start3A_449 = arith.constant 0 : i32
      %dma_start3A_450 = tpu.memref_slice %arg5[%and3A_432, %dma_start3A_449] : memref<8x1024xf32, #tpu.memory_space<vmem>> -> memref<1x1024xf32, #tpu.memory_space<vmem>>
      %dma_start3A_451 = tpu.memref_squeeze %dma_start3A_450 : memref<1x1024xf32, #tpu.memory_space<vmem>> -> memref<1024xf32, #tpu.memory_space<vmem>>
      tpu.enqueue_dma source(%dma_start3A_451 : memref<1024xf32, #tpu.memory_space<vmem>>) target(%dma_start3A_448 : memref<1024xf32, #tpu.memory_space<hbm>>) target_semaphore(%arg9 : memref<!tpu.dma_semaphore, #tpu.memory_space<semaphore_mem>>)
      %shift_right_arithmetic3A_452 = arith.constant 28 : i32
      %shift_right_arithmetic3A_453 = arith.shrsi %reduce_sum3A_106, %shift_right_arithmetic3A_452 : i32
      %and3A_454 = arith.constant 7 : i32
      %and3A_455 = arith.andi %shift_right_arithmetic3A_453, %and3A_454 : i32
      %mul3A_456 = arith.constant 32 : i32
      %mul3A_457 = arith.muli %add3A_27, %mul3A_456 : i32
      %add3A_458 = arith.addi %mul3A_2, %mul3A_457 : i32
      %add3A_459 = arith.constant 0 : i32
      %add3A_460 = arith.addi %add3A_458, %add3A_459 : i32
      %add3A_461 = arith.constant 15 : i32
      %add3A_462 = arith.addi %add3A_460, %add3A_461 : i32
      %dma_start3A_463 = arith.constant 0 : i32
      %dma_start3A_464 = tpu.memref_slice %arg5[%and3A_455, %dma_start3A_463] : memref<8x1024xf32, #tpu.memory_space<vmem>> -> memref<1x1024xf32, #tpu.memory_space<vmem>>
      %dma_start3A_465 = tpu.memref_squeeze %dma_start3A_464 : memref<1x1024xf32, #tpu.memory_space<vmem>> -> memref<1024xf32, #tpu.memory_space<vmem>>
      %dma_start3A_466 = arith.constant 0 : i32
      %dma_start3A_467 = tpu.memref_slice %arg4[%add3A_462, %dma_start3A_466] : memref<8192x1024xf32, #tpu.memory_space<hbm>> -> memref<1x1024xf32, #tpu.memory_space<hbm>>
      %dma_start3A_468 = tpu.memref_squeeze %dma_start3A_467 : memref<1x1024xf32, #tpu.memory_space<hbm>> -> memref<1024xf32, #tpu.memory_space<hbm>>
      %dma_start3A_469 = arith.constant 0 : i32
      %dma_start3A_470 = tpu.memref_slice %arg4[%add3A_462, %dma_start3A_469] : memref<8192x1024xf32, #tpu.memory_space<hbm>> -> memref<1x1024xf32, #tpu.memory_space<hbm>>
      %dma_start3A_471 = tpu.memref_squeeze %dma_start3A_470 : memref<1x1024xf32, #tpu.memory_space<hbm>> -> memref<1024xf32, #tpu.memory_space<hbm>>
      %dma_start3A_472 = arith.constant 0 : i32
      %dma_start3A_473 = tpu.memref_slice %arg5[%and3A_455, %dma_start3A_472] : memref<8x1024xf32, #tpu.memory_space<vmem>> -> memref<1x1024xf32, #tpu.memory_space<vmem>>
      %dma_start3A_474 = tpu.memref_squeeze %dma_start3A_473 : memref<1x1024xf32, #tpu.memory_space<vmem>> -> memref<1024xf32, #tpu.memory_space<vmem>>
      tpu.enqueue_dma source(%dma_start3A_474 : memref<1024xf32, #tpu.memory_space<vmem>>) target(%dma_start3A_471 : memref<1024xf32, #tpu.memory_space<hbm>>) target_semaphore(%arg9 : memref<!tpu.dma_semaphore, #tpu.memory_space<semaphore_mem>>)
      %mul3A_475 = arith.constant 32 : i32
      %mul3A_476 = arith.muli %add3A_27, %mul3A_475 : i32
      %add3A_477 = arith.constant 16 : i32
      %add3A_478 = arith.addi %mul3A_476, %add3A_477 : i32
      %add3A_479 = vector.broadcast %add3A_478 : i32 to vector<16xi32>
      %add3A_480 = arith.addi %add3A_479, %iota3A : vector<16xi32>
      %broadcast_in_dim3A_481 = arith.constant 0 : i32
      %broadcast_in_dim3A_482 = vector.broadcast %broadcast_in_dim3A_481 : i32 to vector<16xi32>
      %gather3A_483 = tpu.vector_load_idx %arg6[%add3A_480, %broadcast_in_dim3A_482] : memref<256x8xf32, #tpu.memory_space<vmem>>[vector<16xi32>, vector<16xi32>], vector<16xf32>,
      %broadcast_in_dim3A_484 = arith.constant 0 : i32
      %broadcast_in_dim3A_485 = vector.broadcast %broadcast_in_dim3A_484 : i32 to vector<16xi32>
      %broadcast_in_dim3A_486 = arith.constant 1 : i32
      %broadcast_in_dim3A_487 = vector.broadcast %broadcast_in_dim3A_486 : i32 to vector<16xi32>
      %gather3A_488 = tpu.vector_load_idx %arg6[%add3A_480, %broadcast_in_dim3A_487] : memref<256x8xf32, #tpu.memory_space<vmem>>[vector<16xi32>, vector<16xi32>], vector<16xf32>,
      %gt3A_489 = arith.cmpf ogt, %gather3A_488, %gather3A_483 : vector<16xf32>
      %select_n3A_490 = arith.select %gt3A_489, %gather3A_488, %gather3A_483 : vector<16xi1>, vector<16xf32>
      %broadcast_in_dim3A_491 = arith.constant 1 : i32
      %broadcast_in_dim3A_492 = vector.broadcast %broadcast_in_dim3A_491 : i32 to vector<16xi32>
      %select_n3A_493 = arith.select %gt3A_489, %broadcast_in_dim3A_492, %broadcast_in_dim3A_485 : vector<16xi1>, vector<16xi32>
      %broadcast_in_dim3A_494 = arith.constant 2 : i32
      %broadcast_in_dim3A_495 = vector.broadcast %broadcast_in_dim3A_494 : i32 to vector<16xi32>
      %gather3A_496 = tpu.vector_load_idx %arg6[%add3A_480, %broadcast_in_dim3A_495] : memref<256x8xf32, #tpu.memory_space<vmem>>[vector<16xi32>, vector<16xi32>], vector<16xf32>,
      %gt3A_497 = arith.cmpf ogt, %gather3A_496, %select_n3A_490 : vector<16xf32>
      %select_n3A_498 = arith.select %gt3A_497, %gather3A_496, %select_n3A_490 : vector<16xi1>, vector<16xf32>
      %broadcast_in_dim3A_499 = arith.constant 2 : i32
      %broadcast_in_dim3A_500 = vector.broadcast %broadcast_in_dim3A_499 : i32 to vector<16xi32>
      %select_n3A_501 = arith.select %gt3A_497, %broadcast_in_dim3A_500, %select_n3A_493 : vector<16xi1>, vector<16xi32>
      %broadcast_in_dim3A_502 = arith.constant 3 : i32
      %broadcast_in_dim3A_503 = vector.broadcast %broadcast_in_dim3A_502 : i32 to vector<16xi32>
      %gather3A_504 = tpu.vector_load_idx %arg6[%add3A_480, %broadcast_in_dim3A_503] : memref<256x8xf32, #tpu.memory_space<vmem>>[vector<16xi32>, vector<16xi32>], vector<16xf32>,
      %gt3A_505 = arith.cmpf ogt, %gather3A_504, %select_n3A_498 : vector<16xf32>
      %select_n3A_506 = arith.select %gt3A_505, %gather3A_504, %select_n3A_498 : vector<16xi1>, vector<16xf32>
      %broadcast_in_dim3A_507 = arith.constant 3 : i32
      %broadcast_in_dim3A_508 = vector.broadcast %broadcast_in_dim3A_507 : i32 to vector<16xi32>
      %select_n3A_509 = arith.select %gt3A_505, %broadcast_in_dim3A_508, %select_n3A_501 : vector<16xi1>, vector<16xi32>
      %broadcast_in_dim3A_510 = arith.constant 4 : i32
      %broadcast_in_dim3A_511 = vector.broadcast %broadcast_in_dim3A_510 : i32 to vector<16xi32>
      %gather3A_512 = tpu.vector_load_idx %arg6[%add3A_480, %broadcast_in_dim3A_511] : memref<256x8xf32, #tpu.memory_space<vmem>>[vector<16xi32>, vector<16xi32>], vector<16xf32>,
      %gt3A_513 = arith.cmpf ogt, %gather3A_512, %select_n3A_506 : vector<16xf32>
      %select_n3A_514 = arith.select %gt3A_513, %gather3A_512, %select_n3A_506 : vector<16xi1>, vector<16xf32>
      %broadcast_in_dim3A_515 = arith.constant 4 : i32
      %broadcast_in_dim3A_516 = vector.broadcast %broadcast_in_dim3A_515 : i32 to vector<16xi32>
      %select_n3A_517 = arith.select %gt3A_513, %broadcast_in_dim3A_516, %select_n3A_509 : vector<16xi1>, vector<16xi32>
      %broadcast_in_dim3A_518 = arith.constant 5 : i32
      %broadcast_in_dim3A_519 = vector.broadcast %broadcast_in_dim3A_518 : i32 to vector<16xi32>
      %gather3A_520 = tpu.vector_load_idx %arg6[%add3A_480, %broadcast_in_dim3A_519] : memref<256x8xf32, #tpu.memory_space<vmem>>[vector<16xi32>, vector<16xi32>], vector<16xf32>,
      %gt3A_521 = arith.cmpf ogt, %gather3A_520, %select_n3A_514 : vector<16xf32>
      %select_n3A_522 = arith.select %gt3A_521, %gather3A_520, %select_n3A_514 : vector<16xi1>, vector<16xf32>
      %broadcast_in_dim3A_523 = arith.constant 5 : i32
      %broadcast_in_dim3A_524 = vector.broadcast %broadcast_in_dim3A_523 : i32 to vector<16xi32>
      %select_n3A_525 = arith.select %gt3A_521, %broadcast_in_dim3A_524, %select_n3A_517 : vector<16xi1>, vector<16xi32>
      %broadcast_in_dim3A_526 = arith.constant 6 : i32
      %broadcast_in_dim3A_527 = vector.broadcast %broadcast_in_dim3A_526 : i32 to vector<16xi32>
      %gather3A_528 = tpu.vector_load_idx %arg6[%add3A_480, %broadcast_in_dim3A_527] : memref<256x8xf32, #tpu.memory_space<vmem>>[vector<16xi32>, vector<16xi32>], vector<16xf32>,
      %gt3A_529 = arith.cmpf ogt, %gather3A_528, %select_n3A_522 : vector<16xf32>
      %select_n3A_530 = arith.select %gt3A_529, %gather3A_528, %select_n3A_522 : vector<16xi1>, vector<16xf32>
      %broadcast_in_dim3A_531 = arith.constant 6 : i32
      %broadcast_in_dim3A_532 = vector.broadcast %broadcast_in_dim3A_531 : i32 to vector<16xi32>
      %select_n3A_533 = arith.select %gt3A_529, %broadcast_in_dim3A_532, %select_n3A_525 : vector<16xi1>, vector<16xi32>
      %broadcast_in_dim3A_534 = arith.constant 7 : i32
      %broadcast_in_dim3A_535 = vector.broadcast %broadcast_in_dim3A_534 : i32 to vector<16xi32>
      %gather3A_536 = tpu.vector_load_idx %arg6[%add3A_480, %broadcast_in_dim3A_535] : memref<256x8xf32, #tpu.memory_space<vmem>>[vector<16xi32>, vector<16xi32>], vector<16xf32>,
      %gt3A_537 = arith.cmpf ogt, %gather3A_536, %select_n3A_530 : vector<16xf32>
      %select_n3A_538 = arith.select %gt3A_537, %gather3A_536, %select_n3A_530 : vector<16xi1>, vector<16xf32>
      %broadcast_in_dim3A_539 = arith.constant 7 : i32
      %broadcast_in_dim3A_540 = vector.broadcast %broadcast_in_dim3A_539 : i32 to vector<16xi32>
      %select_n3A_541 = arith.select %gt3A_537, %broadcast_in_dim3A_540, %select_n3A_533 : vector<16xi1>, vector<16xi32>
      %shift_left3A_542 = arith.shli %select_n3A_541, %mul3A_7 : vector<16xi32>
      %lt3A_543 = arith.constant 8 : i32
      %lt3A_544 = vector.broadcast %lt3A_543 : i32 to vector<16xi32>
      %lt3A_545 = arith.cmpi slt, %iota3A, %lt3A_544 : vector<16xi32>
      %jit3A_546 = arith.constant 0 : i32
      %broadcast_in_dim3A_547 = vector.broadcast %jit3A_546 : i32 to vector<16xi32>
      %select_n3A_548 = arith.select %lt3A_545, %shift_left3A_542, %broadcast_in_dim3A_547 : vector<16xi1>, vector<16xi32>
      %reduce_sum3A_549 = arith.constant true
      %reduce_sum3A_550 = vector.broadcast %reduce_sum3A_549 : i1 to vector<16xi1>
      %reduce_sum3A_551 = tpu.scan <sum>, %select_n3A_548 masked %reduce_sum3A_550 : vector<16xi32>, vector<16xi1> -> vector<16xi32>
      %reduce_sum3A_552 = vector.extract %reduce_sum3A_551[15] : i32 from vector<16xi32>
      %ge3A_553 = arith.constant 8 : i32
      %ge3A_554 = vector.broadcast %ge3A_553 : i32 to vector<16xi32>
      %ge3A_555 = arith.cmpi sge, %iota3A, %ge3A_554 : vector<16xi32>
      %jit3A_556 = arith.constant 0 : i32
      %broadcast_in_dim3A_557 = vector.broadcast %jit3A_556 : i32 to vector<16xi32>
      %select_n3A_558 = arith.select %ge3A_555, %shift_left3A_542, %broadcast_in_dim3A_557 : vector<16xi1>, vector<16xi32>
      %reduce_sum3A_559 = arith.constant true
      %reduce_sum3A_560 = vector.broadcast %reduce_sum3A_559 : i1 to vector<16xi1>
      %reduce_sum3A_561 = tpu.scan <sum>, %select_n3A_558 masked %reduce_sum3A_560 : vector<16xi32>, vector<16xi1> -> vector<16xi32>
      %reduce_sum3A_562 = vector.extract %reduce_sum3A_561[15] : i32 from vector<16xi32>
      %shift_right_arithmetic3A_563 = arith.constant 0 : i32
      %shift_right_arithmetic3A_564 = arith.shrsi %reduce_sum3A_552, %shift_right_arithmetic3A_563 : i32
      %and3A_565 = arith.constant 7 : i32
      %and3A_566 = arith.andi %shift_right_arithmetic3A_564, %and3A_565 : i32
      %mul3A_567 = arith.constant 32 : i32
      %mul3A_568 = arith.muli %add3A_27, %mul3A_567 : i32
      %add3A_569 = arith.addi %mul3A_2, %mul3A_568 : i32
      %add3A_570 = arith.constant 16 : i32
      %add3A_571 = arith.addi %add3A_569, %add3A_570 : i32
      %add3A_572 = arith.constant 0 : i32
      %add3A_573 = arith.addi %add3A_571, %add3A_572 : i32
      %dma_start3A_574 = arith.constant 0 : i32
      %dma_start3A_575 = tpu.memref_slice %arg5[%and3A_566, %dma_start3A_574] : memref<8x1024xf32, #tpu.memory_space<vmem>> -> memref<1x1024xf32, #tpu.memory_space<vmem>>
      %dma_start3A_576 = tpu.memref_squeeze %dma_start3A_575 : memref<1x1024xf32, #tpu.memory_space<vmem>> -> memref<1024xf32, #tpu.memory_space<vmem>>
      %dma_start3A_577 = arith.constant 0 : i32
      %dma_start3A_578 = tpu.memref_slice %arg4[%add3A_573, %dma_start3A_577] : memref<8192x1024xf32, #tpu.memory_space<hbm>> -> memref<1x1024xf32, #tpu.memory_space<hbm>>
      %dma_start3A_579 = tpu.memref_squeeze %dma_start3A_578 : memref<1x1024xf32, #tpu.memory_space<hbm>> -> memref<1024xf32, #tpu.memory_space<hbm>>
      %dma_start3A_580 = arith.constant 0 : i32
      %dma_start3A_581 = tpu.memref_slice %arg4[%add3A_573, %dma_start3A_580] : memref<8192x1024xf32, #tpu.memory_space<hbm>> -> memref<1x1024xf32, #tpu.memory_space<hbm>>
      %dma_start3A_582 = tpu.memref_squeeze %dma_start3A_581 : memref<1x1024xf32, #tpu.memory_space<hbm>> -> memref<1024xf32, #tpu.memory_space<hbm>>
      %dma_start3A_583 = arith.constant 0 : i32
      %dma_start3A_584 = tpu.memref_slice %arg5[%and3A_566, %dma_start3A_583] : memref<8x1024xf32, #tpu.memory_space<vmem>> -> memref<1x1024xf32, #tpu.memory_space<vmem>>
      %dma_start3A_585 = tpu.memref_squeeze %dma_start3A_584 : memref<1x1024xf32, #tpu.memory_space<vmem>> -> memref<1024xf32, #tpu.memory_space<vmem>>
      tpu.enqueue_dma source(%dma_start3A_585 : memref<1024xf32, #tpu.memory_space<vmem>>) target(%dma_start3A_582 : memref<1024xf32, #tpu.memory_space<hbm>>) target_semaphore(%arg9 : memref<!tpu.dma_semaphore, #tpu.memory_space<semaphore_mem>>)
      %shift_right_arithmetic3A_586 = arith.constant 4 : i32
      %shift_right_arithmetic3A_587 = arith.shrsi %reduce_sum3A_552, %shift_right_arithmetic3A_586 : i32
      %and3A_588 = arith.constant 7 : i32
      %and3A_589 = arith.andi %shift_right_arithmetic3A_587, %and3A_588 : i32
      %mul3A_590 = arith.constant 32 : i32
      %mul3A_591 = arith.muli %add3A_27, %mul3A_590 : i32
      %add3A_592 = arith.addi %mul3A_2, %mul3A_591 : i32
      %add3A_593 = arith.constant 16 : i32
      %add3A_594 = arith.addi %add3A_592, %add3A_593 : i32
      %add3A_595 = arith.constant 1 : i32
      %add3A_596 = arith.addi %add3A_594, %add3A_595 : i32
      %dma_start3A_597 = arith.constant 0 : i32
      %dma_start3A_598 = tpu.memref_slice %arg5[%and3A_589, %dma_start3A_597] : memref<8x1024xf32, #tpu.memory_space<vmem>> -> memref<1x1024xf32, #tpu.memory_space<vmem>>
      %dma_start3A_599 = tpu.memref_squeeze %dma_start3A_598 : memref<1x1024xf32, #tpu.memory_space<vmem>> -> memref<1024xf32, #tpu.memory_space<vmem>>
      %dma_start3A_600 = arith.constant 0 : i32
      %dma_start3A_601 = tpu.memref_slice %arg4[%add3A_596, %dma_start3A_600] : memref<8192x1024xf32, #tpu.memory_space<hbm>> -> memref<1x1024xf32, #tpu.memory_space<hbm>>
      %dma_start3A_602 = tpu.memref_squeeze %dma_start3A_601 : memref<1x1024xf32, #tpu.memory_space<hbm>> -> memref<1024xf32, #tpu.memory_space<hbm>>
      %dma_start3A_603 = arith.constant 0 : i32
      %dma_start3A_604 = tpu.memref_slice %arg4[%add3A_596, %dma_start3A_603] : memref<8192x1024xf32, #tpu.memory_space<hbm>> -> memref<1x1024xf32, #tpu.memory_space<hbm>>
      %dma_start3A_605 = tpu.memref_squeeze %dma_start3A_604 : memref<1x1024xf32, #tpu.memory_space<hbm>> -> memref<1024xf32, #tpu.memory_space<hbm>>
      %dma_start3A_606 = arith.constant 0 : i32
      %dma_start3A_607 = tpu.memref_slice %arg5[%and3A_589, %dma_start3A_606] : memref<8x1024xf32, #tpu.memory_space<vmem>> -> memref<1x1024xf32, #tpu.memory_space<vmem>>
      %dma_start3A_608 = tpu.memref_squeeze %dma_start3A_607 : memref<1x1024xf32, #tpu.memory_space<vmem>> -> memref<1024xf32, #tpu.memory_space<vmem>>
      tpu.enqueue_dma source(%dma_start3A_608 : memref<1024xf32, #tpu.memory_space<vmem>>) target(%dma_start3A_605 : memref<1024xf32, #tpu.memory_space<hbm>>) target_semaphore(%arg9 : memref<!tpu.dma_semaphore, #tpu.memory_space<semaphore_mem>>)
      %shift_right_arithmetic3A_609 = arith.constant 8 : i32
      %shift_right_arithmetic3A_610 = arith.shrsi %reduce_sum3A_552, %shift_right_arithmetic3A_609 : i32
      %and3A_611 = arith.constant 7 : i32
      %and3A_612 = arith.andi %shift_right_arithmetic3A_610, %and3A_611 : i32
      %mul3A_613 = arith.constant 32 : i32
      %mul3A_614 = arith.muli %add3A_27, %mul3A_613 : i32
      %add3A_615 = arith.addi %mul3A_2, %mul3A_614 : i32
      %add3A_616 = arith.constant 16 : i32
      %add3A_617 = arith.addi %add3A_615, %add3A_616 : i32
      %add3A_618 = arith.constant 2 : i32
      %add3A_619 = arith.addi %add3A_617, %add3A_618 : i32
      %dma_start3A_620 = arith.constant 0 : i32
      %dma_start3A_621 = tpu.memref_slice %arg5[%and3A_612, %dma_start3A_620] : memref<8x1024xf32, #tpu.memory_space<vmem>> -> memref<1x1024xf32, #tpu.memory_space<vmem>>
      %dma_start3A_622 = tpu.memref_squeeze %dma_start3A_621 : memref<1x1024xf32, #tpu.memory_space<vmem>> -> memref<1024xf32, #tpu.memory_space<vmem>>
      %dma_start3A_623 = arith.constant 0 : i32
      %dma_start3A_624 = tpu.memref_slice %arg4[%add3A_619, %dma_start3A_623] : memref<8192x1024xf32, #tpu.memory_space<hbm>> -> memref<1x1024xf32, #tpu.memory_space<hbm>>
      %dma_start3A_625 = tpu.memref_squeeze %dma_start3A_624 : memref<1x1024xf32, #tpu.memory_space<hbm>> -> memref<1024xf32, #tpu.memory_space<hbm>>
      %dma_start3A_626 = arith.constant 0 : i32
      %dma_start3A_627 = tpu.memref_slice %arg4[%add3A_619, %dma_start3A_626] : memref<8192x1024xf32, #tpu.memory_space<hbm>> -> memref<1x1024xf32, #tpu.memory_space<hbm>>
      %dma_start3A_628 = tpu.memref_squeeze %dma_start3A_627 : memref<1x1024xf32, #tpu.memory_space<hbm>> -> memref<1024xf32, #tpu.memory_space<hbm>>
      %dma_start3A_629 = arith.constant 0 : i32
      %dma_start3A_630 = tpu.memref_slice %arg5[%and3A_612, %dma_start3A_629] : memref<8x1024xf32, #tpu.memory_space<vmem>> -> memref<1x1024xf32, #tpu.memory_space<vmem>>
      %dma_start3A_631 = tpu.memref_squeeze %dma_start3A_630 : memref<1x1024xf32, #tpu.memory_space<vmem>> -> memref<1024xf32, #tpu.memory_space<vmem>>
      tpu.enqueue_dma source(%dma_start3A_631 : memref<1024xf32, #tpu.memory_space<vmem>>) target(%dma_start3A_628 : memref<1024xf32, #tpu.memory_space<hbm>>) target_semaphore(%arg9 : memref<!tpu.dma_semaphore, #tpu.memory_space<semaphore_mem>>)
      %shift_right_arithmetic3A_632 = arith.constant 12 : i32
      %shift_right_arithmetic3A_633 = arith.shrsi %reduce_sum3A_552, %shift_right_arithmetic3A_632 : i32
      %and3A_634 = arith.constant 7 : i32
      %and3A_635 = arith.andi %shift_right_arithmetic3A_633, %and3A_634 : i32
      %mul3A_636 = arith.constant 32 : i32
      %mul3A_637 = arith.muli %add3A_27, %mul3A_636 : i32
      %add3A_638 = arith.addi %mul3A_2, %mul3A_637 : i32
      %add3A_639 = arith.constant 16 : i32
      %add3A_640 = arith.addi %add3A_638, %add3A_639 : i32
      %add3A_641 = arith.constant 3 : i32
      %add3A_642 = arith.addi %add3A_640, %add3A_641 : i32
      %dma_start3A_643 = arith.constant 0 : i32
      %dma_start3A_644 = tpu.memref_slice %arg5[%and3A_635, %dma_start3A_643] : memref<8x1024xf32, #tpu.memory_space<vmem>> -> memref<1x1024xf32, #tpu.memory_space<vmem>>
      %dma_start3A_645 = tpu.memref_squeeze %dma_start3A_644 : memref<1x1024xf32, #tpu.memory_space<vmem>> -> memref<1024xf32, #tpu.memory_space<vmem>>
      %dma_start3A_646 = arith.constant 0 : i32
      %dma_start3A_647 = tpu.memref_slice %arg4[%add3A_642, %dma_start3A_646] : memref<8192x1024xf32, #tpu.memory_space<hbm>> -> memref<1x1024xf32, #tpu.memory_space<hbm>>
      %dma_start3A_648 = tpu.memref_squeeze %dma_start3A_647 : memref<1x1024xf32, #tpu.memory_space<hbm>> -> memref<1024xf32, #tpu.memory_space<hbm>>
      %dma_start3A_649 = arith.constant 0 : i32
      %dma_start3A_650 = tpu.memref_slice %arg4[%add3A_642, %dma_start3A_649] : memref<8192x1024xf32, #tpu.memory_space<hbm>> -> memref<1x1024xf32, #tpu.memory_space<hbm>>
      %dma_start3A_651 = tpu.memref_squeeze %dma_start3A_650 : memref<1x1024xf32, #tpu.memory_space<hbm>> -> memref<1024xf32, #tpu.memory_space<hbm>>
      %dma_start3A_652 = arith.constant 0 : i32
      %dma_start3A_653 = tpu.memref_slice %arg5[%and3A_635, %dma_start3A_652] : memref<8x1024xf32, #tpu.memory_space<vmem>> -> memref<1x1024xf32, #tpu.memory_space<vmem>>
      %dma_start3A_654 = tpu.memref_squeeze %dma_start3A_653 : memref<1x1024xf32, #tpu.memory_space<vmem>> -> memref<1024xf32, #tpu.memory_space<vmem>>
      tpu.enqueue_dma source(%dma_start3A_654 : memref<1024xf32, #tpu.memory_space<vmem>>) target(%dma_start3A_651 : memref<1024xf32, #tpu.memory_space<hbm>>) target_semaphore(%arg9 : memref<!tpu.dma_semaphore, #tpu.memory_space<semaphore_mem>>)
      %shift_right_arithmetic3A_655 = arith.constant 16 : i32
      %shift_right_arithmetic3A_656 = arith.shrsi %reduce_sum3A_552, %shift_right_arithmetic3A_655 : i32
      %and3A_657 = arith.constant 7 : i32
      %and3A_658 = arith.andi %shift_right_arithmetic3A_656, %and3A_657 : i32
      %mul3A_659 = arith.constant 32 : i32
      %mul3A_660 = arith.muli %add3A_27, %mul3A_659 : i32
      %add3A_661 = arith.addi %mul3A_2, %mul3A_660 : i32
      %add3A_662 = arith.constant 16 : i32
      %add3A_663 = arith.addi %add3A_661, %add3A_662 : i32
      %add3A_664 = arith.constant 4 : i32
      %add3A_665 = arith.addi %add3A_663, %add3A_664 : i32
      %dma_start3A_666 = arith.constant 0 : i32
      %dma_start3A_667 = tpu.memref_slice %arg5[%and3A_658, %dma_start3A_666] : memref<8x1024xf32, #tpu.memory_space<vmem>> -> memref<1x1024xf32, #tpu.memory_space<vmem>>
      %dma_start3A_668 = tpu.memref_squeeze %dma_start3A_667 : memref<1x1024xf32, #tpu.memory_space<vmem>> -> memref<1024xf32, #tpu.memory_space<vmem>>
      %dma_start3A_669 = arith.constant 0 : i32
      %dma_start3A_670 = tpu.memref_slice %arg4[%add3A_665, %dma_start3A_669] : memref<8192x1024xf32, #tpu.memory_space<hbm>> -> memref<1x1024xf32, #tpu.memory_space<hbm>>
      %dma_start3A_671 = tpu.memref_squeeze %dma_start3A_670 : memref<1x1024xf32, #tpu.memory_space<hbm>> -> memref<1024xf32, #tpu.memory_space<hbm>>
      %dma_start3A_672 = arith.constant 0 : i32
      %dma_start3A_673 = tpu.memref_slice %arg4[%add3A_665, %dma_start3A_672] : memref<8192x1024xf32, #tpu.memory_space<hbm>> -> memref<1x1024xf32, #tpu.memory_space<hbm>>
      %dma_start3A_674 = tpu.memref_squeeze %dma_start3A_673 : memref<1x1024xf32, #tpu.memory_space<hbm>> -> memref<1024xf32, #tpu.memory_space<hbm>>
      %dma_start3A_675 = arith.constant 0 : i32
      %dma_start3A_676 = tpu.memref_slice %arg5[%and3A_658, %dma_start3A_675] : memref<8x1024xf32, #tpu.memory_space<vmem>> -> memref<1x1024xf32, #tpu.memory_space<vmem>>
      %dma_start3A_677 = tpu.memref_squeeze %dma_start3A_676 : memref<1x1024xf32, #tpu.memory_space<vmem>> -> memref<1024xf32, #tpu.memory_space<vmem>>
      tpu.enqueue_dma source(%dma_start3A_677 : memref<1024xf32, #tpu.memory_space<vmem>>) target(%dma_start3A_674 : memref<1024xf32, #tpu.memory_space<hbm>>) target_semaphore(%arg9 : memref<!tpu.dma_semaphore, #tpu.memory_space<semaphore_mem>>)
      %shift_right_arithmetic3A_678 = arith.constant 20 : i32
      %shift_right_arithmetic3A_679 = arith.shrsi %reduce_sum3A_552, %shift_right_arithmetic3A_678 : i32
      %and3A_680 = arith.constant 7 : i32
      %and3A_681 = arith.andi %shift_right_arithmetic3A_679, %and3A_680 : i32
      %mul3A_682 = arith.constant 32 : i32
      %mul3A_683 = arith.muli %add3A_27, %mul3A_682 : i32
      %add3A_684 = arith.addi %mul3A_2, %mul3A_683 : i32
      %add3A_685 = arith.constant 16 : i32
      %add3A_686 = arith.addi %add3A_684, %add3A_685 : i32
      %add3A_687 = arith.constant 5 : i32
      %add3A_688 = arith.addi %add3A_686, %add3A_687 : i32
      %dma_start3A_689 = arith.constant 0 : i32
      %dma_start3A_690 = tpu.memref_slice %arg5[%and3A_681, %dma_start3A_689] : memref<8x1024xf32, #tpu.memory_space<vmem>> -> memref<1x1024xf32, #tpu.memory_space<vmem>>
      %dma_start3A_691 = tpu.memref_squeeze %dma_start3A_690 : memref<1x1024xf32, #tpu.memory_space<vmem>> -> memref<1024xf32, #tpu.memory_space<vmem>>
      %dma_start3A_692 = arith.constant 0 : i32
      %dma_start3A_693 = tpu.memref_slice %arg4[%add3A_688, %dma_start3A_692] : memref<8192x1024xf32, #tpu.memory_space<hbm>> -> memref<1x1024xf32, #tpu.memory_space<hbm>>
      %dma_start3A_694 = tpu.memref_squeeze %dma_start3A_693 : memref<1x1024xf32, #tpu.memory_space<hbm>> -> memref<1024xf32, #tpu.memory_space<hbm>>
      %dma_start3A_695 = arith.constant 0 : i32
      %dma_start3A_696 = tpu.memref_slice %arg4[%add3A_688, %dma_start3A_695] : memref<8192x1024xf32, #tpu.memory_space<hbm>> -> memref<1x1024xf32, #tpu.memory_space<hbm>>
      %dma_start3A_697 = tpu.memref_squeeze %dma_start3A_696 : memref<1x1024xf32, #tpu.memory_space<hbm>> -> memref<1024xf32, #tpu.memory_space<hbm>>
      %dma_start3A_698 = arith.constant 0 : i32
      %dma_start3A_699 = tpu.memref_slice %arg5[%and3A_681, %dma_start3A_698] : memref<8x1024xf32, #tpu.memory_space<vmem>> -> memref<1x1024xf32, #tpu.memory_space<vmem>>
      %dma_start3A_700 = tpu.memref_squeeze %dma_start3A_699 : memref<1x1024xf32, #tpu.memory_space<vmem>> -> memref<1024xf32, #tpu.memory_space<vmem>>
      tpu.enqueue_dma source(%dma_start3A_700 : memref<1024xf32, #tpu.memory_space<vmem>>) target(%dma_start3A_697 : memref<1024xf32, #tpu.memory_space<hbm>>) target_semaphore(%arg9 : memref<!tpu.dma_semaphore, #tpu.memory_space<semaphore_mem>>)
      %shift_right_arithmetic3A_701 = arith.constant 24 : i32
      %shift_right_arithmetic3A_702 = arith.shrsi %reduce_sum3A_552, %shift_right_arithmetic3A_701 : i32
      %and3A_703 = arith.constant 7 : i32
      %and3A_704 = arith.andi %shift_right_arithmetic3A_702, %and3A_703 : i32
      %mul3A_705 = arith.constant 32 : i32
      %mul3A_706 = arith.muli %add3A_27, %mul3A_705 : i32
      %add3A_707 = arith.addi %mul3A_2, %mul3A_706 : i32
      %add3A_708 = arith.constant 16 : i32
      %add3A_709 = arith.addi %add3A_707, %add3A_708 : i32
      %add3A_710 = arith.constant 6 : i32
      %add3A_711 = arith.addi %add3A_709, %add3A_710 : i32
      %dma_start3A_712 = arith.constant 0 : i32
      %dma_start3A_713 = tpu.memref_slice %arg5[%and3A_704, %dma_start3A_712] : memref<8x1024xf32, #tpu.memory_space<vmem>> -> memref<1x1024xf32, #tpu.memory_space<vmem>>
      %dma_start3A_714 = tpu.memref_squeeze %dma_start3A_713 : memref<1x1024xf32, #tpu.memory_space<vmem>> -> memref<1024xf32, #tpu.memory_space<vmem>>
      %dma_start3A_715 = arith.constant 0 : i32
      %dma_start3A_716 = tpu.memref_slice %arg4[%add3A_711, %dma_start3A_715] : memref<8192x1024xf32, #tpu.memory_space<hbm>> -> memref<1x1024xf32, #tpu.memory_space<hbm>>
      %dma_start3A_717 = tpu.memref_squeeze %dma_start3A_716 : memref<1x1024xf32, #tpu.memory_space<hbm>> -> memref<1024xf32, #tpu.memory_space<hbm>>
      %dma_start3A_718 = arith.constant 0 : i32
      %dma_start3A_719 = tpu.memref_slice %arg4[%add3A_711, %dma_start3A_718] : memref<8192x1024xf32, #tpu.memory_space<hbm>> -> memref<1x1024xf32, #tpu.memory_space<hbm>>
      %dma_start3A_720 = tpu.memref_squeeze %dma_start3A_719 : memref<1x1024xf32, #tpu.memory_space<hbm>> -> memref<1024xf32, #tpu.memory_space<hbm>>
      %dma_start3A_721 = arith.constant 0 : i32
      %dma_start3A_722 = tpu.memref_slice %arg5[%and3A_704, %dma_start3A_721] : memref<8x1024xf32, #tpu.memory_space<vmem>> -> memref<1x1024xf32, #tpu.memory_space<vmem>>
      %dma_start3A_723 = tpu.memref_squeeze %dma_start3A_722 : memref<1x1024xf32, #tpu.memory_space<vmem>> -> memref<1024xf32, #tpu.memory_space<vmem>>
      tpu.enqueue_dma source(%dma_start3A_723 : memref<1024xf32, #tpu.memory_space<vmem>>) target(%dma_start3A_720 : memref<1024xf32, #tpu.memory_space<hbm>>) target_semaphore(%arg9 : memref<!tpu.dma_semaphore, #tpu.memory_space<semaphore_mem>>)
      %shift_right_arithmetic3A_724 = arith.constant 28 : i32
      %shift_right_arithmetic3A_725 = arith.shrsi %reduce_sum3A_552, %shift_right_arithmetic3A_724 : i32
      %and3A_726 = arith.constant 7 : i32
      %and3A_727 = arith.andi %shift_right_arithmetic3A_725, %and3A_726 : i32
      %mul3A_728 = arith.constant 32 : i32
      %mul3A_729 = arith.muli %add3A_27, %mul3A_728 : i32
      %add3A_730 = arith.addi %mul3A_2, %mul3A_729 : i32
      %add3A_731 = arith.constant 16 : i32
      %add3A_732 = arith.addi %add3A_730, %add3A_731 : i32
      %add3A_733 = arith.constant 7 : i32
      %add3A_734 = arith.addi %add3A_732, %add3A_733 : i32
      %dma_start3A_735 = arith.constant 0 : i32
      %dma_start3A_736 = tpu.memref_slice %arg5[%and3A_727, %dma_start3A_735] : memref<8x1024xf32, #tpu.memory_space<vmem>> -> memref<1x1024xf32, #tpu.memory_space<vmem>>
      %dma_start3A_737 = tpu.memref_squeeze %dma_start3A_736 : memref<1x1024xf32, #tpu.memory_space<vmem>> -> memref<1024xf32, #tpu.memory_space<vmem>>
      %dma_start3A_738 = arith.constant 0 : i32
      %dma_start3A_739 = tpu.memref_slice %arg4[%add3A_734, %dma_start3A_738] : memref<8192x1024xf32, #tpu.memory_space<hbm>> -> memref<1x1024xf32, #tpu.memory_space<hbm>>
      %dma_start3A_740 = tpu.memref_squeeze %dma_start3A_739 : memref<1x1024xf32, #tpu.memory_space<hbm>> -> memref<1024xf32, #tpu.memory_space<hbm>>
      %dma_start3A_741 = arith.constant 0 : i32
      %dma_start3A_742 = tpu.memref_slice %arg4[%add3A_734, %dma_start3A_741] : memref<8192x1024xf32, #tpu.memory_space<hbm>> -> memref<1x1024xf32, #tpu.memory_space<hbm>>
      %dma_start3A_743 = tpu.memref_squeeze %dma_start3A_742 : memref<1x1024xf32, #tpu.memory_space<hbm>> -> memref<1024xf32, #tpu.memory_space<hbm>>
      %dma_start3A_744 = arith.constant 0 : i32
      %dma_start3A_745 = tpu.memref_slice %arg5[%and3A_727, %dma_start3A_744] : memref<8x1024xf32, #tpu.memory_space<vmem>> -> memref<1x1024xf32, #tpu.memory_space<vmem>>
      %dma_start3A_746 = tpu.memref_squeeze %dma_start3A_745 : memref<1x1024xf32, #tpu.memory_space<vmem>> -> memref<1024xf32, #tpu.memory_space<vmem>>
      tpu.enqueue_dma source(%dma_start3A_746 : memref<1024xf32, #tpu.memory_space<vmem>>) target(%dma_start3A_743 : memref<1024xf32, #tpu.memory_space<hbm>>) target_semaphore(%arg9 : memref<!tpu.dma_semaphore, #tpu.memory_space<semaphore_mem>>)
      %shift_right_arithmetic3A_747 = arith.constant 0 : i32
      %shift_right_arithmetic3A_748 = arith.shrsi %reduce_sum3A_562, %shift_right_arithmetic3A_747 : i32
      %and3A_749 = arith.constant 7 : i32
      %and3A_750 = arith.andi %shift_right_arithmetic3A_748, %and3A_749 : i32
      %mul3A_751 = arith.constant 32 : i32
      %mul3A_752 = arith.muli %add3A_27, %mul3A_751 : i32
      %add3A_753 = arith.addi %mul3A_2, %mul3A_752 : i32
      %add3A_754 = arith.constant 16 : i32
      %add3A_755 = arith.addi %add3A_753, %add3A_754 : i32
      %add3A_756 = arith.constant 8 : i32
      %add3A_757 = arith.addi %add3A_755, %add3A_756 : i32
      %dma_start3A_758 = arith.constant 0 : i32
      %dma_start3A_759 = tpu.memref_slice %arg5[%and3A_750, %dma_start3A_758] : memref<8x1024xf32, #tpu.memory_space<vmem>> -> memref<1x1024xf32, #tpu.memory_space<vmem>>
      %dma_start3A_760 = tpu.memref_squeeze %dma_start3A_759 : memref<1x1024xf32, #tpu.memory_space<vmem>> -> memref<1024xf32, #tpu.memory_space<vmem>>
      %dma_start3A_761 = arith.constant 0 : i32
      %dma_start3A_762 = tpu.memref_slice %arg4[%add3A_757, %dma_start3A_761] : memref<8192x1024xf32, #tpu.memory_space<hbm>> -> memref<1x1024xf32, #tpu.memory_space<hbm>>
      %dma_start3A_763 = tpu.memref_squeeze %dma_start3A_762 : memref<1x1024xf32, #tpu.memory_space<hbm>> -> memref<1024xf32, #tpu.memory_space<hbm>>
      %dma_start3A_764 = arith.constant 0 : i32
      %dma_start3A_765 = tpu.memref_slice %arg4[%add3A_757, %dma_start3A_764] : memref<8192x1024xf32, #tpu.memory_space<hbm>> -> memref<1x1024xf32, #tpu.memory_space<hbm>>
      %dma_start3A_766 = tpu.memref_squeeze %dma_start3A_765 : memref<1x1024xf32, #tpu.memory_space<hbm>> -> memref<1024xf32, #tpu.memory_space<hbm>>
      %dma_start3A_767 = arith.constant 0 : i32
      %dma_start3A_768 = tpu.memref_slice %arg5[%and3A_750, %dma_start3A_767] : memref<8x1024xf32, #tpu.memory_space<vmem>> -> memref<1x1024xf32, #tpu.memory_space<vmem>>
      %dma_start3A_769 = tpu.memref_squeeze %dma_start3A_768 : memref<1x1024xf32, #tpu.memory_space<vmem>> -> memref<1024xf32, #tpu.memory_space<vmem>>
      tpu.enqueue_dma source(%dma_start3A_769 : memref<1024xf32, #tpu.memory_space<vmem>>) target(%dma_start3A_766 : memref<1024xf32, #tpu.memory_space<hbm>>) target_semaphore(%arg9 : memref<!tpu.dma_semaphore, #tpu.memory_space<semaphore_mem>>)
      %shift_right_arithmetic3A_770 = arith.constant 4 : i32
      %shift_right_arithmetic3A_771 = arith.shrsi %reduce_sum3A_562, %shift_right_arithmetic3A_770 : i32
      %and3A_772 = arith.constant 7 : i32
      %and3A_773 = arith.andi %shift_right_arithmetic3A_771, %and3A_772 : i32
      %mul3A_774 = arith.constant 32 : i32
      %mul3A_775 = arith.muli %add3A_27, %mul3A_774 : i32
      %add3A_776 = arith.addi %mul3A_2, %mul3A_775 : i32
      %add3A_777 = arith.constant 16 : i32
      %add3A_778 = arith.addi %add3A_776, %add3A_777 : i32
      %add3A_779 = arith.constant 9 : i32
      %add3A_780 = arith.addi %add3A_778, %add3A_779 : i32
      %dma_start3A_781 = arith.constant 0 : i32
      %dma_start3A_782 = tpu.memref_slice %arg5[%and3A_773, %dma_start3A_781] : memref<8x1024xf32, #tpu.memory_space<vmem>> -> memref<1x1024xf32, #tpu.memory_space<vmem>>
      %dma_start3A_783 = tpu.memref_squeeze %dma_start3A_782 : memref<1x1024xf32, #tpu.memory_space<vmem>> -> memref<1024xf32, #tpu.memory_space<vmem>>
      %dma_start3A_784 = arith.constant 0 : i32
      %dma_start3A_785 = tpu.memref_slice %arg4[%add3A_780, %dma_start3A_784] : memref<8192x1024xf32, #tpu.memory_space<hbm>> -> memref<1x1024xf32, #tpu.memory_space<hbm>>
      %dma_start3A_786 = tpu.memref_squeeze %dma_start3A_785 : memref<1x1024xf32, #tpu.memory_space<hbm>> -> memref<1024xf32, #tpu.memory_space<hbm>>
      %dma_start3A_787 = arith.constant 0 : i32
      %dma_start3A_788 = tpu.memref_slice %arg4[%add3A_780, %dma_start3A_787] : memref<8192x1024xf32, #tpu.memory_space<hbm>> -> memref<1x1024xf32, #tpu.memory_space<hbm>>
      %dma_start3A_789 = tpu.memref_squeeze %dma_start3A_788 : memref<1x1024xf32, #tpu.memory_space<hbm>> -> memref<1024xf32, #tpu.memory_space<hbm>>
      %dma_start3A_790 = arith.constant 0 : i32
      %dma_start3A_791 = tpu.memref_slice %arg5[%and3A_773, %dma_start3A_790] : memref<8x1024xf32, #tpu.memory_space<vmem>> -> memref<1x1024xf32, #tpu.memory_space<vmem>>
      %dma_start3A_792 = tpu.memref_squeeze %dma_start3A_791 : memref<1x1024xf32, #tpu.memory_space<vmem>> -> memref<1024xf32, #tpu.memory_space<vmem>>
      tpu.enqueue_dma source(%dma_start3A_792 : memref<1024xf32, #tpu.memory_space<vmem>>) target(%dma_start3A_789 : memref<1024xf32, #tpu.memory_space<hbm>>) target_semaphore(%arg9 : memref<!tpu.dma_semaphore, #tpu.memory_space<semaphore_mem>>)
      %shift_right_arithmetic3A_793 = arith.constant 8 : i32
      %shift_right_arithmetic3A_794 = arith.shrsi %reduce_sum3A_562, %shift_right_arithmetic3A_793 : i32
      %and3A_795 = arith.constant 7 : i32
      %and3A_796 = arith.andi %shift_right_arithmetic3A_794, %and3A_795 : i32
      %mul3A_797 = arith.constant 32 : i32
      %mul3A_798 = arith.muli %add3A_27, %mul3A_797 : i32
      %add3A_799 = arith.addi %mul3A_2, %mul3A_798 : i32
      %add3A_800 = arith.constant 16 : i32
      %add3A_801 = arith.addi %add3A_799, %add3A_800 : i32
      %add3A_802 = arith.constant 10 : i32
      %add3A_803 = arith.addi %add3A_801, %add3A_802 : i32
      %dma_start3A_804 = arith.constant 0 : i32
      %dma_start3A_805 = tpu.memref_slice %arg5[%and3A_796, %dma_start3A_804] : memref<8x1024xf32, #tpu.memory_space<vmem>> -> memref<1x1024xf32, #tpu.memory_space<vmem>>
      %dma_start3A_806 = tpu.memref_squeeze %dma_start3A_805 : memref<1x1024xf32, #tpu.memory_space<vmem>> -> memref<1024xf32, #tpu.memory_space<vmem>>
      %dma_start3A_807 = arith.constant 0 : i32
      %dma_start3A_808 = tpu.memref_slice %arg4[%add3A_803, %dma_start3A_807] : memref<8192x1024xf32, #tpu.memory_space<hbm>> -> memref<1x1024xf32, #tpu.memory_space<hbm>>
      %dma_start3A_809 = tpu.memref_squeeze %dma_start3A_808 : memref<1x1024xf32, #tpu.memory_space<hbm>> -> memref<1024xf32, #tpu.memory_space<hbm>>
      %dma_start3A_810 = arith.constant 0 : i32
      %dma_start3A_811 = tpu.memref_slice %arg4[%add3A_803, %dma_start3A_810] : memref<8192x1024xf32, #tpu.memory_space<hbm>> -> memref<1x1024xf32, #tpu.memory_space<hbm>>
      %dma_start3A_812 = tpu.memref_squeeze %dma_start3A_811 : memref<1x1024xf32, #tpu.memory_space<hbm>> -> memref<1024xf32, #tpu.memory_space<hbm>>
      %dma_start3A_813 = arith.constant 0 : i32
      %dma_start3A_814 = tpu.memref_slice %arg5[%and3A_796, %dma_start3A_813] : memref<8x1024xf32, #tpu.memory_space<vmem>> -> memref<1x1024xf32, #tpu.memory_space<vmem>>
      %dma_start3A_815 = tpu.memref_squeeze %dma_start3A_814 : memref<1x1024xf32, #tpu.memory_space<vmem>> -> memref<1024xf32, #tpu.memory_space<vmem>>
      tpu.enqueue_dma source(%dma_start3A_815 : memref<1024xf32, #tpu.memory_space<vmem>>) target(%dma_start3A_812 : memref<1024xf32, #tpu.memory_space<hbm>>) target_semaphore(%arg9 : memref<!tpu.dma_semaphore, #tpu.memory_space<semaphore_mem>>)
      %shift_right_arithmetic3A_816 = arith.constant 12 : i32
      %shift_right_arithmetic3A_817 = arith.shrsi %reduce_sum3A_562, %shift_right_arithmetic3A_816 : i32
      %and3A_818 = arith.constant 7 : i32
      %and3A_819 = arith.andi %shift_right_arithmetic3A_817, %and3A_818 : i32
      %mul3A_820 = arith.constant 32 : i32
      %mul3A_821 = arith.muli %add3A_27, %mul3A_820 : i32
      %add3A_822 = arith.addi %mul3A_2, %mul3A_821 : i32
      %add3A_823 = arith.constant 16 : i32
      %add3A_824 = arith.addi %add3A_822, %add3A_823 : i32
      %add3A_825 = arith.constant 11 : i32
      %add3A_826 = arith.addi %add3A_824, %add3A_825 : i32
      %dma_start3A_827 = arith.constant 0 : i32
      %dma_start3A_828 = tpu.memref_slice %arg5[%and3A_819, %dma_start3A_827] : memref<8x1024xf32, #tpu.memory_space<vmem>> -> memref<1x1024xf32, #tpu.memory_space<vmem>>
      %dma_start3A_829 = tpu.memref_squeeze %dma_start3A_828 : memref<1x1024xf32, #tpu.memory_space<vmem>> -> memref<1024xf32, #tpu.memory_space<vmem>>
      %dma_start3A_830 = arith.constant 0 : i32
      %dma_start3A_831 = tpu.memref_slice %arg4[%add3A_826, %dma_start3A_830] : memref<8192x1024xf32, #tpu.memory_space<hbm>> -> memref<1x1024xf32, #tpu.memory_space<hbm>>
      %dma_start3A_832 = tpu.memref_squeeze %dma_start3A_831 : memref<1x1024xf32, #tpu.memory_space<hbm>> -> memref<1024xf32, #tpu.memory_space<hbm>>
      %dma_start3A_833 = arith.constant 0 : i32
      %dma_start3A_834 = tpu.memref_slice %arg4[%add3A_826, %dma_start3A_833] : memref<8192x1024xf32, #tpu.memory_space<hbm>> -> memref<1x1024xf32, #tpu.memory_space<hbm>>
      %dma_start3A_835 = tpu.memref_squeeze %dma_start3A_834 : memref<1x1024xf32, #tpu.memory_space<hbm>> -> memref<1024xf32, #tpu.memory_space<hbm>>
      %dma_start3A_836 = arith.constant 0 : i32
      %dma_start3A_837 = tpu.memref_slice %arg5[%and3A_819, %dma_start3A_836] : memref<8x1024xf32, #tpu.memory_space<vmem>> -> memref<1x1024xf32, #tpu.memory_space<vmem>>
      %dma_start3A_838 = tpu.memref_squeeze %dma_start3A_837 : memref<1x1024xf32, #tpu.memory_space<vmem>> -> memref<1024xf32, #tpu.memory_space<vmem>>
      tpu.enqueue_dma source(%dma_start3A_838 : memref<1024xf32, #tpu.memory_space<vmem>>) target(%dma_start3A_835 : memref<1024xf32, #tpu.memory_space<hbm>>) target_semaphore(%arg9 : memref<!tpu.dma_semaphore, #tpu.memory_space<semaphore_mem>>)
      %shift_right_arithmetic3A_839 = arith.constant 16 : i32
      %shift_right_arithmetic3A_840 = arith.shrsi %reduce_sum3A_562, %shift_right_arithmetic3A_839 : i32
      %and3A_841 = arith.constant 7 : i32
      %and3A_842 = arith.andi %shift_right_arithmetic3A_840, %and3A_841 : i32
      %mul3A_843 = arith.constant 32 : i32
      %mul3A_844 = arith.muli %add3A_27, %mul3A_843 : i32
      %add3A_845 = arith.addi %mul3A_2, %mul3A_844 : i32
      %add3A_846 = arith.constant 16 : i32
      %add3A_847 = arith.addi %add3A_845, %add3A_846 : i32
      %add3A_848 = arith.constant 12 : i32
      %add3A_849 = arith.addi %add3A_847, %add3A_848 : i32
      %dma_start3A_850 = arith.constant 0 : i32
      %dma_start3A_851 = tpu.memref_slice %arg5[%and3A_842, %dma_start3A_850] : memref<8x1024xf32, #tpu.memory_space<vmem>> -> memref<1x1024xf32, #tpu.memory_space<vmem>>
      %dma_start3A_852 = tpu.memref_squeeze %dma_start3A_851 : memref<1x1024xf32, #tpu.memory_space<vmem>> -> memref<1024xf32, #tpu.memory_space<vmem>>
      %dma_start3A_853 = arith.constant 0 : i32
      %dma_start3A_854 = tpu.memref_slice %arg4[%add3A_849, %dma_start3A_853] : memref<8192x1024xf32, #tpu.memory_space<hbm>> -> memref<1x1024xf32, #tpu.memory_space<hbm>>
      %dma_start3A_855 = tpu.memref_squeeze %dma_start3A_854 : memref<1x1024xf32, #tpu.memory_space<hbm>> -> memref<1024xf32, #tpu.memory_space<hbm>>
      %dma_start3A_856 = arith.constant 0 : i32
      %dma_start3A_857 = tpu.memref_slice %arg4[%add3A_849, %dma_start3A_856] : memref<8192x1024xf32, #tpu.memory_space<hbm>> -> memref<1x1024xf32, #tpu.memory_space<hbm>>
      %dma_start3A_858 = tpu.memref_squeeze %dma_start3A_857 : memref<1x1024xf32, #tpu.memory_space<hbm>> -> memref<1024xf32, #tpu.memory_space<hbm>>
      %dma_start3A_859 = arith.constant 0 : i32
      %dma_start3A_860 = tpu.memref_slice %arg5[%and3A_842, %dma_start3A_859] : memref<8x1024xf32, #tpu.memory_space<vmem>> -> memref<1x1024xf32, #tpu.memory_space<vmem>>
      %dma_start3A_861 = tpu.memref_squeeze %dma_start3A_860 : memref<1x1024xf32, #tpu.memory_space<vmem>> -> memref<1024xf32, #tpu.memory_space<vmem>>
      tpu.enqueue_dma source(%dma_start3A_861 : memref<1024xf32, #tpu.memory_space<vmem>>) target(%dma_start3A_858 : memref<1024xf32, #tpu.memory_space<hbm>>) target_semaphore(%arg9 : memref<!tpu.dma_semaphore, #tpu.memory_space<semaphore_mem>>)
      %shift_right_arithmetic3A_862 = arith.constant 20 : i32
      %shift_right_arithmetic3A_863 = arith.shrsi %reduce_sum3A_562, %shift_right_arithmetic3A_862 : i32
      %and3A_864 = arith.constant 7 : i32
      %and3A_865 = arith.andi %shift_right_arithmetic3A_863, %and3A_864 : i32
      %mul3A_866 = arith.constant 32 : i32
      %mul3A_867 = arith.muli %add3A_27, %mul3A_866 : i32
      %add3A_868 = arith.addi %mul3A_2, %mul3A_867 : i32
      %add3A_869 = arith.constant 16 : i32
      %add3A_870 = arith.addi %add3A_868, %add3A_869 : i32
      %add3A_871 = arith.constant 13 : i32
      %add3A_872 = arith.addi %add3A_870, %add3A_871 : i32
      %dma_start3A_873 = arith.constant 0 : i32
      %dma_start3A_874 = tpu.memref_slice %arg5[%and3A_865, %dma_start3A_873] : memref<8x1024xf32, #tpu.memory_space<vmem>> -> memref<1x1024xf32, #tpu.memory_space<vmem>>
      %dma_start3A_875 = tpu.memref_squeeze %dma_start3A_874 : memref<1x1024xf32, #tpu.memory_space<vmem>> -> memref<1024xf32, #tpu.memory_space<vmem>>
      %dma_start3A_876 = arith.constant 0 : i32
      %dma_start3A_877 = tpu.memref_slice %arg4[%add3A_872, %dma_start3A_876] : memref<8192x1024xf32, #tpu.memory_space<hbm>> -> memref<1x1024xf32, #tpu.memory_space<hbm>>
      %dma_start3A_878 = tpu.memref_squeeze %dma_start3A_877 : memref<1x1024xf32, #tpu.memory_space<hbm>> -> memref<1024xf32, #tpu.memory_space<hbm>>
      %dma_start3A_879 = arith.constant 0 : i32
      %dma_start3A_880 = tpu.memref_slice %arg4[%add3A_872, %dma_start3A_879] : memref<8192x1024xf32, #tpu.memory_space<hbm>> -> memref<1x1024xf32, #tpu.memory_space<hbm>>
      %dma_start3A_881 = tpu.memref_squeeze %dma_start3A_880 : memref<1x1024xf32, #tpu.memory_space<hbm>> -> memref<1024xf32, #tpu.memory_space<hbm>>
      %dma_start3A_882 = arith.constant 0 : i32
      %dma_start3A_883 = tpu.memref_slice %arg5[%and3A_865, %dma_start3A_882] : memref<8x1024xf32, #tpu.memory_space<vmem>> -> memref<1x1024xf32, #tpu.memory_space<vmem>>
      %dma_start3A_884 = tpu.memref_squeeze %dma_start3A_883 : memref<1x1024xf32, #tpu.memory_space<vmem>> -> memref<1024xf32, #tpu.memory_space<vmem>>
      tpu.enqueue_dma source(%dma_start3A_884 : memref<1024xf32, #tpu.memory_space<vmem>>) target(%dma_start3A_881 : memref<1024xf32, #tpu.memory_space<hbm>>) target_semaphore(%arg9 : memref<!tpu.dma_semaphore, #tpu.memory_space<semaphore_mem>>)
      %shift_right_arithmetic3A_885 = arith.constant 24 : i32
      %shift_right_arithmetic3A_886 = arith.shrsi %reduce_sum3A_562, %shift_right_arithmetic3A_885 : i32
      %and3A_887 = arith.constant 7 : i32
      %and3A_888 = arith.andi %shift_right_arithmetic3A_886, %and3A_887 : i32
      %mul3A_889 = arith.constant 32 : i32
      %mul3A_890 = arith.muli %add3A_27, %mul3A_889 : i32
      %add3A_891 = arith.addi %mul3A_2, %mul3A_890 : i32
      %add3A_892 = arith.constant 16 : i32
      %add3A_893 = arith.addi %add3A_891, %add3A_892 : i32
      %add3A_894 = arith.constant 14 : i32
      %add3A_895 = arith.addi %add3A_893, %add3A_894 : i32
      %dma_start3A_896 = arith.constant 0 : i32
      %dma_start3A_897 = tpu.memref_slice %arg5[%and3A_888, %dma_start3A_896] : memref<8x1024xf32, #tpu.memory_space<vmem>> -> memref<1x1024xf32, #tpu.memory_space<vmem>>
      %dma_start3A_898 = tpu.memref_squeeze %dma_start3A_897 : memref<1x1024xf32, #tpu.memory_space<vmem>> -> memref<1024xf32, #tpu.memory_space<vmem>>
      %dma_start3A_899 = arith.constant 0 : i32
      %dma_start3A_900 = tpu.memref_slice %arg4[%add3A_895, %dma_start3A_899] : memref<8192x1024xf32, #tpu.memory_space<hbm>> -> memref<1x1024xf32, #tpu.memory_space<hbm>>
      %dma_start3A_901 = tpu.memref_squeeze %dma_start3A_900 : memref<1x1024xf32, #tpu.memory_space<hbm>> -> memref<1024xf32, #tpu.memory_space<hbm>>
      %dma_start3A_902 = arith.constant 0 : i32
      %dma_start3A_903 = tpu.memref_slice %arg4[%add3A_895, %dma_start3A_902] : memref<8192x1024xf32, #tpu.memory_space<hbm>> -> memref<1x1024xf32, #tpu.memory_space<hbm>>
      %dma_start3A_904 = tpu.memref_squeeze %dma_start3A_903 : memref<1x1024xf32, #tpu.memory_space<hbm>> -> memref<1024xf32, #tpu.memory_space<hbm>>
      %dma_start3A_905 = arith.constant 0 : i32
      %dma_start3A_906 = tpu.memref_slice %arg5[%and3A_888, %dma_start3A_905] : memref<8x1024xf32, #tpu.memory_space<vmem>> -> memref<1x1024xf32, #tpu.memory_space<vmem>>
      %dma_start3A_907 = tpu.memref_squeeze %dma_start3A_906 : memref<1x1024xf32, #tpu.memory_space<vmem>> -> memref<1024xf32, #tpu.memory_space<vmem>>
      tpu.enqueue_dma source(%dma_start3A_907 : memref<1024xf32, #tpu.memory_space<vmem>>) target(%dma_start3A_904 : memref<1024xf32, #tpu.memory_space<hbm>>) target_semaphore(%arg9 : memref<!tpu.dma_semaphore, #tpu.memory_space<semaphore_mem>>)
      %shift_right_arithmetic3A_908 = arith.constant 28 : i32
      %shift_right_arithmetic3A_909 = arith.shrsi %reduce_sum3A_562, %shift_right_arithmetic3A_908 : i32
      %and3A_910 = arith.constant 7 : i32
      %and3A_911 = arith.andi %shift_right_arithmetic3A_909, %and3A_910 : i32
      %mul3A_912 = arith.constant 32 : i32
      %mul3A_913 = arith.muli %add3A_27, %mul3A_912 : i32
      %add3A_914 = arith.addi %mul3A_2, %mul3A_913 : i32
      %add3A_915 = arith.constant 16 : i32
      %add3A_916 = arith.addi %add3A_914, %add3A_915 : i32
      %add3A_917 = arith.constant 15 : i32
      %add3A_918 = arith.addi %add3A_916, %add3A_917 : i32
      %dma_start3A_919 = arith.constant 0 : i32
      %dma_start3A_920 = tpu.memref_slice %arg5[%and3A_911, %dma_start3A_919] : memref<8x1024xf32, #tpu.memory_space<vmem>> -> memref<1x1024xf32, #tpu.memory_space<vmem>>
      %dma_start3A_921 = tpu.memref_squeeze %dma_start3A_920 : memref<1x1024xf32, #tpu.memory_space<vmem>> -> memref<1024xf32, #tpu.memory_space<vmem>>
      %dma_start3A_922 = arith.constant 0 : i32
      %dma_start3A_923 = tpu.memref_slice %arg4[%add3A_918, %dma_start3A_922] : memref<8192x1024xf32, #tpu.memory_space<hbm>> -> memref<1x1024xf32, #tpu.memory_space<hbm>>
      %dma_start3A_924 = tpu.memref_squeeze %dma_start3A_923 : memref<1x1024xf32, #tpu.memory_space<hbm>> -> memref<1024xf32, #tpu.memory_space<hbm>>
      %dma_start3A_925 = arith.constant 0 : i32
      %dma_start3A_926 = tpu.memref_slice %arg4[%add3A_918, %dma_start3A_925] : memref<8192x1024xf32, #tpu.memory_space<hbm>> -> memref<1x1024xf32, #tpu.memory_space<hbm>>
      %dma_start3A_927 = tpu.memref_squeeze %dma_start3A_926 : memref<1x1024xf32, #tpu.memory_space<hbm>> -> memref<1024xf32, #tpu.memory_space<hbm>>
      %dma_start3A_928 = arith.constant 0 : i32
      %dma_start3A_929 = tpu.memref_slice %arg5[%and3A_911, %dma_start3A_928] : memref<8x1024xf32, #tpu.memory_space<vmem>> -> memref<1x1024xf32, #tpu.memory_space<vmem>>
      %dma_start3A_930 = tpu.memref_squeeze %dma_start3A_929 : memref<1x1024xf32, #tpu.memory_space<vmem>> -> memref<1024xf32, #tpu.memory_space<vmem>>
      tpu.enqueue_dma source(%dma_start3A_930 : memref<1024xf32, #tpu.memory_space<vmem>>) target(%dma_start3A_927 : memref<1024xf32, #tpu.memory_space<hbm>>) target_semaphore(%arg9 : memref<!tpu.dma_semaphore, #tpu.memory_space<semaphore_mem>>)
      %gt3A_931 = arith.constant 1 : i32
      %gt3A_932 = arith.cmpi sgt, %add3A_27, %gt3A_931 : i32
      %convert_element_type3A_933 = arith.extui %gt3A_932 : i1 to i32
      %cond3A_934 = arith.constant 0 : i32
      %cond3A_935 = arith.cmpi ne, %convert_element_type3A_933, %cond3A_934 : i32
      scf.if %cond3A_935 {
        %dma_wait3A_936 = arith.constant 0 : i32
        %dma_wait3A_937 = arith.constant 0 : i32
        %dma_wait3A_938 = tpu.memref_slice %arg4[%dma_wait3A_936, %dma_wait3A_937] : memref<8192x1024xf32, #tpu.memory_space<hbm>> -> memref<32x1024xf32, #tpu.memory_space<hbm>>
        %dma_wait3A_939 = arith.constant 0 : i32
        %dma_wait3A_940 = arith.constant 0 : i32
        %dma_wait3A_941 = tpu.memref_slice %arg4[%dma_wait3A_939, %dma_wait3A_940] : memref<8192x1024xf32, #tpu.memory_space<hbm>> -> memref<32x1024xf32, #tpu.memory_space<hbm>>
        tpu.wait_dma2 semaphore(%arg9 : memref<!tpu.dma_semaphore, #tpu.memory_space<semaphore_mem>>) src(%dma_wait3A_941 : memref<32x1024xf32, #tpu.memory_space<hbm>>) dst(%arg7 : memref<32x1024xf32, #tpu.memory_space<vmem>>)
      } else {
      }
    }
    %scan3A_11 = arith.constant 8 : i32
    %dma_wait3A = arith.constant 0 : i32
    %dma_wait3A_12 = arith.constant 0 : i32
    %dma_wait3A_13 = tpu.memref_slice %arg4[%dma_wait3A, %dma_wait3A_12] : memref<8192x1024xf32, #tpu.memory_space<hbm>> -> memref<32x1024xf32, #tpu.memory_space<hbm>>
    %dma_wait3A_14 = arith.constant 0 : i32
    %dma_wait3A_15 = arith.constant 0 : i32
    %dma_wait3A_16 = tpu.memref_slice %arg4[%dma_wait3A_14, %dma_wait3A_15] : memref<8192x1024xf32, #tpu.memory_space<hbm>> -> memref<32x1024xf32, #tpu.memory_space<hbm>>
    tpu.wait_dma2 semaphore(%arg9 : memref<!tpu.dma_semaphore, #tpu.memory_space<semaphore_mem>>) src(%dma_wait3A_16 : memref<32x1024xf32, #tpu.memory_space<hbm>>) dst(%arg7 : memref<32x1024xf32, #tpu.memory_space<vmem>>)
    %dma_wait3A_17 = arith.constant 0 : i32
    %dma_wait3A_18 = arith.constant 0 : i32
    %dma_wait3A_19 = tpu.memref_slice %arg4[%dma_wait3A_17, %dma_wait3A_18] : memref<8192x1024xf32, #tpu.memory_space<hbm>> -> memref<32x1024xf32, #tpu.memory_space<hbm>>
    %dma_wait3A_20 = arith.constant 0 : i32
    %dma_wait3A_21 = arith.constant 0 : i32
    %dma_wait3A_22 = tpu.memref_slice %arg4[%dma_wait3A_20, %dma_wait3A_21] : memref<8192x1024xf32, #tpu.memory_space<hbm>> -> memref<32x1024xf32, #tpu.memory_space<hbm>>
    tpu.wait_dma2 semaphore(%arg9 : memref<!tpu.dma_semaphore, #tpu.memory_space<semaphore_mem>>) src(%dma_wait3A_22 : memref<32x1024xf32, #tpu.memory_space<hbm>>) dst(%arg7 : memref<32x1024xf32, #tpu.memory_space<vmem>>)
    return
  }
}

</mosaic_0001>

<sc_bundles>
// kernel: _routing_gather.3.cloned.1.call-start
scs
__scs_entry_jumppad:
0x0: {  	(pc) =	sbr.rel $0x88, $3  }
0x1: {  	(tag) =	ssettag $0x0;
	lr =	simm.s32 $0x1  }
0x2: {  	[smem:$0x3F9F] =	sst lr;
	_ =	strace $0xD0000000  }
0x3: {  	_ = 	snop  }
0x4: {  	_ = 	snop  }
0x5: {  	_ = 	snop  }
0x6: {  	_ = 	snop  }
0x7: {  	_ = 	snop  }
__scs_overlays_trampoline_lowered:
0x8: {  	[smem:$0x3FAE] =	sst s0  }
0x9: {  	[smem:$0x3FAF] =	sst s1  }
0xa: {  	[smem:$0x3FB0] =	sst s2  }
0xb: {  	[smem:$0x3FB1] =	sst s3  }
0xc: {  	[smem:$0x3FB2] =	sst s4  }
0xd: {  	[smem:$0x3FB3] =	sst s5  }
0xe: {  	[smem:$0x3FB4] =	sst s6  }
0xf: {  	[smem:$0x3FB5] =	sst s7  }
0x10: {  	[smem:$0x3FB6] =	sst s8  }
0x11: {  	[smem:$0x3FB7] =	sst s9;
	s0 =	simm.s32 @!p0 $0x0  }
0x12: {  	s1 =	sld [smem:$0x3F9D];
	s0 =	simm.s32 @p0 $0x1  }
0x13: {  	[smem:$0x3FB8] =	sst s0;
	s0 =	simm.s32 @!p1 $0x0  }
0x14: {  	s2 =	sld [smem:$0x3F9C];
	s0 =	simm.s32 @p1 $0x1  }
0x15: {  	[smem:$0x3FB9] =	sst s0;
	s0 =	simm.s32 @!p2 $0x0  }
0x16: {  	s3 =	sld [smem:$0x3FDB];
	s0 =	simm.s32 @p2 $0x1  }
0x17: {  	s4 =	simm.s32 $0x1BF5;
	[smem:$0x3FBB] =	sst s0  }
0x18: {  	s0 =	sld [smem:$0x3F9E];
	_ =	swait.ge [sflag:s4], $0x0  }
0x19: {  	s7 =	sld [smem:$0x3F9F]  }
0x1a: {  	s8 =	sadd.s32 $0xFFFFE003, lr  }
0x1b: {  	s9 =	sadd.s32 $0xFFFFFEF7, lr;
	s5 =	simm.s32 $0xFFFFFFFF;
	p2 =	slt.u32 s8, $0xFFFFF086  }
0x1c: {  	p1 =	slt.u32 s9, $0xF7A;
	s5 =	simm.s32 @!p2 $0x0  }
0x1d: {  	s5 =	simm.s32 @p1 $0x1;
	p0 =	seq.s32 s7, s2  }
0x1e: {  	s7 =	smul.u32 @!p0 $0xF7A, s2;
	p2 =	seq.s32 @!p0 s5, $0x0  }
0x1f: {  	s9 =	smul.u32 $0xF7A, s1;
	s8 =	simm.s32 @!p0 $0x1BF5;
	p2 =	por !p2, p0  }
0x20: {  	[sflag:s8] =	ssyncset.s32 @!p0 $0xFFFFF086;
	s6 =	sadd.s32 @!p0 s3, s7;
	s7 =	simm.s32 @!p0 $0x108  }
0x21: {  	s3 =	sadd.s32 s3, s9;
	s6 =	sadd.s32 @!p0 $0x88, s6;
	s7 =	simm.s32 @p2 $0x1082  }
0x22: {  	[simem:s7], [sflag:s8] =	dma.local @!p0 [hbm:s6], $0xF7A  }
0x23: {  	s9 =	sor.u32 $0xD0000000, s2;
	s6 =	simm.s32 $0x108;
	_ =	swait.ge @!p0 [sflag:s8], $0x0  }
0x24: {  	s3 =	sadd.s32 $0x88, s3;
	s6 =	simm.s32 @!p1 $0x1082;
	[sflag:s4] =	ssyncset.s32 $0xFFFFF086  }
0x25: {  	[simem:s6], [sflag:s4] =	dma.local [hbm:s3], $0xF7A  }
0x26: {  	[smem:$0x3F9F] =	sst s1;
	(tag) =	ssettag s2;
	_ =	strace s9  }
0x27: {  	s1 =	sld [smem:$0x3FAF]  }
0x28: {  	s2 =	sld [smem:$0x3FB0]  }
0x29: {  	s4 =	sld [smem:$0x3FB2]  }
0x2a: {  	p0 =	seq.s32 s5, $0x0;
	s5 =	sld [smem:$0x3FB3]  }
0x2b: {  	s6 =	sld [smem:$0x3FB4]  }
0x2c: {  	s7 =	sld [smem:$0x3FB5]  }
0x2d: {  	s3 =	simm.s32 $0x108;
	s8 =	sld [smem:$0x3FB6]  }
0x2e: {  	s3 =	simm.s32 @!p0 $0x1082;
	s9 =	sld [smem:$0x3FB7]  }
0x2f: {  	lr =	sadd.s32 s0, s3;
	s0 =	sld [smem:$0x3FAE]  }
0x30: {  	s3 =	sld [smem:$0x3FB1]  }
0x31: {  	[smem:$0x3FBA] =	sst s10  }
0x32: {  	s10 =	sld [smem:$0x3FB8];
	_ =	sdelay $0x3  }
0x33: {  	p0 =	seq.s32 s10, $0x1;
	s10 =	sld [smem:$0x3FBA];
	_ =	sdelay $0x3  }
0x34: {  	[smem:$0x3FBA] =	sst s10  }
0x35: {  	s10 =	sld [smem:$0x3FB9];
	_ =	sdelay $0x3  }
0x36: {  	p1 =	seq.s32 s10, $0x1;
	s10 =	sld [smem:$0x3FBA];
	_ =	sdelay $0x3  }
0x37: {  	[smem:$0x3FBA] =	sst s10  }
0x38: {  	s10 =	sld [smem:$0x3FBB]  }
0x39: {  	_ = 	snop;
	(pc) =	sbr.ind lr, $3  }
0x3a: {  	_ = 	snop  }
0x3b: {  	_ = 	snop  }
0x3c: {  	p2 =	seq.s32 s10, $0x1;
	s10 =	sld [smem:$0x3FBA]  }
0x3d: {  	_ =	shalt  }
0x3e: {  	_ =	shalt  }
0x3f: {  	_ =	shalt  }
0x40: {  	_ =	shalt  }
0x41: {  	_ =	shalt  }
0x42: {  	_ =	shalt  }
0x43: {  	_ =	shalt  }
0x44: {  	_ =	shalt  }
0x45: {  	_ =	shalt  }
0x46: {  	_ =	shalt  }
0x47: {  	_ =	shalt  }
0x48: {  	_ =	shalt  }
0x49: {  	_ =	shalt  }
0x4a: {  	_ =	shalt  }
0x4b: {  	_ =	shalt  }
0x4c: {  	_ =	shalt  }
0x4d: {  	_ =	shalt  }
0x4e: {  	_ =	shalt  }
0x4f: {  	_ =	shalt  }
0x50: {  	_ =	shalt  }
0x51: {  	_ =	shalt  }
0x52: {  	_ =	shalt  }
0x53: {  	_ =	shalt  }
0x54: {  	_ =	shalt  }
0x55: {  	_ =	shalt  }
0x56: {  	_ =	shalt  }
0x57: {  	_ =	shalt  }
0x58: {  	_ =	shalt  }
0x59: {  	_ =	shalt  }
0x5a: {  	_ =	shalt  }
0x5b: {  	_ =	shalt  }
0x5c: {  	_ =	shalt  }
0x5d: {  	_ =	shalt  }
0x5e: {  	_ =	shalt  }
0x5f: {  	_ =	shalt  }
0x60: {  	_ =	shalt  }
0x61: {  	_ =	shalt  }
0x62: {  	_ =	shalt  }
0x63: {  	_ =	shalt  }
0x64: {  	_ =	shalt  }
0x65: {  	_ =	shalt  }
0x66: {  	_ =	shalt  }
0x67: {  	_ =	shalt  }
0x68: {  	_ =	shalt  }
0x69: {  	_ =	shalt  }
0x6a: {  	_ =	shalt  }
0x6b: {  	_ =	shalt  }
0x6c: {  	_ =	shalt  }
0x6d: {  	_ =	shalt  }
0x6e: {  	_ =	shalt  }
0x6f: {  	_ =	shalt  }
0x70: {  	_ =	shalt  }
0x71: {  	_ =	shalt  }
0x72: {  	_ =	shalt  }
0x73: {  	_ =	shalt  }
0x74: {  	_ =	shalt  }
0x75: {  	_ =	shalt  }
0x76: {  	_ =	shalt  }
0x77: {  	_ =	shalt  }
0x78: {  	_ =	shalt  }
0x79: {  	_ =	shalt  }
0x7a: {  	_ =	shalt  }
0x7b: {  	_ =	shalt  }
0x7c: {  	_ =	shalt  }
0x7d: {  	_ =	shalt  }
0x7e: {  	_ =	shalt  }
0x7f: {  	_ =	shalt  }
0x80: {  	_ =	shalt  }
0x81: {  	_ =	shalt  }
0x82: {  	_ =	shalt  }
0x83: {  	_ =	shalt  }
0x84: {  	_ =	shalt  }
0x85: {  	_ =	shalt  }
0x86: {  	_ =	shalt  }
0x87: {  	_ =	shalt  }
.Lfunc_end0:
.L_simem_size_0:
called_computation_lowered:
.L_overlay_start_0:
0x88: {  	s2 =	sld [smem:$0x3FD9]  }
0x89: {  	s3 =	sld [smem:$0x3FFE];
	_ =	sdelay $0x1  }
0x8a: {  	s1 =	srdreg.scid  }
0x8b: {  	s0 =	sand.u32 $0x1, s1  }
0x8c: {  	s17 =	sshll.u32 s0, $0xA;
	s2 =	sadd.s32 s3, s2  }
0x8d: {  	s2 =	sadd.s32 s2, s17  }
0x8e: {  	[smem:$0x3FC6] =	sst s2  }
0x8f: {  	_ = 	snop  }
0x90: {  	s2 =	sld [smem:$0x3FC9]  }
0x91: {  	s18 =	sld [smem:$0x3FD0];
	(tm) =	ssettm $0x1  }
0x92: {  	s4 =	sld [smem:$0x3FFB];
	_ =	sdelay $0x3  }
0x93: {  	_ =	strace s4  }
0x94: {  	s4 =	sld [smem:$0x3FFC];
	_ =	sdelay $0x3  }
0x95: {  	_ =	strace s4  }
0x96: {  	s4 =	sld [smem:$0x3FFD];
	_ =	sdelay $0x3  }
0x97: {  	_ =	strace s4  }
0x98: {  	_ =	strace $0x8FFFFFFF  }
0x99: {  	s19 =	sld [smem:$0x3FDB];
	_ =	sdelay $0x1  }
0x9a: {  	s5 =	simm.s32 $_scs_section_size  }
0x9b: {  	s6 =	simm.s32 $_size__tile_overlayer_lowered;
	s7 =	simm.s32 $_tile_overlayer_lowered  }
0x9c: {  	s22 =	simm.s32 $0x1BFF;
	s21 =	sshll.u32 s7, $0x1;
	s4 =	sadd.s32 s5, s19  }
0x9d: {  	s8 =	simm.s32 $0x0;
	s20 =	sshll.u32 s6, $0x1;
	s6 =	sadd.s32 s21, s4  }
0x9e: {  	[timem:s8], [sflag:s22] =	dma.local [hbm:s6], s20  }
0x9f: {  	_ =	swait.ge [sflag:s22], s20  }
0xa0: {  	s5 =	ssub.s32 $0x0, s20;
	[sflag:s22] =	ssyncset.done $0x0  }
0xa1: {  	[sflag:s22] =	ssyncadd.s32 s5;
	_ =	sdelay $0x1  }
0xa2: {  	s23 =	simm.s32 $0x1B8B  }
0xa3: {  	_ =	swait.ge [sflag:s23], $0x1  }
0xa4: {  	[sflag:s23] =	ssyncset.done $0x0  }
0xa5: {  	s25 =	simm.s32 $0x1B8E;
	s24 =	sld [smem:$0x3FFE];
	[sflag:s23] =	ssyncadd.s32 $0xFFFFFFFF  }
0xa6: {  	s26 =	simm.s32 $execute0_lowered;
	[smem:$0x3FD2] =	sst s25  }
0xa7: {  	s6 =	sshll.u32 s26, $0x1;
	_ =	strace $0x80000046;
	[dreg:$0x1] =	wrdreg $0xFFFFFFFF  }
0xa8: {  	s28 =	simm.s32 $_size_execute0_lowered;
	s4 =	sadd.s32 s4, s6;
	[dreg:$0x0] =	wrdreg $0x0  }
0xa9: {  	s6 =	sshll.u32 s28, $0x1;
	[dreg:$0x2] =	wrdreg s4  }
0xaa: {  	[dreg:$0x3] =	wrdreg s6  }
0xab: {  	[dreg:$0x4] =	wrdreg $0xC0  }
0xac: {  	_ =	task [dreg:s8], $0x5FFFF  }
0xad: {  	[dreg:$0x1] =	wrdreg $0xFFFFFFFF  }
0xae: {  	[dreg:$0x0] =	wrdreg $0x60  }
0xaf: {  	[dreg:$0x2] =	wrdreg s2  }
0xb0: {  	[dreg:$0x3] =	wrdreg s24  }
0xb1: {  	[dreg:$0x4] =	wrdreg s18  }
0xb2: {  	[dreg:$0x5] =	wrdreg $0x9  }
0xb3: {  	_ =	task.clear_ibuf [dreg:s8], $0x6FFFF;
	_ =	strace $0x90000046  }
0xb4: {  	s29 =	simm.s32 $0x9;
	_ =	strace $0x80000048  }
0xb5: {  	_ =	swait.ge [sflag:s29], $0x1  }
0xb6: {  	[sflag:s29] =	ssyncadd.s32 $0xFFFFFFFF  }
0xb7: {  	_ =	strace $0x90000048  }
0xb8: {  	_ =	sfence  }
0xb9: {  	s30 =	sld [smem:$0x0];
	_ =	sdelay $0x2  }
0xba: {  	s31 =	sshll.u32 s1, $0xD;
	s1 =	sshrl.u32 s1, $0x2  }
0xbb: {  	s3 =	sand.u32 $0x4000, s31;
	s1 =	sadd.s32 s1, s30  }
0xbc: {  	s0 =	sor.u32 s3, s0;
	s1 =	sshll.u32 s1, $0x11  }
0xbd: {  	s0 =	sor.u32 s1, s0  }
0xbe: {  	s0 =	sadd.s32 $0x8F2B, s0  }
0xbf: {  	[sflag:s0] =	ssyncadd.remote.s32 $0x1  }
0xc0: {  	_ =	sfence.sel $0xFFFF  }
0xc1: {  	[dreg:$0x0] =	wrdreg $0xFFFFFFFF;
	(pc) =	sbr.abs _section_cstart, $3  }
0xc2: {  	[dreg:$0x1] =	wrdreg $0xFFFFFFFF  }
0xc3: {  	_ =	task.clear_ibuf [dreg:s8], $0x2FFFF;
	_ =	strace $0x9FFFFFFF  }
0xc4: {  	(tm) =	ssettm $0x7FFFFFFF  }
0xc5: {  	_ =	shalt  }
tec
execute0_lowered:
.L_overlay_start_1:
0x0: {  	(tag) =	ssettag $0x1  }
0x1: {  	s4 =	rddreg [dreg:$0x1]  }
0x2: {  	s5 =	rddreg [dreg:$0x2];
	s6 =	srdreg.scid  }
0x3: {  	s3 =	simm.s32 $0x0;
	s0 =	stileid.u32;
	s6 =	sand.u32 $0x1, s6  }
0x4: {  	[smem:$0x7FF] =	sst s3;
	s7 =	sshll.u32 s0, $0xD;
	s30 =	sshll.u32 s0, $0x10  }
0x5: {  	s8 =	sshll.u32 s6, $0xC;
	_ =	strace $0x80000047;
	s29 =	ssub.s32 $0x2, s6  }
0x6: {  	s5 =	sadd.s32 s30, s5;
	s6 =	sshll.u32 s6, $0xF;
	s7 =	sor.u32 s8, s7  }
0x7: {  	s9 =	sshrl.u32 s29, $0x1;
	s6 =	sadd.s32 s6, s5;
	s8 =	simm.s32 $0x2  }
0x8: {  	v1 =	vlaneseq.u32;
	s4 =	sadd.s32 s7, s4;
	s7 =	ssub.s32 s29, s9;
	[dreg:$0x4] =	wrdreg s6  }
0x9: {  	vm0 =	vmmov $0xff;
	v2 =	vand.u32 $0x7, v1;
	s6 =	simm.s32 $0x2000;
	s9 =	simm.s32 $0x0;
	s31 =	sadd.s32 $0x400, s4  }
0xa: {  	v0 =	vmul.u32 $0x80, v1;
	v1 =	vimm.s32 $0x0;
	v2 =	vmul.u32 $0x4, v2;
	s5 =	smax.u32 s7, $0x1;
	s7 =	simm.s32 $0x3;
	[dreg:$0x5] =	wrdreg s31  }
.LBB2_1:
0xb: {  	s10 =	simm.s32 $0x0  }
0xc: {  	s0 =	rddreg [dreg:$0x0];
	v3 =	vmov s10  }
0xd: {  	[tilespmem:s3], [sflag:$0x1] =	stream.linear.gather [hbm4b:s0+s3], $0x2000, $0x38;
	v3 =	vshll.u32 v3, $0x7;
	[tilespmem:$0xA000] =	vst v63  }
0xe: {  	s25 =	rddreg [dreg:$0x5];
	v3 =	vor.u32 v0, v3  }
0xf: {  	[tilespmem:s6], [sflag:$0x3] =	stream.linear.gather [hbm4b:s25+s3], $0x8000, $0x38;
	v4 =	vor.u32 $0x1, v3;
	[tilespmem:$0xA000] =	vst v63  }
0x10: {  	_ =	swait.ge [sflag:s7], $0x8000  }
0x11: {  	v5 =	vor.u32 $0x2, v3;
	[sflag:s7] =	ssyncset.done $0x0  }
0x12: {  	[sflag:s7] =	ssyncadd.s32 $0xFFFF8000  }
0x13: {  	v6 =	vor.u32 $0x3, v3;
	v7 =	vld.idx.msk [tilespmem:v3+s6+$0x0], $0xffff  }
0x14: {  	v4 =	vld.idx.msk [tilespmem:v4+s6+$0x0], $0xffff  }
0x15: {  	v8 =	vor.u32 $0x4, v3  }
0x16: {  	v5 =	vld.idx.msk [tilespmem:v5+s6+$0x0], $0xffff  }
0x17: {  	v9 =	vor.u32 $0x5, v3  }
0x18: {  	v6 =	vld.idx.msk [tilespmem:v6+s6+$0x0], $0xffff  }
0x19: {  	v10 =	vor.u32 $0x6, v3;
	vm1 =	vgt.f32 v4, v7  }
0x1a: {  	v8 =	vld.idx.msk [tilespmem:v8+s6+$0x0], $0xffff;
	v4 =	vsel vm1, v4, v7  }
0x1b: {  	v3 =	vor.u32 $0x7, v3;
	vm2 =	vgt.f32 v5, v4  }
0x1c: {  	v7 =	vld.idx.msk [tilespmem:v9+s6+$0x0], $0xffff;
	v4 =	vsel vm2, v5, v4  }
0x1d: {  	vm3 =	vgt.f32 v6, v4  }
0x1e: {  	v5 =	vld.idx.msk [tilespmem:v10+s6+$0x0], $0xffff;
	v4 =	vsel vm3, v6, v4  }
0x1f: {  	vm4 =	vgt.f32 v8, v4  }
0x20: {  	v3 =	vld.idx.msk [tilespmem:v3+s6+$0x0], $0xffff;
	v6 =	vsel vm1, $0x1, v1;
	v4 =	vsel vm4, v8, v4  }
0x21: {  	v6 =	vsel vm2, $0x2, v6;
	vm1 =	vgt.f32 v7, v4  }
0x22: {  	v6 =	vsel vm3, $0x3, v6;
	v4 =	vsel vm1, v7, v4  }
0x23: {  	v6 =	vsel vm4, $0x4, v6;
	vm2 =	vgt.f32 v5, v4  }
0x24: {  	v6 =	vsel vm1, $0x5, v6;
	v4 =	vsel vm2, v5, v4  }
0x25: {  	v5 =	vsel vm2, $0x6, v6;
	vm1 =	vgt.f32 v3, v4  }
0x26: {  	v3 =	vsel vm1, $0x7, v5  }
0x27: {  	v3 =	vshll.u32 v3, v2  }
0x28: {  	v4 =	vnsel vm0, $0x0, v3  }
0x29: {  	(xrf0) =	vadd.scan.msk.s32 $0xffff, v4;
	_ =	sdelay $0x5  }
0x2a: {  	v4, _, _ =	vpop (xrf0)  }
0x2b: {  	(v2sf) =	vpush v4, $0xF;
	_ =	sdelay $0x5  }
0x2c: {  	v3 =	vsel vm0, $0x0, v3  }
0x2d: {  	(xrf0) =	vadd.scan.msk.s32 $0xffff, v3;
	_ =	sdelay $0x4  }
0x2e: {  	p0 =	por $0x0, $0x0  }
0x2f: {  	s10 =	simm.s32 @!p0 $0x1;
	v3, _, _ =	vpop (xrf0)  }
0x30: {  	_ =	swait.ge @!p0 [sflag:s10], $0x2000  }
0x31: {  	s11 =	spop (v2sf)  }
0x32: {  	s12 =	rddreg [dreg:$0x4];
	[sflag:s10] =	ssyncset.done @!p0 $0x0;
	s13 =	sshll.u32 s11, $0x7  }
0x33: {  	[sflag:s10] =	ssyncadd.s32 @!p0 $0xFFFFE000;
	s10 =	sadd.s32 $0x0, s12;
	s26 =	sand.u32 $0x380, s13  }
0x34: {  	[hbm4b:s10+s3] =	stream.linear.scatter [tilespmem:s26], [sflag:$0x2], $0x80, $0x38;
	[tilespmem:$0xA000] =	vst v63  }
0x35: {  	s14 =	sadd.s32 $0x80, s10;
	s13 =	sor.u32 $0x400, s26  }
0x36: {  	[hbm4b:s14+s3] =	stream.linear.scatter [tilespmem:s13], [sflag:$0x2], $0x80, $0x38;
	[tilespmem:$0xA000] =	vst v63  }
0x37: {  	s29 =	sadd.s32 $0x100, s10;
	s28 =	sor.u32 $0x800, s26  }
0x38: {  	[hbm4b:s29+s3] =	stream.linear.scatter [tilespmem:s28], [sflag:$0x2], $0x80, $0x38;
	[tilespmem:$0xA000] =	vst v63  }
0x39: {  	s31 =	sadd.s32 $0x180, s10;
	s30 =	sor.u32 $0xC00, s26  }
0x3a: {  	[hbm4b:s31+s3] =	stream.linear.scatter [tilespmem:s30], [sflag:$0x2], $0x80, $0x38;
	[tilespmem:$0xA000] =	vst v63  }
0x3b: {  	s1 =	sadd.s32 $0x200, s10;
	s0 =	sor.u32 $0x1000, s26  }
0x3c: {  	[hbm4b:s1+s3] =	stream.linear.scatter [tilespmem:s0], [sflag:$0x2], $0x80, $0x38;
	[tilespmem:$0xA000] =	vst v63  }
0x3d: {  	s4 =	sadd.s32 $0x280, s10;
	s2 =	sor.u32 $0x1400, s26  }
0x3e: {  	[hbm4b:s4+s3] =	stream.linear.scatter [tilespmem:s2], [sflag:$0x2], $0x80, $0x38;
	[tilespmem:$0xA000] =	vst v63  }
0x3f: {  	s16 =	sadd.s32 $0x300, s10;
	s15 =	sor.u32 $0x1800, s26  }
0x40: {  	[hbm4b:s16+s3] =	stream.linear.scatter [tilespmem:s15], [sflag:$0x2], $0x80, $0x38;
	[tilespmem:$0xA000] =	vst v63  }
0x41: {  	s18 =	sadd.s32 $0x380, s10;
	s17 =	sshll.u32 s11, $0x3;
	s12 =	sor.u32 $0x1C00, s26  }
0x42: {  	[hbm4b:s18+s3] =	stream.linear.scatter [tilespmem:s12], [sflag:$0x2], $0x80, $0x38;
	[tilespmem:$0xA000] =	vst v63  }
0x43: {  	s19 =	sadd.s32 $0x10, s10;
	s13 =	sand.u32 $0x380, s17  }
0x44: {  	[hbm4b:s19+s3] =	stream.linear.scatter [tilespmem:s13], [sflag:$0x2], $0x80, $0x38;
	[tilespmem:$0xA000] =	vst v63  }
0x45: {  	s21 =	sadd.s32 $0x90, s10;
	s20 =	sor.u32 $0x400, s13  }
0x46: {  	[hbm4b:s21+s3] =	stream.linear.scatter [tilespmem:s20], [sflag:$0x2], $0x80, $0x38;
	[tilespmem:$0xA000] =	vst v63  }
0x47: {  	s23 =	sadd.s32 $0x110, s10;
	s22 =	sor.u32 $0x800, s13  }
0x48: {  	[hbm4b:s23+s3] =	stream.linear.scatter [tilespmem:s22], [sflag:$0x2], $0x80, $0x38;
	[tilespmem:$0xA000] =	vst v63  }
0x49: {  	s25 =	sadd.s32 $0x190, s10;
	s24 =	sor.u32 $0xC00, s13  }
0x4a: {  	[hbm4b:s25+s3] =	stream.linear.scatter [tilespmem:s24], [sflag:$0x2], $0x80, $0x38;
	[tilespmem:$0xA000] =	vst v63  }
0x4b: {  	s26 =	sor.u32 $0x1000, s13;
	s28 =	sadd.s32 $0x210, s10  }
0x4c: {  	[hbm4b:s28+s3] =	stream.linear.scatter [tilespmem:s26], [sflag:$0x2], $0x80, $0x38;
	[tilespmem:$0xA000] =	vst v63  }
0x4d: {  	s29 =	sor.u32 $0x1400, s13;
	s30 =	sadd.s32 $0x290, s10  }
0x4e: {  	[hbm4b:s30+s3] =	stream.linear.scatter [tilespmem:s29], [sflag:$0x2], $0x80, $0x38;
	[tilespmem:$0xA000] =	vst v63  }
0x4f: {  	s31 =	sor.u32 $0x1800, s13;
	s0 =	sadd.s32 $0x310, s10  }
0x50: {  	[hbm4b:s0+s3] =	stream.linear.scatter [tilespmem:s31], [sflag:$0x2], $0x80, $0x38;
	[tilespmem:$0xA000] =	vst v63  }
0x51: {  	s1 =	sshrl.u32 s11, $0x1;
	s2 =	sadd.s32 $0x390, s10;
	s13 =	sor.u32 $0x1C00, s13  }
0x52: {  	[hbm4b:s2+s3] =	stream.linear.scatter [tilespmem:s13], [sflag:$0x2], $0x80, $0x38;
	[tilespmem:$0xA000] =	vst v63  }
0x53: {  	s4 =	sadd.s32 $0x20, s10;
	s12 =	sand.u32 $0x380, s1  }
0x54: {  	[hbm4b:s4+s3] =	stream.linear.scatter [tilespmem:s12], [sflag:$0x2], $0x80, $0x38;
	[tilespmem:$0xA000] =	vst v63  }
0x55: {  	s15 =	sadd.s32 $0xA0, s10;
	s14 =	sor.u32 $0x400, s12  }
0x56: {  	[hbm4b:s15+s3] =	stream.linear.scatter [tilespmem:s14], [sflag:$0x2], $0x80, $0x38;
	[tilespmem:$0xA000] =	vst v63  }
0x57: {  	s17 =	sadd.s32 $0x120, s10;
	s16 =	sor.u32 $0x800, s12  }
0x58: {  	[hbm4b:s17+s3] =	stream.linear.scatter [tilespmem:s16], [sflag:$0x2], $0x80, $0x38;
	[tilespmem:$0xA000] =	vst v63  }
0x59: {  	s18 =	sor.u32 $0xC00, s12;
	s19 =	sadd.s32 $0x1A0, s10  }
0x5a: {  	[hbm4b:s19+s3] =	stream.linear.scatter [tilespmem:s18], [sflag:$0x2], $0x80, $0x38;
	[tilespmem:$0xA000] =	vst v63  }
0x5b: {  	s20 =	sor.u32 $0x1000, s12;
	s21 =	sadd.s32 $0x220, s10  }
0x5c: {  	[hbm4b:s21+s3] =	stream.linear.scatter [tilespmem:s20], [sflag:$0x2], $0x80, $0x38;
	[tilespmem:$0xA000] =	vst v63  }
0x5d: {  	s22 =	sor.u32 $0x1400, s12;
	s23 =	sadd.s32 $0x2A0, s10  }
0x5e: {  	[hbm4b:s23+s3] =	stream.linear.scatter [tilespmem:s22], [sflag:$0x2], $0x80, $0x38;
	[tilespmem:$0xA000] =	vst v63  }
0x5f: {  	s24 =	sor.u32 $0x1800, s12;
	s25 =	sadd.s32 $0x320, s10  }
0x60: {  	[hbm4b:s25+s3] =	stream.linear.scatter [tilespmem:s24], [sflag:$0x2], $0x80, $0x38;
	[tilespmem:$0xA000] =	vst v63  }
0x61: {  	s26 =	sshrl.u32 s11, $0x5;
	s28 =	sadd.s32 $0x3A0, s10;
	s12 =	sor.u32 $0x1C00, s12  }
0x62: {  	[hbm4b:s28+s3] =	stream.linear.scatter [tilespmem:s12], [sflag:$0x2], $0x80, $0x38;
	[tilespmem:$0xA000] =	vst v63  }
0x63: {  	s29 =	sadd.s32 $0x30, s10;
	s13 =	sand.u32 $0x380, s26  }
0x64: {  	[hbm4b:s29+s3] =	stream.linear.scatter [tilespmem:s13], [sflag:$0x2], $0x80, $0x38;
	[tilespmem:$0xA000] =	vst v63  }
0x65: {  	s31 =	sadd.s32 $0xB0, s10;
	s30 =	sor.u32 $0x400, s13  }
0x66: {  	[hbm4b:s31+s3] =	stream.linear.scatter [tilespmem:s30], [sflag:$0x2], $0x80, $0x38;
	[tilespmem:$0xA000] =	vst v63  }
0x67: {  	s1 =	sadd.s32 $0x130, s10;
	s0 =	sor.u32 $0x800, s13  }
0x68: {  	[hbm4b:s1+s3] =	stream.linear.scatter [tilespmem:s0], [sflag:$0x2], $0x80, $0x38;
	[tilespmem:$0xA000] =	vst v63  }
0x69: {  	s2 =	sor.u32 $0xC00, s13;
	s4 =	sadd.s32 $0x1B0, s10  }
0x6a: {  	[hbm4b:s4+s3] =	stream.linear.scatter [tilespmem:s2], [sflag:$0x2], $0x80, $0x38;
	[tilespmem:$0xA000] =	vst v63  }
0x6b: {  	s14 =	sor.u32 $0x1000, s13;
	s15 =	sadd.s32 $0x230, s10  }
0x6c: {  	[hbm4b:s15+s3] =	stream.linear.scatter [tilespmem:s14], [sflag:$0x2], $0x80, $0x38;
	[tilespmem:$0xA000] =	vst v63  }
0x6d: {  	s16 =	sor.u32 $0x1400, s13;
	s17 =	sadd.s32 $0x2B0, s10  }
0x6e: {  	[hbm4b:s17+s3] =	stream.linear.scatter [tilespmem:s16], [sflag:$0x2], $0x80, $0x38;
	[tilespmem:$0xA000] =	vst v63  }
0x6f: {  	s18 =	sor.u32 $0x1800, s13;
	s19 =	sadd.s32 $0x330, s10  }
0x70: {  	[hbm4b:s19+s3] =	stream.linear.scatter [tilespmem:s18], [sflag:$0x2], $0x80, $0x38;
	[tilespmem:$0xA000] =	vst v63  }
0x71: {  	s20 =	sshrl.u32 s11, $0x9;
	s21 =	sadd.s32 $0x3B0, s10;
	s13 =	sor.u32 $0x1C00, s13  }
0x72: {  	[hbm4b:s21+s3] =	stream.linear.scatter [tilespmem:s13], [sflag:$0x2], $0x80, $0x38;
	[tilespmem:$0xA000] =	vst v63  }
0x73: {  	s22 =	sadd.s32 $0x40, s10;
	s12 =	sand.u32 $0x380, s20  }
0x74: {  	[hbm4b:s22+s3] =	stream.linear.scatter [tilespmem:s12], [sflag:$0x2], $0x80, $0x38;
	[tilespmem:$0xA000] =	vst v63  }
0x75: {  	s24 =	sadd.s32 $0xC0, s10;
	s23 =	sor.u32 $0x400, s12  }
0x76: {  	[hbm4b:s24+s3] =	stream.linear.scatter [tilespmem:s23], [sflag:$0x2], $0x80, $0x38;
	[tilespmem:$0xA000] =	vst v63  }
0x77: {  	s26 =	sadd.s32 $0x140, s10;
	s25 =	sor.u32 $0x800, s12  }
0x78: {  	[hbm4b:s26+s3] =	stream.linear.scatter [tilespmem:s25], [sflag:$0x2], $0x80, $0x38;
	[tilespmem:$0xA000] =	vst v63  }
0x79: {  	s28 =	sor.u32 $0xC00, s12;
	s29 =	sadd.s32 $0x1C0, s10  }
0x7a: {  	[hbm4b:s29+s3] =	stream.linear.scatter [tilespmem:s28], [sflag:$0x2], $0x80, $0x38;
	[tilespmem:$0xA000] =	vst v63  }
0x7b: {  	s30 =	sor.u32 $0x1000, s12;
	s31 =	sadd.s32 $0x240, s10  }
0x7c: {  	[hbm4b:s31+s3] =	stream.linear.scatter [tilespmem:s30], [sflag:$0x2], $0x80, $0x38;
	[tilespmem:$0xA000] =	vst v63  }
0x7d: {  	s0 =	sor.u32 $0x1400, s12;
	s1 =	sadd.s32 $0x2C0, s10  }
0x7e: {  	[hbm4b:s1+s3] =	stream.linear.scatter [tilespmem:s0], [sflag:$0x2], $0x80, $0x38;
	[tilespmem:$0xA000] =	vst v63  }
0x7f: {  	s2 =	sor.u32 $0x1800, s12;
	s4 =	sadd.s32 $0x340, s10  }
0x80: {  	[hbm4b:s4+s3] =	stream.linear.scatter [tilespmem:s2], [sflag:$0x2], $0x80, $0x38;
	[tilespmem:$0xA000] =	vst v63  }
0x81: {  	s15 =	sshrl.u32 s11, $0xD;
	s16 =	sadd.s32 $0x3C0, s10;
	s12 =	sor.u32 $0x1C00, s12  }
0x82: {  	[hbm4b:s16+s3] =	stream.linear.scatter [tilespmem:s12], [sflag:$0x2], $0x80, $0x38;
	[tilespmem:$0xA000] =	vst v63  }
0x83: {  	s17 =	sadd.s32 $0x50, s10;
	s13 =	sand.u32 $0x380, s15  }
0x84: {  	[hbm4b:s17+s3] =	stream.linear.scatter [tilespmem:s13], [sflag:$0x2], $0x80, $0x38;
	[tilespmem:$0xA000] =	vst v63  }
0x85: {  	s19 =	sadd.s32 $0xD0, s10;
	s18 =	sor.u32 $0x400, s13  }
0x86: {  	[hbm4b:s19+s3] =	stream.linear.scatter [tilespmem:s18], [sflag:$0x2], $0x80, $0x38;
	[tilespmem:$0xA000] =	vst v63  }
0x87: {  	s21 =	sadd.s32 $0x150, s10;
	s20 =	sor.u32 $0x800, s13  }
0x88: {  	[hbm4b:s21+s3] =	stream.linear.scatter [tilespmem:s20], [sflag:$0x2], $0x80, $0x38;
	[tilespmem:$0xA000] =	vst v63  }
0x89: {  	s22 =	sor.u32 $0xC00, s13;
	s23 =	sadd.s32 $0x1D0, s10  }
0x8a: {  	[hbm4b:s23+s3] =	stream.linear.scatter [tilespmem:s22], [sflag:$0x2], $0x80, $0x38;
	[tilespmem:$0xA000] =	vst v63  }
0x8b: {  	s24 =	sor.u32 $0x1000, s13;
	s25 =	sadd.s32 $0x250, s10  }
0x8c: {  	[hbm4b:s25+s3] =	stream.linear.scatter [tilespmem:s24], [sflag:$0x2], $0x80, $0x38;
	[tilespmem:$0xA000] =	vst v63  }
0x8d: {  	s26 =	sor.u32 $0x1400, s13;
	s28 =	sadd.s32 $0x2D0, s10  }
0x8e: {  	[hbm4b:s28+s3] =	stream.linear.scatter [tilespmem:s26], [sflag:$0x2], $0x80, $0x38;
	[tilespmem:$0xA000] =	vst v63  }
0x8f: {  	s29 =	sor.u32 $0x1800, s13;
	s30 =	sadd.s32 $0x350, s10  }
0x90: {  	[hbm4b:s30+s3] =	stream.linear.scatter [tilespmem:s29], [sflag:$0x2], $0x80, $0x38;
	[tilespmem:$0xA000] =	vst v63  }
0x91: {  	s31 =	sshrl.u32 s11, $0x11;
	s0 =	sadd.s32 $0x3D0, s10;
	s13 =	sor.u32 $0x1C00, s13  }
0x92: {  	[hbm4b:s0+s3] =	stream.linear.scatter [tilespmem:s13], [sflag:$0x2], $0x80, $0x38;
	[tilespmem:$0xA000] =	vst v63  }
0x93: {  	s1 =	sadd.s32 $0x60, s10;
	s12 =	sand.u32 $0x380, s31  }
0x94: {  	[hbm4b:s1+s3] =	stream.linear.scatter [tilespmem:s12], [sflag:$0x2], $0x80, $0x38;
	[tilespmem:$0xA000] =	vst v63  }
0x95: {  	s4 =	sadd.s32 $0xE0, s10;
	s2 =	sor.u32 $0x400, s12  }
0x96: {  	[hbm4b:s4+s3] =	stream.linear.scatter [tilespmem:s2], [sflag:$0x2], $0x80, $0x38;
	[tilespmem:$0xA000] =	vst v63  }
0x97: {  	s16 =	sadd.s32 $0x160, s10;
	s15 =	sor.u32 $0x800, s12  }
0x98: {  	[hbm4b:s16+s3] =	stream.linear.scatter [tilespmem:s15], [sflag:$0x2], $0x80, $0x38;
	[tilespmem:$0xA000] =	vst v63  }
0x99: {  	s17 =	sor.u32 $0xC00, s12;
	s18 =	sadd.s32 $0x1E0, s10  }
0x9a: {  	[hbm4b:s18+s3] =	stream.linear.scatter [tilespmem:s17], [sflag:$0x2], $0x80, $0x38;
	[tilespmem:$0xA000] =	vst v63  }
0x9b: {  	s19 =	sor.u32 $0x1000, s12;
	s20 =	sadd.s32 $0x260, s10  }
0x9c: {  	[hbm4b:s20+s3] =	stream.linear.scatter [tilespmem:s19], [sflag:$0x2], $0x80, $0x38;
	[tilespmem:$0xA000] =	vst v63  }
0x9d: {  	s21 =	sor.u32 $0x1400, s12;
	s22 =	sadd.s32 $0x2E0, s10  }
0x9e: {  	[hbm4b:s22+s3] =	stream.linear.scatter [tilespmem:s21], [sflag:$0x2], $0x80, $0x38;
	[tilespmem:$0xA000] =	vst v63  }
0x9f: {  	s23 =	sor.u32 $0x1800, s12;
	s24 =	sadd.s32 $0x360, s10  }
0xa0: {  	(v2sf) =	vpush v3, $0xF;
	[hbm4b:s24+s3] =	stream.linear.scatter [tilespmem:s23], [sflag:$0x2], $0x80, $0x38;
	[tilespmem:$0xA000] =	vst v63  }
0xa1: {  	s11 =	sshrl.u32 s11, $0x15;
	s25 =	sadd.s32 $0x3E0, s10;
	s12 =	sor.u32 $0x1C00, s12  }
0xa2: {  	[hbm4b:s25+s3] =	stream.linear.scatter [tilespmem:s12], [sflag:$0x2], $0x80, $0x38;
	[tilespmem:$0xA000] =	vst v63  }
0xa3: {  	s26 =	sadd.s32 $0x70, s10;
	s28 =	sand.u32 $0x380, s11  }
0xa4: {  	[hbm4b:s26+s3] =	stream.linear.scatter [tilespmem:s28], [sflag:$0x2], $0x80, $0x38;
	[tilespmem:$0xA000] =	vst v63  }
0xa5: {  	s11 =	sor.u32 $0x400, s28;
	s29 =	sadd.s32 $0xF0, s10  }
0xa6: {  	[hbm4b:s29+s3] =	stream.linear.scatter [tilespmem:s11], [sflag:$0x2], $0x80, $0x38;
	[tilespmem:$0xA000] =	vst v63  }
0xa7: {  	s31 =	sadd.s32 $0x170, s10;
	s30 =	sor.u32 $0x800, s28  }
0xa8: {  	[hbm4b:s31+s3] =	stream.linear.scatter [tilespmem:s30], [sflag:$0x2], $0x80, $0x38;
	[tilespmem:$0xA000] =	vst v63  }
0xa9: {  	s0 =	sor.u32 $0xC00, s28;
	s1 =	sadd.s32 $0x1F0, s10  }
0xaa: {  	[hbm4b:s1+s3] =	stream.linear.scatter [tilespmem:s0], [sflag:$0x2], $0x80, $0x38;
	[tilespmem:$0xA000] =	vst v63  }
0xab: {  	s2 =	sor.u32 $0x1000, s28;
	s4 =	sadd.s32 $0x270, s10  }
0xac: {  	[hbm4b:s4+s3] =	stream.linear.scatter [tilespmem:s2], [sflag:$0x2], $0x80, $0x38;
	[tilespmem:$0xA000] =	vst v63  }
0xad: {  	s14 =	sor.u32 $0x1400, s28;
	s15 =	sadd.s32 $0x2F0, s10  }
0xae: {  	[hbm4b:s15+s3] =	stream.linear.scatter [tilespmem:s14], [sflag:$0x2], $0x80, $0x38;
	[tilespmem:$0xA000] =	vst v63  }
0xaf: {  	s16 =	sor.u32 $0x1800, s28;
	s17 =	sadd.s32 $0x370, s10;
	s11 =	spop (v2sf)  }
0xb0: {  	[hbm4b:s17+s3] =	stream.linear.scatter [tilespmem:s16], [sflag:$0x2], $0x80, $0x38;
	[tilespmem:$0xA000] =	vst v63  }
0xb1: {  	s13 =	sor.u32 $0x1C00, s28;
	s19 =	sadd.s32 $0x3F0, s10;
	s18 =	sshll.u32 s11, $0x7  }
0xb2: {  	[hbm4b:s19+s3] =	stream.linear.scatter [tilespmem:s13], [sflag:$0x2], $0x80, $0x38;
	[tilespmem:$0xA000] =	vst v63  }
0xb3: {  	s20 =	sadd.s32 $0x400, s10;
	s12 =	sand.u32 $0x380, s18  }
0xb4: {  	[hbm4b:s20+s3] =	stream.linear.scatter [tilespmem:s12], [sflag:$0x2], $0x80, $0x38;
	[tilespmem:$0xA000] =	vst v63  }
0xb5: {  	s22 =	sadd.s32 $0x480, s10;
	s21 =	sor.u32 $0x400, s12  }
0xb6: {  	[hbm4b:s22+s3] =	stream.linear.scatter [tilespmem:s21], [sflag:$0x2], $0x80, $0x38;
	[tilespmem:$0xA000] =	vst v63  }
0xb7: {  	s24 =	sadd.s32 $0x500, s10;
	s23 =	sor.u32 $0x800, s12  }
0xb8: {  	[hbm4b:s24+s3] =	stream.linear.scatter [tilespmem:s23], [sflag:$0x2], $0x80, $0x38;
	[tilespmem:$0xA000] =	vst v63  }
0xb9: {  	s26 =	sadd.s32 $0x580, s10;
	s25 =	sor.u32 $0xC00, s12  }
0xba: {  	[hbm4b:s26+s3] =	stream.linear.scatter [tilespmem:s25], [sflag:$0x2], $0x80, $0x38;
	[tilespmem:$0xA000] =	vst v63  }
0xbb: {  	s29 =	sadd.s32 $0x600, s10;
	s28 =	sor.u32 $0x1000, s12  }
0xbc: {  	[hbm4b:s29+s3] =	stream.linear.scatter [tilespmem:s28], [sflag:$0x2], $0x80, $0x38;
	[tilespmem:$0xA000] =	vst v63  }
0xbd: {  	s31 =	sadd.s32 $0x680, s10;
	s30 =	sor.u32 $0x1400, s12  }
0xbe: {  	[hbm4b:s31+s3] =	stream.linear.scatter [tilespmem:s30], [sflag:$0x2], $0x80, $0x38;
	[tilespmem:$0xA000] =	vst v63  }
0xbf: {  	s0 =	sor.u32 $0x1800, s12;
	s1 =	sadd.s32 $0x700, s10  }
0xc0: {  	[hbm4b:s1+s3] =	stream.linear.scatter [tilespmem:s0], [sflag:$0x2], $0x80, $0x38;
	[tilespmem:$0xA000] =	vst v63  }
0xc1: {  	s2 =	sshll.u32 s11, $0x3;
	s4 =	sadd.s32 $0x780, s10;
	s12 =	sor.u32 $0x1C00, s12  }
0xc2: {  	[hbm4b:s4+s3] =	stream.linear.scatter [tilespmem:s12], [sflag:$0x2], $0x80, $0x38;
	[tilespmem:$0xA000] =	vst v63  }
0xc3: {  	s15 =	sadd.s32 $0x410, s10;
	s13 =	sand.u32 $0x380, s2  }
0xc4: {  	[hbm4b:s15+s3] =	stream.linear.scatter [tilespmem:s13], [sflag:$0x2], $0x80, $0x38;
	[tilespmem:$0xA000] =	vst v63  }
0xc5: {  	s17 =	sadd.s32 $0x490, s10;
	s16 =	sor.u32 $0x400, s13  }
0xc6: {  	[hbm4b:s17+s3] =	stream.linear.scatter [tilespmem:s16], [sflag:$0x2], $0x80, $0x38;
	[tilespmem:$0xA000] =	vst v63  }
0xc7: {  	s19 =	sadd.s32 $0x510, s10;
	s18 =	sor.u32 $0x800, s13  }
0xc8: {  	[hbm4b:s19+s3] =	stream.linear.scatter [tilespmem:s18], [sflag:$0x2], $0x80, $0x38;
	[tilespmem:$0xA000] =	vst v63  }
0xc9: {  	s20 =	sor.u32 $0xC00, s13;
	s21 =	sadd.s32 $0x590, s10  }
0xca: {  	[hbm4b:s21+s3] =	stream.linear.scatter [tilespmem:s20], [sflag:$0x2], $0x80, $0x38;
	[tilespmem:$0xA000] =	vst v63  }
0xcb: {  	s22 =	sor.u32 $0x1000, s13;
	s23 =	sadd.s32 $0x610, s10  }
0xcc: {  	[hbm4b:s23+s3] =	stream.linear.scatter [tilespmem:s22], [sflag:$0x2], $0x80, $0x38;
	[tilespmem:$0xA000] =	vst v63  }
0xcd: {  	s24 =	sor.u32 $0x1400, s13;
	s25 =	sadd.s32 $0x690, s10  }
0xce: {  	[hbm4b:s25+s3] =	stream.linear.scatter [tilespmem:s24], [sflag:$0x2], $0x80, $0x38;
	[tilespmem:$0xA000] =	vst v63  }
0xcf: {  	s26 =	sor.u32 $0x1800, s13;
	s28 =	sadd.s32 $0x710, s10  }
0xd0: {  	[hbm4b:s28+s3] =	stream.linear.scatter [tilespmem:s26], [sflag:$0x2], $0x80, $0x38;
	[tilespmem:$0xA000] =	vst v63  }
0xd1: {  	s29 =	sor.u32 $0x1C00, s13;
	s30 =	sadd.s32 $0x790, s10;
	s31 =	sshrl.u32 s11, $0x1  }
0xd2: {  	[hbm4b:s30+s3] =	stream.linear.scatter [tilespmem:s29], [sflag:$0x2], $0x80, $0x38;
	[tilespmem:$0xA000] =	vst v63  }
0xd3: {  	s0 =	sadd.s32 $0x420, s10;
	s1 =	sand.u32 $0x380, s31  }
0xd4: {  	[hbm4b:s0+s3] =	stream.linear.scatter [tilespmem:s1], [sflag:$0x2], $0x80, $0x38;
	[tilespmem:$0xA000] =	vst v63  }
0xd5: {  	s2 =	sor.u32 $0x400, s1;
	s4 =	sadd.s32 $0x4A0, s10  }
0xd6: {  	[hbm4b:s4+s3] =	stream.linear.scatter [tilespmem:s2], [sflag:$0x2], $0x80, $0x38;
	[tilespmem:$0xA000] =	vst v63  }
0xd7: {  	s14 =	sor.u32 $0x800, s1;
	s15 =	sadd.s32 $0x520, s10  }
0xd8: {  	[hbm4b:s15+s3] =	stream.linear.scatter [tilespmem:s14], [sflag:$0x2], $0x80, $0x38;
	[tilespmem:$0xA000] =	vst v63  }
0xd9: {  	s16 =	sor.u32 $0xC00, s1;
	s17 =	sadd.s32 $0x5A0, s10  }
0xda: {  	[hbm4b:s17+s3] =	stream.linear.scatter [tilespmem:s16], [sflag:$0x2], $0x80, $0x38;
	[tilespmem:$0xA000] =	vst v63  }
0xdb: {  	s18 =	sor.u32 $0x1000, s1;
	s19 =	sadd.s32 $0x620, s10  }
0xdc: {  	[hbm4b:s19+s3] =	stream.linear.scatter [tilespmem:s18], [sflag:$0x2], $0x80, $0x38;
	[tilespmem:$0xA000] =	vst v63  }
0xdd: {  	s20 =	sor.u32 $0x1400, s1;
	s21 =	sadd.s32 $0x6A0, s10  }
0xde: {  	[hbm4b:s21+s3] =	stream.linear.scatter [tilespmem:s20], [sflag:$0x2], $0x80, $0x38;
	[tilespmem:$0xA000] =	vst v63  }
0xdf: {  	s22 =	sor.u32 $0x1800, s1;
	s23 =	sadd.s32 $0x720, s10  }
0xe0: {  	[hbm4b:s23+s3] =	stream.linear.scatter [tilespmem:s22], [sflag:$0x2], $0x80, $0x38;
	[tilespmem:$0xA000] =	vst v63  }
0xe1: {  	s13 =	sor.u32 $0x1C00, s1;
	s24 =	sshrl.u32 s11, $0x5;
	s25 =	sadd.s32 $0x7A0, s10  }
0xe2: {  	[hbm4b:s25+s3] =	stream.linear.scatter [tilespmem:s13], [sflag:$0x2], $0x80, $0x38;
	[tilespmem:$0xA000] =	vst v63  }
0xe3: {  	s12 =	sand.u32 $0x380, s24;
	s26 =	sadd.s32 $0x430, s10  }
0xe4: {  	[hbm4b:s26+s3] =	stream.linear.scatter [tilespmem:s12], [sflag:$0x2], $0x80, $0x38;
	[tilespmem:$0xA000] =	vst v63  }
0xe5: {  	s28 =	sor.u32 $0x400, s12;
	s29 =	sadd.s32 $0x4B0, s10  }
0xe6: {  	[hbm4b:s29+s3] =	stream.linear.scatter [tilespmem:s28], [sflag:$0x2], $0x80, $0x38;
	[tilespmem:$0xA000] =	vst v63  }
0xe7: {  	s31 =	sadd.s32 $0x530, s10;
	s30 =	sor.u32 $0x800, s12  }
0xe8: {  	[hbm4b:s31+s3] =	stream.linear.scatter [tilespmem:s30], [sflag:$0x2], $0x80, $0x38;
	[tilespmem:$0xA000] =	vst v63  }
0xe9: {  	s0 =	sor.u32 $0xC00, s12;
	s1 =	sadd.s32 $0x5B0, s10  }
0xea: {  	[hbm4b:s1+s3] =	stream.linear.scatter [tilespmem:s0], [sflag:$0x2], $0x80, $0x38;
	[tilespmem:$0xA000] =	vst v63  }
0xeb: {  	s2 =	sor.u32 $0x1000, s12;
	s4 =	sadd.s32 $0x630, s10  }
0xec: {  	[hbm4b:s4+s3] =	stream.linear.scatter [tilespmem:s2], [sflag:$0x2], $0x80, $0x38;
	[tilespmem:$0xA000] =	vst v63  }
0xed: {  	s14 =	sor.u32 $0x1400, s12;
	s15 =	sadd.s32 $0x6B0, s10  }
0xee: {  	[hbm4b:s15+s3] =	stream.linear.scatter [tilespmem:s14], [sflag:$0x2], $0x80, $0x38;
	[tilespmem:$0xA000] =	vst v63  }
0xef: {  	s16 =	sor.u32 $0x1800, s12;
	s17 =	sadd.s32 $0x730, s10  }
0xf0: {  	[hbm4b:s17+s3] =	stream.linear.scatter [tilespmem:s16], [sflag:$0x2], $0x80, $0x38;
	[tilespmem:$0xA000] =	vst v63  }
0xf1: {  	s18 =	sshrl.u32 s11, $0x9;
	s19 =	sadd.s32 $0x7B0, s10;
	s12 =	sor.u32 $0x1C00, s12  }
0xf2: {  	[hbm4b:s19+s3] =	stream.linear.scatter [tilespmem:s12], [sflag:$0x2], $0x80, $0x38;
	[tilespmem:$0xA000] =	vst v63  }
0xf3: {  	s20 =	sadd.s32 $0x440, s10;
	s13 =	sand.u32 $0x380, s18  }
0xf4: {  	[hbm4b:s20+s3] =	stream.linear.scatter [tilespmem:s13], [sflag:$0x2], $0x80, $0x38;
	[tilespmem:$0xA000] =	vst v63  }
0xf5: {  	s22 =	sadd.s32 $0x4C0, s10;
	s21 =	sor.u32 $0x400, s13  }
0xf6: {  	[hbm4b:s22+s3] =	stream.linear.scatter [tilespmem:s21], [sflag:$0x2], $0x80, $0x38;
	[tilespmem:$0xA000] =	vst v63  }
0xf7: {  	s24 =	sadd.s32 $0x540, s10;
	s23 =	sor.u32 $0x800, s13  }
0xf8: {  	[hbm4b:s24+s3] =	stream.linear.scatter [tilespmem:s23], [sflag:$0x2], $0x80, $0x38;
	[tilespmem:$0xA000] =	vst v63  }
0xf9: {  	s25 =	sor.u32 $0xC00, s13;
	s26 =	sadd.s32 $0x5C0, s10  }
0xfa: {  	[hbm4b:s26+s3] =	stream.linear.scatter [tilespmem:s25], [sflag:$0x2], $0x80, $0x38;
	[tilespmem:$0xA000] =	vst v63  }
0xfb: {  	s28 =	sor.u32 $0x1000, s13;
	s29 =	sadd.s32 $0x640, s10  }
0xfc: {  	[hbm4b:s29+s3] =	stream.linear.scatter [tilespmem:s28], [sflag:$0x2], $0x80, $0x38;
	[tilespmem:$0xA000] =	vst v63  }
0xfd: {  	s30 =	sor.u32 $0x1400, s13;
	s31 =	sadd.s32 $0x6C0, s10  }
0xfe: {  	[hbm4b:s31+s3] =	stream.linear.scatter [tilespmem:s30], [sflag:$0x2], $0x80, $0x38;
	[tilespmem:$0xA000] =	vst v63  }
0xff: {  	s0 =	sor.u32 $0x1800, s13;
	s1 =	sadd.s32 $0x740, s10  }
0x100: {  	[hbm4b:s1+s3] =	stream.linear.scatter [tilespmem:s0], [sflag:$0x2], $0x80, $0x38;
	[tilespmem:$0xA000] =	vst v63  }
0x101: {  	s2 =	sshrl.u32 s11, $0xD;
	s4 =	sadd.s32 $0x7C0, s10;
	s13 =	sor.u32 $0x1C00, s13  }
0x102: {  	[hbm4b:s4+s3] =	stream.linear.scatter [tilespmem:s13], [sflag:$0x2], $0x80, $0x38;
	[tilespmem:$0xA000] =	vst v63  }
0x103: {  	s15 =	sadd.s32 $0x450, s10;
	s12 =	sand.u32 $0x380, s2  }
0x104: {  	[hbm4b:s15+s3] =	stream.linear.scatter [tilespmem:s12], [sflag:$0x2], $0x80, $0x38;
	[tilespmem:$0xA000] =	vst v63  }
0x105: {  	s17 =	sadd.s32 $0x4D0, s10;
	s16 =	sor.u32 $0x400, s12  }
0x106: {  	[hbm4b:s17+s3] =	stream.linear.scatter [tilespmem:s16], [sflag:$0x2], $0x80, $0x38;
	[tilespmem:$0xA000] =	vst v63  }
0x107: {  	s19 =	sadd.s32 $0x550, s10;
	s18 =	sor.u32 $0x800, s12  }
0x108: {  	[hbm4b:s19+s3] =	stream.linear.scatter [tilespmem:s18], [sflag:$0x2], $0x80, $0x38;
	[tilespmem:$0xA000] =	vst v63  }
0x109: {  	s20 =	sor.u32 $0xC00, s12;
	s21 =	sadd.s32 $0x5D0, s10  }
0x10a: {  	[hbm4b:s21+s3] =	stream.linear.scatter [tilespmem:s20], [sflag:$0x2], $0x80, $0x38;
	[tilespmem:$0xA000] =	vst v63  }
0x10b: {  	s22 =	sor.u32 $0x1000, s12;
	s23 =	sadd.s32 $0x650, s10  }
0x10c: {  	[hbm4b:s23+s3] =	stream.linear.scatter [tilespmem:s22], [sflag:$0x2], $0x80, $0x38;
	[tilespmem:$0xA000] =	vst v63  }
0x10d: {  	s24 =	sor.u32 $0x1400, s12;
	s25 =	sadd.s32 $0x6D0, s10  }
0x10e: {  	[hbm4b:s25+s3] =	stream.linear.scatter [tilespmem:s24], [sflag:$0x2], $0x80, $0x38;
	[tilespmem:$0xA000] =	vst v63  }
0x10f: {  	s26 =	sor.u32 $0x1800, s12;
	s28 =	sadd.s32 $0x750, s10  }
0x110: {  	[hbm4b:s28+s3] =	stream.linear.scatter [tilespmem:s26], [sflag:$0x2], $0x80, $0x38;
	[tilespmem:$0xA000] =	vst v63  }
0x111: {  	s29 =	sshrl.u32 s11, $0x11;
	s30 =	sadd.s32 $0x7D0, s10;
	s12 =	sor.u32 $0x1C00, s12  }
0x112: {  	[hbm4b:s30+s3] =	stream.linear.scatter [tilespmem:s12], [sflag:$0x2], $0x80, $0x38;
	[tilespmem:$0xA000] =	vst v63  }
0x113: {  	s31 =	sadd.s32 $0x460, s10;
	s13 =	sand.u32 $0x380, s29  }
0x114: {  	[hbm4b:s31+s3] =	stream.linear.scatter [tilespmem:s13], [sflag:$0x2], $0x80, $0x38;
	[tilespmem:$0xA000] =	vst v63  }
0x115: {  	s1 =	sadd.s32 $0x4E0, s10;
	s0 =	sor.u32 $0x400, s13  }
0x116: {  	[hbm4b:s1+s3] =	stream.linear.scatter [tilespmem:s0], [sflag:$0x2], $0x80, $0x38;
	[tilespmem:$0xA000] =	vst v63  }
0x117: {  	s4 =	sadd.s32 $0x560, s10;
	s2 =	sor.u32 $0x800, s13  }
0x118: {  	[hbm4b:s4+s3] =	stream.linear.scatter [tilespmem:s2], [sflag:$0x2], $0x80, $0x38;
	[tilespmem:$0xA000] =	vst v63  }
0x119: {  	s15 =	sor.u32 $0xC00, s13;
	s16 =	sadd.s32 $0x5E0, s10  }
0x11a: {  	[hbm4b:s16+s3] =	stream.linear.scatter [tilespmem:s15], [sflag:$0x2], $0x80, $0x38;
	[tilespmem:$0xA000] =	vst v63  }
0x11b: {  	s17 =	sor.u32 $0x1000, s13;
	s18 =	sadd.s32 $0x660, s10  }
0x11c: {  	[hbm4b:s18+s3] =	stream.linear.scatter [tilespmem:s17], [sflag:$0x2], $0x80, $0x38;
	[tilespmem:$0xA000] =	vst v63  }
0x11d: {  	s19 =	sor.u32 $0x1400, s13;
	s20 =	sadd.s32 $0x6E0, s10  }
0x11e: {  	[hbm4b:s20+s3] =	stream.linear.scatter [tilespmem:s19], [sflag:$0x2], $0x80, $0x38;
	[tilespmem:$0xA000] =	vst v63  }
0x11f: {  	s21 =	sor.u32 $0x1800, s13;
	s22 =	sadd.s32 $0x760, s10  }
0x120: {  	[hbm4b:s22+s3] =	stream.linear.scatter [tilespmem:s21], [sflag:$0x2], $0x80, $0x38;
	[tilespmem:$0xA000] =	vst v63  }
0x121: {  	s11 =	sshrl.u32 s11, $0x15;
	s23 =	sor.u32 $0x1C00, s13;
	s24 =	sadd.s32 $0x7E0, s10  }
0x122: {  	[hbm4b:s24+s3] =	stream.linear.scatter [tilespmem:s23], [sflag:$0x2], $0x80, $0x38;
	[tilespmem:$0xA000] =	vst v63  }
0x123: {  	s11 =	sand.u32 $0x380, s11;
	s25 =	sadd.s32 $0x470, s10  }
0x124: {  	[hbm4b:s25+s3] =	stream.linear.scatter [tilespmem:s11], [sflag:$0x2], $0x80, $0x38;
	[tilespmem:$0xA000] =	vst v63  }
0x125: {  	s26 =	sor.u32 $0x400, s11;
	s28 =	sadd.s32 $0x4F0, s10  }
0x126: {  	[hbm4b:s28+s3] =	stream.linear.scatter [tilespmem:s26], [sflag:$0x2], $0x80, $0x38;
	[tilespmem:$0xA000] =	vst v63  }
0x127: {  	s29 =	sor.u32 $0x800, s11;
	s30 =	sadd.s32 $0x570, s10  }
0x128: {  	[hbm4b:s30+s3] =	stream.linear.scatter [tilespmem:s29], [sflag:$0x2], $0x80, $0x38;
	[tilespmem:$0xA000] =	vst v63  }
0x129: {  	s31 =	sor.u32 $0xC00, s11;
	s0 =	sadd.s32 $0x5F0, s10  }
0x12a: {  	[hbm4b:s0+s3] =	stream.linear.scatter [tilespmem:s31], [sflag:$0x2], $0x80, $0x38;
	[tilespmem:$0xA000] =	vst v63  }
0x12b: {  	s1 =	simm.s32 $0x10;
	s2 =	sor.u32 $0x1000, s11;
	s4 =	sadd.s32 $0x670, s10  }
0x12c: {  	v3 =	vmov s1;
	[hbm4b:s4+s3] =	stream.linear.scatter [tilespmem:s2], [sflag:$0x2], $0x80, $0x38;
	[tilespmem:$0xA000] =	vst v63  }
0x12d: {  	s14 =	sor.u32 $0x1400, s11;
	v3 =	vshll.u32 v3, $0x7;
	s15 =	sadd.s32 $0x6F0, s10  }
0x12e: {  	v3 =	vor.u32 v0, v3;
	[hbm4b:s15+s3] =	stream.linear.scatter [tilespmem:s14], [sflag:$0x2], $0x80, $0x38;
	[tilespmem:$0xA000] =	vst v63  }
0x12f: {  	v4 =	vor.u32 $0x1, v3;
	s16 =	sor.u32 $0x1800, s11;
	s17 =	sadd.s32 $0x770, s10  }
0x130: {  	[hbm4b:s17+s3] =	stream.linear.scatter [tilespmem:s16], [sflag:$0x2], $0x80, $0x38;
	[tilespmem:$0xA000] =	vst v63  }
0x131: {  	v5 =	vor.u32 $0x2, v3;
	s18 =	sadd.s32 $0x7F0, s10;
	s11 =	sor.u32 $0x1C00, s11  }
0x132: {  	[hbm4b:s18+s3] =	stream.linear.scatter [tilespmem:s11], [sflag:$0x2], $0x80, $0x38;
	[tilespmem:$0xA000] =	vst v63  }
0x133: {  	v7 =	vor.u32 $0x3, v3;
	v6 =	vld.idx.msk [tilespmem:v3+s6+$0x0], $0xffff  }
0x134: {  	v4 =	vld.idx.msk [tilespmem:v4+s6+$0x0], $0xffff  }
0x135: {  	v8 =	vor.u32 $0x4, v3  }
0x136: {  	v5 =	vld.idx.msk [tilespmem:v5+s6+$0x0], $0xffff  }
0x137: {  	v9 =	vor.u32 $0x5, v3  }
0x138: {  	v7 =	vld.idx.msk [tilespmem:v7+s6+$0x0], $0xffff  }
0x139: {  	v10 =	vor.u32 $0x6, v3;
	vm1 =	vgt.f32 v4, v6  }
0x13a: {  	v8 =	vld.idx.msk [tilespmem:v8+s6+$0x0], $0xffff;
	v4 =	vsel vm1, v4, v6  }
0x13b: {  	v3 =	vor.u32 $0x7, v3;
	vm2 =	vgt.f32 v5, v4  }
0x13c: {  	v6 =	vld.idx.msk [tilespmem:v9+s6+$0x0], $0xffff;
	v4 =	vsel vm2, v5, v4  }
0x13d: {  	vm3 =	vgt.f32 v7, v4  }
0x13e: {  	v5 =	vld.idx.msk [tilespmem:v10+s6+$0x0], $0xffff;
	v4 =	vsel vm3, v7, v4  }
0x13f: {  	vm15 =	vgt.f32 v8, v4  }
0x140: {  	v3 =	vld.idx.msk [tilespmem:v3+s6+$0x0], $0xffff;
	v7 =	vsel vm1, $0x1, v1;
	v4 =	vsel vm15, v8, v4  }
0x141: {  	v7 =	vsel vm2, $0x2, v7;
	vm1 =	vgt.f32 v6, v4  }
0x142: {  	v7 =	vsel vm3, $0x3, v7;
	v4 =	vsel vm1, v6, v4  }
0x143: {  	v6 =	vsel vm15, $0x4, v7;
	vm2 =	vgt.f32 v5, v4  }
0x144: {  	v6 =	vsel vm1, $0x5, v6;
	v4 =	vsel vm2, v5, v4  }
0x145: {  	v5 =	vsel vm2, $0x6, v6;
	vm1 =	vgt.f32 v3, v4  }
0x146: {  	v3 =	vsel vm1, $0x7, v5  }
0x147: {  	v3 =	vshll.u32 v3, v2  }
0x148: {  	v4 =	vnsel vm0, $0x0, v3  }
0x149: {  	(xrf0) =	vadd.scan.msk.s32 $0xffff, v4;
	_ =	sdelay $0x5  }
0x14a: {  	v4, _, _ =	vpop (xrf0)  }
0x14b: {  	(v2sf) =	vpush v4, $0xF;
	_ =	sdelay $0xe  }
0x14c: {  	s11 =	spop (v2sf)  }
0x14d: {  	s19 =	sshll.u32 s11, $0x7  }
0x14e: {  	s20 =	sadd.s32 $0x800, s10;
	s12 =	sand.u32 $0x380, s19  }
0x14f: {  	[hbm4b:s20+s3] =	stream.linear.scatter [tilespmem:s12], [sflag:$0x2], $0x80, $0x38;
	[tilespmem:$0xA000] =	vst v63  }
0x150: {  	s21 =	sadd.s32 $0x880, s10;
	s22 =	sor.u32 $0x400, s12  }
0x151: {  	[hbm4b:s21+s3] =	stream.linear.scatter [tilespmem:s22], [sflag:$0x2], $0x80, $0x38;
	[tilespmem:$0xA000] =	vst v63  }
0x152: {  	s23 =	sadd.s32 $0x900, s10;
	s24 =	sor.u32 $0x800, s12  }
0x153: {  	[hbm4b:s23+s3] =	stream.linear.scatter [tilespmem:s24], [sflag:$0x2], $0x80, $0x38;
	[tilespmem:$0xA000] =	vst v63  }
0x154: {  	s25 =	sadd.s32 $0x980, s10;
	s26 =	sor.u32 $0xC00, s12  }
0x155: {  	[hbm4b:s25+s3] =	stream.linear.scatter [tilespmem:s26], [sflag:$0x2], $0x80, $0x38;
	[tilespmem:$0xA000] =	vst v63  }
0x156: {  	s29 =	sadd.s32 $0xA00, s10;
	s28 =	sor.u32 $0x1000, s12  }
0x157: {  	[hbm4b:s29+s3] =	stream.linear.scatter [tilespmem:s28], [sflag:$0x2], $0x80, $0x38;
	[tilespmem:$0xA000] =	vst v63  }
0x158: {  	s30 =	sadd.s32 $0xA80, s10;
	s31 =	sor.u32 $0x1400, s12  }
0x159: {  	[hbm4b:s30+s3] =	stream.linear.scatter [tilespmem:s31], [sflag:$0x2], $0x80, $0x38;
	[tilespmem:$0xA000] =	vst v63  }
0x15a: {  	s0 =	sadd.s32 $0xB00, s10;
	s1 =	sor.u32 $0x1800, s12  }
0x15b: {  	[hbm4b:s0+s3] =	stream.linear.scatter [tilespmem:s1], [sflag:$0x2], $0x80, $0x38;
	[tilespmem:$0xA000] =	vst v63  }
0x15c: {  	s2 =	sadd.s32 $0xB80, s10;
	s4 =	sshll.u32 s11, $0x3;
	s12 =	sor.u32 $0x1C00, s12  }
0x15d: {  	[hbm4b:s2+s3] =	stream.linear.scatter [tilespmem:s12], [sflag:$0x2], $0x80, $0x38;
	[tilespmem:$0xA000] =	vst v63  }
0x15e: {  	s13 =	sadd.s32 $0x810, s10;
	s15 =	sand.u32 $0x380, s4  }
0x15f: {  	[hbm4b:s13+s3] =	stream.linear.scatter [tilespmem:s15], [sflag:$0x2], $0x80, $0x38;
	[tilespmem:$0xA000] =	vst v63  }
0x160: {  	s17 =	sadd.s32 $0x890, s10;
	s16 =	sor.u32 $0x400, s15  }
0x161: {  	[hbm4b:s17+s3] =	stream.linear.scatter [tilespmem:s16], [sflag:$0x2], $0x80, $0x38;
	[tilespmem:$0xA000] =	vst v63  }
0x162: {  	s19 =	sadd.s32 $0x910, s10;
	s18 =	sor.u32 $0x800, s15  }
0x163: {  	[hbm4b:s19+s3] =	stream.linear.scatter [tilespmem:s18], [sflag:$0x2], $0x80, $0x38;
	[tilespmem:$0xA000] =	vst v63  }
0x164: {  	s20 =	sor.u32 $0xC00, s15;
	s21 =	sadd.s32 $0x990, s10  }
0x165: {  	[hbm4b:s21+s3] =	stream.linear.scatter [tilespmem:s20], [sflag:$0x2], $0x80, $0x38;
	[tilespmem:$0xA000] =	vst v63  }
0x166: {  	s22 =	sor.u32 $0x1000, s15;
	s23 =	sadd.s32 $0xA10, s10  }
0x167: {  	[hbm4b:s23+s3] =	stream.linear.scatter [tilespmem:s22], [sflag:$0x2], $0x80, $0x38;
	[tilespmem:$0xA000] =	vst v63  }
0x168: {  	s24 =	sor.u32 $0x1400, s15;
	s25 =	sadd.s32 $0xA90, s10  }
0x169: {  	[hbm4b:s25+s3] =	stream.linear.scatter [tilespmem:s24], [sflag:$0x2], $0x80, $0x38;
	[tilespmem:$0xA000] =	vst v63  }
0x16a: {  	s26 =	sor.u32 $0x1800, s15;
	s28 =	sadd.s32 $0xB10, s10  }
0x16b: {  	[hbm4b:s28+s3] =	stream.linear.scatter [tilespmem:s26], [sflag:$0x2], $0x80, $0x38;
	[tilespmem:$0xA000] =	vst v63  }
0x16c: {  	s29 =	sshrl.u32 s11, $0x1;
	s30 =	sadd.s32 $0xB90, s10;
	s13 =	sor.u32 $0x1C00, s15  }
0x16d: {  	[hbm4b:s30+s3] =	stream.linear.scatter [tilespmem:s13], [sflag:$0x2], $0x80, $0x38;
	[tilespmem:$0xA000] =	vst v63  }
0x16e: {  	s31 =	sadd.s32 $0x820, s10;
	s12 =	sand.u32 $0x380, s29  }
0x16f: {  	[hbm4b:s31+s3] =	stream.linear.scatter [tilespmem:s12], [sflag:$0x2], $0x80, $0x38;
	[tilespmem:$0xA000] =	vst v63  }
0x170: {  	s1 =	sadd.s32 $0x8A0, s10;
	s0 =	sor.u32 $0x400, s12  }
0x171: {  	[hbm4b:s1+s3] =	stream.linear.scatter [tilespmem:s0], [sflag:$0x2], $0x80, $0x38;
	[tilespmem:$0xA000] =	vst v63  }
0x172: {  	s4 =	sadd.s32 $0x920, s10;
	s2 =	sor.u32 $0x800, s12  }
0x173: {  	[hbm4b:s4+s3] =	stream.linear.scatter [tilespmem:s2], [sflag:$0x2], $0x80, $0x38;
	[tilespmem:$0xA000] =	vst v63  }
0x174: {  	s14 =	sor.u32 $0xC00, s12;
	s15 =	sadd.s32 $0x9A0, s10  }
0x175: {  	[hbm4b:s15+s3] =	stream.linear.scatter [tilespmem:s14], [sflag:$0x2], $0x80, $0x38;
	[tilespmem:$0xA000] =	vst v63  }
0x176: {  	s16 =	sor.u32 $0x1000, s12;
	s17 =	sadd.s32 $0xA20, s10  }
0x177: {  	[hbm4b:s17+s3] =	stream.linear.scatter [tilespmem:s16], [sflag:$0x2], $0x80, $0x38;
	[tilespmem:$0xA000] =	vst v63  }
0x178: {  	s18 =	sor.u32 $0x1400, s12;
	s19 =	sadd.s32 $0xAA0, s10  }
0x179: {  	[hbm4b:s19+s3] =	stream.linear.scatter [tilespmem:s18], [sflag:$0x2], $0x80, $0x38;
	[tilespmem:$0xA000] =	vst v63  }
0x17a: {  	s20 =	sor.u32 $0x1800, s12;
	s21 =	sadd.s32 $0xB20, s10  }
0x17b: {  	[hbm4b:s21+s3] =	stream.linear.scatter [tilespmem:s20], [sflag:$0x2], $0x80, $0x38;
	[tilespmem:$0xA000] =	vst v63  }
0x17c: {  	s22 =	sshrl.u32 s11, $0x5;
	s23 =	sadd.s32 $0xBA0, s10;
	s12 =	sor.u32 $0x1C00, s12  }
0x17d: {  	[hbm4b:s23+s3] =	stream.linear.scatter [tilespmem:s12], [sflag:$0x2], $0x80, $0x38;
	[tilespmem:$0xA000] =	vst v63  }
0x17e: {  	s24 =	sadd.s32 $0x830, s10;
	s13 =	sand.u32 $0x380, s22  }
0x17f: {  	[hbm4b:s24+s3] =	stream.linear.scatter [tilespmem:s13], [sflag:$0x2], $0x80, $0x38;
	[tilespmem:$0xA000] =	vst v63  }
0x180: {  	s26 =	sadd.s32 $0x8B0, s10;
	s25 =	sor.u32 $0x400, s13  }
0x181: {  	[hbm4b:s26+s3] =	stream.linear.scatter [tilespmem:s25], [sflag:$0x2], $0x80, $0x38;
	[tilespmem:$0xA000] =	vst v63  }
0x182: {  	s29 =	sadd.s32 $0x930, s10;
	s28 =	sor.u32 $0x800, s13  }
0x183: {  	[hbm4b:s29+s3] =	stream.linear.scatter [tilespmem:s28], [sflag:$0x2], $0x80, $0x38;
	[tilespmem:$0xA000] =	vst v63  }
0x184: {  	s30 =	sor.u32 $0xC00, s13;
	s31 =	sadd.s32 $0x9B0, s10  }
0x185: {  	[hbm4b:s31+s3] =	stream.linear.scatter [tilespmem:s30], [sflag:$0x2], $0x80, $0x38;
	[tilespmem:$0xA000] =	vst v63  }
0x186: {  	s0 =	sor.u32 $0x1000, s13;
	s1 =	sadd.s32 $0xA30, s10  }
0x187: {  	[hbm4b:s1+s3] =	stream.linear.scatter [tilespmem:s0], [sflag:$0x2], $0x80, $0x38;
	[tilespmem:$0xA000] =	vst v63  }
0x188: {  	s2 =	sor.u32 $0x1400, s13;
	s4 =	sadd.s32 $0xAB0, s10  }
0x189: {  	[hbm4b:s4+s3] =	stream.linear.scatter [tilespmem:s2], [sflag:$0x2], $0x80, $0x38;
	[tilespmem:$0xA000] =	vst v63  }
0x18a: {  	s15 =	sor.u32 $0x1800, s13;
	s16 =	sadd.s32 $0xB30, s10  }
0x18b: {  	[hbm4b:s16+s3] =	stream.linear.scatter [tilespmem:s15], [sflag:$0x2], $0x80, $0x38;
	[tilespmem:$0xA000] =	vst v63  }
0x18c: {  	s17 =	sshrl.u32 s11, $0x9;
	s18 =	sadd.s32 $0xBB0, s10;
	s13 =	sor.u32 $0x1C00, s13  }
0x18d: {  	[hbm4b:s18+s3] =	stream.linear.scatter [tilespmem:s13], [sflag:$0x2], $0x80, $0x38;
	[tilespmem:$0xA000] =	vst v63  }
0x18e: {  	s19 =	sadd.s32 $0x840, s10;
	s12 =	sand.u32 $0x380, s17  }
0x18f: {  	[hbm4b:s19+s3] =	stream.linear.scatter [tilespmem:s12], [sflag:$0x2], $0x80, $0x38;
	[tilespmem:$0xA000] =	vst v63  }
0x190: {  	s21 =	sadd.s32 $0x8C0, s10;
	s20 =	sor.u32 $0x400, s12  }
0x191: {  	[hbm4b:s21+s3] =	stream.linear.scatter [tilespmem:s20], [sflag:$0x2], $0x80, $0x38;
	[tilespmem:$0xA000] =	vst v63  }
0x192: {  	s23 =	sadd.s32 $0x940, s10;
	s22 =	sor.u32 $0x800, s12  }
0x193: {  	[hbm4b:s23+s3] =	stream.linear.scatter [tilespmem:s22], [sflag:$0x2], $0x80, $0x38;
	[tilespmem:$0xA000] =	vst v63  }
0x194: {  	s24 =	sor.u32 $0xC00, s12;
	s25 =	sadd.s32 $0x9C0, s10  }
0x195: {  	[hbm4b:s25+s3] =	stream.linear.scatter [tilespmem:s24], [sflag:$0x2], $0x80, $0x38;
	[tilespmem:$0xA000] =	vst v63  }
0x196: {  	s26 =	sor.u32 $0x1000, s12;
	s28 =	sadd.s32 $0xA40, s10  }
0x197: {  	[hbm4b:s28+s3] =	stream.linear.scatter [tilespmem:s26], [sflag:$0x2], $0x80, $0x38;
	[tilespmem:$0xA000] =	vst v63  }
0x198: {  	s29 =	sor.u32 $0x1400, s12;
	s30 =	sadd.s32 $0xAC0, s10  }
0x199: {  	[hbm4b:s30+s3] =	stream.linear.scatter [tilespmem:s29], [sflag:$0x2], $0x80, $0x38;
	[tilespmem:$0xA000] =	vst v63  }
0x19a: {  	s31 =	sor.u32 $0x1800, s12;
	s0 =	sadd.s32 $0xB40, s10  }
0x19b: {  	[hbm4b:s0+s3] =	stream.linear.scatter [tilespmem:s31], [sflag:$0x2], $0x80, $0x38;
	[tilespmem:$0xA000] =	vst v63  }
0x19c: {  	s1 =	sshrl.u32 s11, $0xD;
	s2 =	sadd.s32 $0xBC0, s10;
	s12 =	sor.u32 $0x1C00, s12  }
0x19d: {  	[hbm4b:s2+s3] =	stream.linear.scatter [tilespmem:s12], [sflag:$0x2], $0x80, $0x38;
	[tilespmem:$0xA000] =	vst v63  }
0x19e: {  	s4 =	sadd.s32 $0x850, s10;
	s13 =	sand.u32 $0x380, s1  }
0x19f: {  	[hbm4b:s4+s3] =	stream.linear.scatter [tilespmem:s13], [sflag:$0x2], $0x80, $0x38;
	[tilespmem:$0xA000] =	vst v63  }
0x1a0: {  	s15 =	sadd.s32 $0x8D0, s10;
	s14 =	sor.u32 $0x400, s13  }
0x1a1: {  	[hbm4b:s15+s3] =	stream.linear.scatter [tilespmem:s14], [sflag:$0x2], $0x80, $0x38;
	[tilespmem:$0xA000] =	vst v63  }
0x1a2: {  	s17 =	sadd.s32 $0x950, s10;
	s16 =	sor.u32 $0x800, s13  }
0x1a3: {  	[hbm4b:s17+s3] =	stream.linear.scatter [tilespmem:s16], [sflag:$0x2], $0x80, $0x38;
	[tilespmem:$0xA000] =	vst v63  }
0x1a4: {  	s18 =	sor.u32 $0xC00, s13;
	s19 =	sadd.s32 $0x9D0, s10  }
0x1a5: {  	[hbm4b:s19+s3] =	stream.linear.scatter [tilespmem:s18], [sflag:$0x2], $0x80, $0x38;
	[tilespmem:$0xA000] =	vst v63  }
0x1a6: {  	s20 =	sor.u32 $0x1000, s13;
	s21 =	sadd.s32 $0xA50, s10  }
0x1a7: {  	[hbm4b:s21+s3] =	stream.linear.scatter [tilespmem:s20], [sflag:$0x2], $0x80, $0x38;
	[tilespmem:$0xA000] =	vst v63  }
0x1a8: {  	s22 =	sor.u32 $0x1400, s13;
	s23 =	sadd.s32 $0xAD0, s10  }
0x1a9: {  	[hbm4b:s23+s3] =	stream.linear.scatter [tilespmem:s22], [sflag:$0x2], $0x80, $0x38;
	[tilespmem:$0xA000] =	vst v63  }
0x1aa: {  	s24 =	sor.u32 $0x1800, s13;
	s25 =	sadd.s32 $0xB50, s10  }
0x1ab: {  	[hbm4b:s25+s3] =	stream.linear.scatter [tilespmem:s24], [sflag:$0x2], $0x80, $0x38;
	[tilespmem:$0xA000] =	vst v63  }
0x1ac: {  	s26 =	sshrl.u32 s11, $0x11;
	s28 =	sadd.s32 $0xBD0, s10;
	s13 =	sor.u32 $0x1C00, s13  }
0x1ad: {  	[hbm4b:s28+s3] =	stream.linear.scatter [tilespmem:s13], [sflag:$0x2], $0x80, $0x38;
	[tilespmem:$0xA000] =	vst v63  }
0x1ae: {  	s29 =	sadd.s32 $0x860, s10;
	s12 =	sand.u32 $0x380, s26  }
0x1af: {  	[hbm4b:s29+s3] =	stream.linear.scatter [tilespmem:s12], [sflag:$0x2], $0x80, $0x38;
	[tilespmem:$0xA000] =	vst v63  }
0x1b0: {  	s31 =	sadd.s32 $0x8E0, s10;
	s30 =	sor.u32 $0x400, s12  }
0x1b1: {  	[hbm4b:s31+s3] =	stream.linear.scatter [tilespmem:s30], [sflag:$0x2], $0x80, $0x38;
	[tilespmem:$0xA000] =	vst v63  }
0x1b2: {  	s1 =	sadd.s32 $0x960, s10;
	s0 =	sor.u32 $0x800, s12  }
0x1b3: {  	v3 =	vsel vm0, $0x0, v3;
	[hbm4b:s1+s3] =	stream.linear.scatter [tilespmem:s0], [sflag:$0x2], $0x80, $0x38;
	[tilespmem:$0xA000] =	vst v63  }
0x1b4: {  	(xrf0) =	vadd.scan.msk.s32 $0xffff, v3;
	s2 =	sor.u32 $0xC00, s12;
	s4 =	sadd.s32 $0x9E0, s10  }
0x1b5: {  	[hbm4b:s4+s3] =	stream.linear.scatter [tilespmem:s2], [sflag:$0x2], $0x80, $0x38;
	[tilespmem:$0xA000] =	vst v63  }
0x1b6: {  	s15 =	sor.u32 $0x1000, s12;
	s16 =	sadd.s32 $0xA60, s10  }
0x1b7: {  	[hbm4b:s16+s3] =	stream.linear.scatter [tilespmem:s15], [sflag:$0x2], $0x80, $0x38;
	[tilespmem:$0xA000] =	vst v63  }
0x1b8: {  	s17 =	sor.u32 $0x1400, s12;
	s18 =	sadd.s32 $0xAE0, s10  }
0x1b9: {  	[hbm4b:s18+s3] =	stream.linear.scatter [tilespmem:s17], [sflag:$0x2], $0x80, $0x38;
	[tilespmem:$0xA000] =	vst v63  }
0x1ba: {  	v3, _, _ =	vpop (xrf0);
	s19 =	sor.u32 $0x1800, s12;
	s20 =	sadd.s32 $0xB60, s10  }
0x1bb: {  	(v2sf) =	vpush v3, $0xF;
	[hbm4b:s20+s3] =	stream.linear.scatter [tilespmem:s19], [sflag:$0x2], $0x80, $0x38;
	[tilespmem:$0xA000] =	vst v63  }
0x1bc: {  	s11 =	sshrl.u32 s11, $0x15;
	s21 =	sadd.s32 $0xBE0, s10;
	s12 =	sor.u32 $0x1C00, s12  }
0x1bd: {  	[hbm4b:s21+s3] =	stream.linear.scatter [tilespmem:s12], [sflag:$0x2], $0x80, $0x38;
	[tilespmem:$0xA000] =	vst v63  }
0x1be: {  	s22 =	sadd.s32 $0x870, s10;
	s23 =	sand.u32 $0x380, s11  }
0x1bf: {  	[hbm4b:s22+s3] =	stream.linear.scatter [tilespmem:s23], [sflag:$0x2], $0x80, $0x38;
	[tilespmem:$0xA000] =	vst v63  }
0x1c0: {  	s11 =	sor.u32 $0x400, s23;
	s24 =	sadd.s32 $0x8F0, s10  }
0x1c1: {  	[hbm4b:s24+s3] =	stream.linear.scatter [tilespmem:s11], [sflag:$0x2], $0x80, $0x38;
	[tilespmem:$0xA000] =	vst v63  }
0x1c2: {  	s26 =	sadd.s32 $0x970, s10;
	s25 =	sor.u32 $0x800, s23  }
0x1c3: {  	[hbm4b:s26+s3] =	stream.linear.scatter [tilespmem:s25], [sflag:$0x2], $0x80, $0x38;
	[tilespmem:$0xA000] =	vst v63  }
0x1c4: {  	s28 =	sor.u32 $0xC00, s23;
	s29 =	sadd.s32 $0x9F0, s10  }
0x1c5: {  	[hbm4b:s29+s3] =	stream.linear.scatter [tilespmem:s28], [sflag:$0x2], $0x80, $0x38;
	[tilespmem:$0xA000] =	vst v63  }
0x1c6: {  	s30 =	sor.u32 $0x1000, s23;
	s31 =	sadd.s32 $0xA70, s10  }
0x1c7: {  	[hbm4b:s31+s3] =	stream.linear.scatter [tilespmem:s30], [sflag:$0x2], $0x80, $0x38;
	[tilespmem:$0xA000] =	vst v63  }
0x1c8: {  	s0 =	sor.u32 $0x1400, s23;
	s1 =	sadd.s32 $0xAF0, s10  }
0x1c9: {  	[hbm4b:s1+s3] =	stream.linear.scatter [tilespmem:s0], [sflag:$0x2], $0x80, $0x38;
	[tilespmem:$0xA000] =	vst v63  }
0x1ca: {  	s2 =	sor.u32 $0x1800, s23;
	s4 =	sadd.s32 $0xB70, s10;
	s11 =	spop (v2sf)  }
0x1cb: {  	[hbm4b:s4+s3] =	stream.linear.scatter [tilespmem:s2], [sflag:$0x2], $0x80, $0x38;
	[tilespmem:$0xA000] =	vst v63  }
0x1cc: {  	s13 =	sor.u32 $0x1C00, s23;
	s16 =	sadd.s32 $0xBF0, s10;
	s15 =	sshll.u32 s11, $0x7  }
0x1cd: {  	[hbm4b:s16+s3] =	stream.linear.scatter [tilespmem:s13], [sflag:$0x2], $0x80, $0x38;
	[tilespmem:$0xA000] =	vst v63  }
0x1ce: {  	s17 =	sadd.s32 $0xC00, s10;
	s12 =	sand.u32 $0x380, s15  }
0x1cf: {  	[hbm4b:s17+s3] =	stream.linear.scatter [tilespmem:s12], [sflag:$0x2], $0x80, $0x38;
	[tilespmem:$0xA000] =	vst v63  }
0x1d0: {  	s19 =	sadd.s32 $0xC80, s10;
	s18 =	sor.u32 $0x400, s12  }
0x1d1: {  	[hbm4b:s19+s3] =	stream.linear.scatter [tilespmem:s18], [sflag:$0x2], $0x80, $0x38;
	[tilespmem:$0xA000] =	vst v63  }
0x1d2: {  	s21 =	sadd.s32 $0xD00, s10;
	s20 =	sor.u32 $0x800, s12  }
0x1d3: {  	[hbm4b:s21+s3] =	stream.linear.scatter [tilespmem:s20], [sflag:$0x2], $0x80, $0x38;
	[tilespmem:$0xA000] =	vst v63  }
0x1d4: {  	s23 =	sadd.s32 $0xD80, s10;
	s22 =	sor.u32 $0xC00, s12  }
0x1d5: {  	[hbm4b:s23+s3] =	stream.linear.scatter [tilespmem:s22], [sflag:$0x2], $0x80, $0x38;
	[tilespmem:$0xA000] =	vst v63  }
0x1d6: {  	s25 =	sadd.s32 $0xE00, s10;
	s24 =	sor.u32 $0x1000, s12  }
0x1d7: {  	[hbm4b:s25+s3] =	stream.linear.scatter [tilespmem:s24], [sflag:$0x2], $0x80, $0x38;
	[tilespmem:$0xA000] =	vst v63  }
0x1d8: {  	s26 =	sor.u32 $0x1400, s12;
	s28 =	sadd.s32 $0xE80, s10  }
0x1d9: {  	[hbm4b:s28+s3] =	stream.linear.scatter [tilespmem:s26], [sflag:$0x2], $0x80, $0x38;
	[tilespmem:$0xA000] =	vst v63  }
0x1da: {  	s29 =	sor.u32 $0x1800, s12;
	s30 =	sadd.s32 $0xF00, s10  }
0x1db: {  	[hbm4b:s30+s3] =	stream.linear.scatter [tilespmem:s29], [sflag:$0x2], $0x80, $0x38;
	[tilespmem:$0xA000] =	vst v63  }
0x1dc: {  	s31 =	sshll.u32 s11, $0x3;
	s0 =	sadd.s32 $0xF80, s10;
	s12 =	sor.u32 $0x1C00, s12  }
0x1dd: {  	[hbm4b:s0+s3] =	stream.linear.scatter [tilespmem:s12], [sflag:$0x2], $0x80, $0x38;
	[tilespmem:$0xA000] =	vst v63  }
0x1de: {  	s1 =	sadd.s32 $0xC10, s10;
	s13 =	sand.u32 $0x380, s31  }
0x1df: {  	[hbm4b:s1+s3] =	stream.linear.scatter [tilespmem:s13], [sflag:$0x2], $0x80, $0x38;
	[tilespmem:$0xA000] =	vst v63  }
0x1e0: {  	s4 =	sadd.s32 $0xC90, s10;
	s2 =	sor.u32 $0x400, s13  }
0x1e1: {  	[hbm4b:s4+s3] =	stream.linear.scatter [tilespmem:s2], [sflag:$0x2], $0x80, $0x38;
	[tilespmem:$0xA000] =	vst v63  }
0x1e2: {  	s15 =	sadd.s32 $0xD10, s10;
	s14 =	sor.u32 $0x800, s13  }
0x1e3: {  	[hbm4b:s15+s3] =	stream.linear.scatter [tilespmem:s14], [sflag:$0x2], $0x80, $0x38;
	[tilespmem:$0xA000] =	vst v63  }
0x1e4: {  	s16 =	sor.u32 $0xC00, s13;
	s17 =	sadd.s32 $0xD90, s10  }
0x1e5: {  	[hbm4b:s17+s3] =	stream.linear.scatter [tilespmem:s16], [sflag:$0x2], $0x80, $0x38;
	[tilespmem:$0xA000] =	vst v63  }
0x1e6: {  	s18 =	sor.u32 $0x1000, s13;
	s19 =	sadd.s32 $0xE10, s10  }
0x1e7: {  	[hbm4b:s19+s3] =	stream.linear.scatter [tilespmem:s18], [sflag:$0x2], $0x80, $0x38;
	[tilespmem:$0xA000] =	vst v63  }
0x1e8: {  	s20 =	sor.u32 $0x1400, s13;
	s21 =	sadd.s32 $0xE90, s10  }
0x1e9: {  	[hbm4b:s21+s3] =	stream.linear.scatter [tilespmem:s20], [sflag:$0x2], $0x80, $0x38;
	[tilespmem:$0xA000] =	vst v63  }
0x1ea: {  	s22 =	sor.u32 $0x1800, s13;
	s23 =	sadd.s32 $0xF10, s10  }
0x1eb: {  	[hbm4b:s23+s3] =	stream.linear.scatter [tilespmem:s22], [sflag:$0x2], $0x80, $0x38;
	[tilespmem:$0xA000] =	vst v63  }
0x1ec: {  	s24 =	sshrl.u32 s11, $0x1;
	s25 =	sadd.s32 $0xF90, s10;
	s13 =	sor.u32 $0x1C00, s13  }
0x1ed: {  	[hbm4b:s25+s3] =	stream.linear.scatter [tilespmem:s13], [sflag:$0x2], $0x80, $0x38;
	[tilespmem:$0xA000] =	vst v63  }
0x1ee: {  	s26 =	sadd.s32 $0xC20, s10;
	s12 =	sand.u32 $0x380, s24  }
0x1ef: {  	[hbm4b:s26+s3] =	stream.linear.scatter [tilespmem:s12], [sflag:$0x2], $0x80, $0x38;
	[tilespmem:$0xA000] =	vst v63  }
0x1f0: {  	s29 =	sadd.s32 $0xCA0, s10;
	s28 =	sor.u32 $0x400, s12  }
0x1f1: {  	[hbm4b:s29+s3] =	stream.linear.scatter [tilespmem:s28], [sflag:$0x2], $0x80, $0x38;
	[tilespmem:$0xA000] =	vst v63  }
0x1f2: {  	s31 =	sadd.s32 $0xD20, s10;
	s30 =	sor.u32 $0x800, s12  }
0x1f3: {  	[hbm4b:s31+s3] =	stream.linear.scatter [tilespmem:s30], [sflag:$0x2], $0x80, $0x38;
	[tilespmem:$0xA000] =	vst v63  }
0x1f4: {  	s0 =	sor.u32 $0xC00, s12;
	s1 =	sadd.s32 $0xDA0, s10  }
0x1f5: {  	[hbm4b:s1+s3] =	stream.linear.scatter [tilespmem:s0], [sflag:$0x2], $0x80, $0x38;
	[tilespmem:$0xA000] =	vst v63  }
0x1f6: {  	s2 =	sor.u32 $0x1000, s12;
	s4 =	sadd.s32 $0xE20, s10  }
0x1f7: {  	[hbm4b:s4+s3] =	stream.linear.scatter [tilespmem:s2], [sflag:$0x2], $0x80, $0x38;
	[tilespmem:$0xA000] =	vst v63  }
0x1f8: {  	s14 =	sor.u32 $0x1400, s12;
	s15 =	sadd.s32 $0xEA0, s10  }
0x1f9: {  	[hbm4b:s15+s3] =	stream.linear.scatter [tilespmem:s14], [sflag:$0x2], $0x80, $0x38;
	[tilespmem:$0xA000] =	vst v63  }
0x1fa: {  	s16 =	sor.u32 $0x1800, s12;
	s17 =	sadd.s32 $0xF20, s10  }
0x1fb: {  	[hbm4b:s17+s3] =	stream.linear.scatter [tilespmem:s16], [sflag:$0x2], $0x80, $0x38;
	[tilespmem:$0xA000] =	vst v63  }
0x1fc: {  	s18 =	sshrl.u32 s11, $0x5;
	s19 =	sadd.s32 $0xFA0, s10;
	s12 =	sor.u32 $0x1C00, s12  }
0x1fd: {  	[hbm4b:s19+s3] =	stream.linear.scatter [tilespmem:s12], [sflag:$0x2], $0x80, $0x38;
	[tilespmem:$0xA000] =	vst v63  }
0x1fe: {  	s20 =	sadd.s32 $0xC30, s10;
	s13 =	sand.u32 $0x380, s18  }
0x1ff: {  	[hbm4b:s20+s3] =	stream.linear.scatter [tilespmem:s13], [sflag:$0x2], $0x80, $0x38;
	[tilespmem:$0xA000] =	vst v63  }
0x200: {  	s22 =	sadd.s32 $0xCB0, s10;
	s21 =	sor.u32 $0x400, s13  }
0x201: {  	[hbm4b:s22+s3] =	stream.linear.scatter [tilespmem:s21], [sflag:$0x2], $0x80, $0x38;
	[tilespmem:$0xA000] =	vst v63  }
0x202: {  	s24 =	sadd.s32 $0xD30, s10;
	s23 =	sor.u32 $0x800, s13  }
0x203: {  	[hbm4b:s24+s3] =	stream.linear.scatter [tilespmem:s23], [sflag:$0x2], $0x80, $0x38;
	[tilespmem:$0xA000] =	vst v63  }
0x204: {  	s25 =	sor.u32 $0xC00, s13;
	s26 =	sadd.s32 $0xDB0, s10  }
0x205: {  	[hbm4b:s26+s3] =	stream.linear.scatter [tilespmem:s25], [sflag:$0x2], $0x80, $0x38;
	[tilespmem:$0xA000] =	vst v63  }
0x206: {  	s28 =	sor.u32 $0x1000, s13;
	s29 =	sadd.s32 $0xE30, s10  }
0x207: {  	[hbm4b:s29+s3] =	stream.linear.scatter [tilespmem:s28], [sflag:$0x2], $0x80, $0x38;
	[tilespmem:$0xA000] =	vst v63  }
0x208: {  	s30 =	sor.u32 $0x1400, s13;
	s31 =	sadd.s32 $0xEB0, s10  }
0x209: {  	[hbm4b:s31+s3] =	stream.linear.scatter [tilespmem:s30], [sflag:$0x2], $0x80, $0x38;
	[tilespmem:$0xA000] =	vst v63  }
0x20a: {  	s0 =	sor.u32 $0x1800, s13;
	s1 =	sadd.s32 $0xF30, s10  }
0x20b: {  	[hbm4b:s1+s3] =	stream.linear.scatter [tilespmem:s0], [sflag:$0x2], $0x80, $0x38;
	[tilespmem:$0xA000] =	vst v63  }
0x20c: {  	s2 =	sshrl.u32 s11, $0x9;
	s4 =	sadd.s32 $0xFB0, s10;
	s13 =	sor.u32 $0x1C00, s13  }
0x20d: {  	[hbm4b:s4+s3] =	stream.linear.scatter [tilespmem:s13], [sflag:$0x2], $0x80, $0x38;
	[tilespmem:$0xA000] =	vst v63  }
0x20e: {  	s15 =	sadd.s32 $0xC40, s10;
	s12 =	sand.u32 $0x380, s2  }
0x20f: {  	[hbm4b:s15+s3] =	stream.linear.scatter [tilespmem:s12], [sflag:$0x2], $0x80, $0x38;
	[tilespmem:$0xA000] =	vst v63  }
0x210: {  	s17 =	sadd.s32 $0xCC0, s10;
	s16 =	sor.u32 $0x400, s12  }
0x211: {  	[hbm4b:s17+s3] =	stream.linear.scatter [tilespmem:s16], [sflag:$0x2], $0x80, $0x38;
	[tilespmem:$0xA000] =	vst v63  }
0x212: {  	s19 =	sadd.s32 $0xD40, s10;
	s18 =	sor.u32 $0x800, s12  }
0x213: {  	[hbm4b:s19+s3] =	stream.linear.scatter [tilespmem:s18], [sflag:$0x2], $0x80, $0x38;
	[tilespmem:$0xA000] =	vst v63  }
0x214: {  	s20 =	sor.u32 $0xC00, s12;
	s21 =	sadd.s32 $0xDC0, s10  }
0x215: {  	[hbm4b:s21+s3] =	stream.linear.scatter [tilespmem:s20], [sflag:$0x2], $0x80, $0x38;
	[tilespmem:$0xA000] =	vst v63  }
0x216: {  	s22 =	sor.u32 $0x1000, s12;
	s23 =	sadd.s32 $0xE40, s10  }
0x217: {  	[hbm4b:s23+s3] =	stream.linear.scatter [tilespmem:s22], [sflag:$0x2], $0x80, $0x38;
	[tilespmem:$0xA000] =	vst v63  }
0x218: {  	s24 =	sor.u32 $0x1400, s12;
	s25 =	sadd.s32 $0xEC0, s10  }
0x219: {  	[hbm4b:s25+s3] =	stream.linear.scatter [tilespmem:s24], [sflag:$0x2], $0x80, $0x38;
	[tilespmem:$0xA000] =	vst v63  }
0x21a: {  	s26 =	sor.u32 $0x1800, s12;
	s28 =	sadd.s32 $0xF40, s10  }
0x21b: {  	[hbm4b:s28+s3] =	stream.linear.scatter [tilespmem:s26], [sflag:$0x2], $0x80, $0x38;
	[tilespmem:$0xA000] =	vst v63  }
0x21c: {  	s29 =	sshrl.u32 s11, $0xD;
	s30 =	sadd.s32 $0xFC0, s10;
	s12 =	sor.u32 $0x1C00, s12  }
0x21d: {  	[hbm4b:s30+s3] =	stream.linear.scatter [tilespmem:s12], [sflag:$0x2], $0x80, $0x38;
	[tilespmem:$0xA000] =	vst v63  }
0x21e: {  	s31 =	sadd.s32 $0xC50, s10;
	s13 =	sand.u32 $0x380, s29  }
0x21f: {  	[hbm4b:s31+s3] =	stream.linear.scatter [tilespmem:s13], [sflag:$0x2], $0x80, $0x38;
	[tilespmem:$0xA000] =	vst v63  }
0x220: {  	s1 =	sadd.s32 $0xCD0, s10;
	s0 =	sor.u32 $0x400, s13  }
0x221: {  	[hbm4b:s1+s3] =	stream.linear.scatter [tilespmem:s0], [sflag:$0x2], $0x80, $0x38;
	[tilespmem:$0xA000] =	vst v63  }
0x222: {  	s4 =	sadd.s32 $0xD50, s10;
	s2 =	sor.u32 $0x800, s13  }
0x223: {  	[hbm4b:s4+s3] =	stream.linear.scatter [tilespmem:s2], [sflag:$0x2], $0x80, $0x38;
	[tilespmem:$0xA000] =	vst v63  }
0x224: {  	s14 =	sor.u32 $0xC00, s13;
	s15 =	sadd.s32 $0xDD0, s10  }
0x225: {  	[hbm4b:s15+s3] =	stream.linear.scatter [tilespmem:s14], [sflag:$0x2], $0x80, $0x38;
	[tilespmem:$0xA000] =	vst v63  }
0x226: {  	s16 =	sor.u32 $0x1000, s13;
	s17 =	sadd.s32 $0xE50, s10  }
0x227: {  	[hbm4b:s17+s3] =	stream.linear.scatter [tilespmem:s16], [sflag:$0x2], $0x80, $0x38;
	[tilespmem:$0xA000] =	vst v63  }
0x228: {  	s18 =	sor.u32 $0x1400, s13;
	s19 =	sadd.s32 $0xED0, s10  }
0x229: {  	[hbm4b:s19+s3] =	stream.linear.scatter [tilespmem:s18], [sflag:$0x2], $0x80, $0x38;
	[tilespmem:$0xA000] =	vst v63  }
0x22a: {  	s20 =	sor.u32 $0x1800, s13;
	s21 =	sadd.s32 $0xF50, s10  }
0x22b: {  	[hbm4b:s21+s3] =	stream.linear.scatter [tilespmem:s20], [sflag:$0x2], $0x80, $0x38;
	[tilespmem:$0xA000] =	vst v63  }
0x22c: {  	s22 =	sshrl.u32 s11, $0x11;
	s23 =	sadd.s32 $0xFD0, s10;
	s13 =	sor.u32 $0x1C00, s13  }
0x22d: {  	[hbm4b:s23+s3] =	stream.linear.scatter [tilespmem:s13], [sflag:$0x2], $0x80, $0x38;
	[tilespmem:$0xA000] =	vst v63  }
0x22e: {  	s24 =	sadd.s32 $0xC60, s10;
	s12 =	sand.u32 $0x380, s22  }
0x22f: {  	[hbm4b:s24+s3] =	stream.linear.scatter [tilespmem:s12], [sflag:$0x2], $0x80, $0x38;
	[tilespmem:$0xA000] =	vst v63  }
0x230: {  	s26 =	sadd.s32 $0xCE0, s10;
	s25 =	sor.u32 $0x400, s12  }
0x231: {  	[hbm4b:s26+s3] =	stream.linear.scatter [tilespmem:s25], [sflag:$0x2], $0x80, $0x38;
	[tilespmem:$0xA000] =	vst v63  }
0x232: {  	s29 =	sadd.s32 $0xD60, s10;
	s28 =	sor.u32 $0x800, s12  }
0x233: {  	[hbm4b:s29+s3] =	stream.linear.scatter [tilespmem:s28], [sflag:$0x2], $0x80, $0x38;
	[tilespmem:$0xA000] =	vst v63  }
0x234: {  	s30 =	sor.u32 $0xC00, s12;
	s31 =	sadd.s32 $0xDE0, s10  }
0x235: {  	[hbm4b:s31+s3] =	stream.linear.scatter [tilespmem:s30], [sflag:$0x2], $0x80, $0x38;
	[tilespmem:$0xA000] =	vst v63  }
0x236: {  	s0 =	sor.u32 $0x1000, s12;
	s1 =	sadd.s32 $0xE60, s10  }
0x237: {  	[hbm4b:s1+s3] =	stream.linear.scatter [tilespmem:s0], [sflag:$0x2], $0x80, $0x38;
	[tilespmem:$0xA000] =	vst v63  }
0x238: {  	s2 =	sor.u32 $0x1400, s12;
	s4 =	sadd.s32 $0xEE0, s10  }
0x239: {  	[hbm4b:s4+s3] =	stream.linear.scatter [tilespmem:s2], [sflag:$0x2], $0x80, $0x38;
	[tilespmem:$0xA000] =	vst v63  }
0x23a: {  	s14 =	sor.u32 $0x1800, s12;
	s15 =	sadd.s32 $0xF60, s10  }
0x23b: {  	[hbm4b:s15+s3] =	stream.linear.scatter [tilespmem:s14], [sflag:$0x2], $0x80, $0x38;
	[tilespmem:$0xA000] =	vst v63  }
0x23c: {  	s11 =	sshrl.u32 s11, $0x15;
	s16 =	sadd.s32 $0xFE0, s10;
	s12 =	sor.u32 $0x1C00, s12  }
0x23d: {  	[hbm4b:s16+s3] =	stream.linear.scatter [tilespmem:s12], [sflag:$0x2], $0x80, $0x38;
	[tilespmem:$0xA000] =	vst v63  }
0x23e: {  	s11 =	sand.u32 $0x380, s11;
	s17 =	sadd.s32 $0xC70, s10  }
0x23f: {  	[hbm4b:s17+s3] =	stream.linear.scatter [tilespmem:s11], [sflag:$0x2], $0x80, $0x38;
	[tilespmem:$0xA000] =	vst v63  }
0x240: {  	s18 =	sor.u32 $0x400, s11;
	s19 =	sadd.s32 $0xCF0, s10  }
0x241: {  	[hbm4b:s19+s3] =	stream.linear.scatter [tilespmem:s18], [sflag:$0x2], $0x80, $0x38;
	[tilespmem:$0xA000] =	vst v63  }
0x242: {  	s20 =	sor.u32 $0x800, s11;
	s21 =	sadd.s32 $0xD70, s10  }
0x243: {  	[hbm4b:s21+s3] =	stream.linear.scatter [tilespmem:s20], [sflag:$0x2], $0x80, $0x38;
	[tilespmem:$0xA000] =	vst v63  }
0x244: {  	p1 =	por $0x1, $0x1;
	s22 =	sor.u32 $0xC00, s11;
	s23 =	sadd.s32 $0xDF0, s10  }
0x245: {  	[hbm4b:s23+s3] =	stream.linear.scatter [tilespmem:s22], [sflag:$0x2], $0x80, $0x38;
	[tilespmem:$0xA000] =	vst v63  }
0x246: {  	s13 =	simm.s32 $0x1000;
	s24 =	sor.u32 $0x1000, s11;
	s25 =	sadd.s32 $0xE70, s10  }
0x247: {  	[hbm4b:s25+s3] =	stream.linear.scatter [tilespmem:s24], [sflag:$0x2], $0x80, $0x38;
	[tilespmem:$0xA000] =	vst v63  }
0x248: {  	s26 =	sor.u32 $0x1400, s11;
	s28 =	sadd.s32 $0xEF0, s10;
	s29 =	simm.s32 $0x20  }
0x249: {  	[hbm4b:s28+s3] =	stream.linear.scatter [tilespmem:s26], [sflag:$0x2], $0x80, $0x38;
	[tilespmem:$0xA000] =	vst v63  }
0x24a: {  	v3 =	vmov s29;
	s30 =	sor.u32 $0x1800, s11;
	s31 =	sadd.s32 $0xF70, s10;
	s10 =	sadd.s32 $0xFF0, s10  }
0x24b: {  	v3 =	vshll.u32 v3, $0x7;
	[hbm4b:s31+s3] =	stream.linear.scatter [tilespmem:s30], [sflag:$0x2], $0x80, $0x38;
	[tilespmem:$0xA000] =	vst v63  }
0x24c: {  	v4 =	vor.u32 v0, v3;
	s14 =	simm.s32 @!p1 $0x2;
	s12 =	simm.s32 $0x2000;
	s11 =	sor.u32 $0x1C00, s11  }
0x24d: {  	v9 =	vor.u32 $0x1, v4;
	v8 =	vor.u32 $0x2, v4;
	v7 =	vor.u32 $0x3, v4;
	[hbm4b:s10+s3] =	stream.linear.scatter [tilespmem:s11], [sflag:$0x2], $0x80, $0x38;
	[tilespmem:$0xA000] =	vst v63  }
0x24e: {  	v6 =	vor.u32 $0x4, v4;
	v5 =	vor.u32 $0x5, v4;
	v3 =	vor.u32 $0x6, v4;
	s11 =	simm.s32 $0x30;
	s10 =	simm.s32 $0x0;
	_ =	swait.ge @!p1 [sflag:s14], $0x8000  }
.LBB2_2:
0x24f: {  	[sflag:s14] =	ssyncset.done @!p1 $0x0  }
0x250: {  	[sflag:s14] =	ssyncadd.s32 @!p1 $0xFFFF8000  }
0x251: {  	v10 =	vor.u32 $0x7, v4;
	v4 =	vld.idx.msk [tilespmem:v4+s6+$0x0], $0xffff  }
0x252: {  	v9 =	vld.idx.msk [tilespmem:v9+s6+$0x0], $0xffff;
	_ =	sdelay $0x1  }
0x253: {  	v8 =	vld.idx.msk [tilespmem:v8+s6+$0x0], $0xffff;
	_ =	sdelay $0x1  }
0x254: {  	v7 =	vld.idx.msk [tilespmem:v7+s6+$0x0], $0xffff  }
0x255: {  	vm1 =	vgt.f32 v9, v4  }
0x256: {  	v6 =	vld.idx.msk [tilespmem:v6+s6+$0x0], $0xffff;
	v4 =	vsel vm1, v9, v4  }
0x257: {  	vm2 =	vgt.f32 v8, v4  }
0x258: {  	v5 =	vld.idx.msk [tilespmem:v5+s6+$0x0], $0xffff;
	v4 =	vsel vm2, v8, v4  }
0x259: {  	vm3 =	vgt.f32 v7, v4  }
0x25a: {  	v3 =	vld.idx.msk [tilespmem:v3+s6+$0x0], $0xffff;
	v4 =	vsel vm3, v7, v4  }
0x25b: {  	vm4 =	vgt.f32 v6, v4  }
0x25c: {  	v8 =	vsel vm1, $0x1, v1;
	v7 =	vld.idx.msk [tilespmem:v10+s6+$0x0], $0xffff;
	v4 =	vsel vm4, v6, v4  }
0x25d: {  	v6 =	vsel vm2, $0x2, v8;
	vm1 =	vgt.f32 v5, v4  }
0x25e: {  	v6 =	vsel vm3, $0x3, v6;
	v4 =	vsel vm1, v5, v4  }
0x25f: {  	v5 =	vsel vm4, $0x4, v6;
	vm2 =	vgt.f32 v3, v4  }
0x260: {  	v5 =	vsel vm1, $0x5, v5;
	v3 =	vsel vm2, v3, v4  }
0x261: {  	v4 =	vsel vm2, $0x6, v5;
	vm1 =	vgt.f32 v7, v3  }
0x262: {  	v3 =	vsel vm1, $0x7, v4  }
0x263: {  	v3 =	vshll.u32 v3, v2  }
0x264: {  	v4 =	vnsel vm0, $0x0, v3  }
0x265: {  	(xrf0) =	vadd.scan.msk.s32 $0xffff, v4;
	_ =	sdelay $0x2  }
0x266: {  	v3 =	vsel vm0, $0x0, v3;
	_ =	sdelay $0x2  }
0x267: {  	(xrf0) =	vadd.scan.msk.s32 $0xffff, v3;
	v3, _, _ =	vpop (xrf0)  }
0x268: {  	(v2sf) =	vpush v3, $0xF;
	_ =	sdelay $0xb  }
0x269: {  	p1 =	sne.s32 s13, $0x0  }
0x26a: {  	s14 =	simm.s32 @!p1 $0x1;
	v3, _, _ =	vpop (xrf0)  }
0x26b: {  	_ =	swait.ge @!p1 [sflag:s14], $0x2000  }
0x26c: {  	s16 =	spop (v2sf)  }
0x26d: {  	s15 =	rddreg [dreg:$0x4];
	[sflag:s14] =	ssyncset.done @!p1 $0x0;
	s17 =	sshll.u32 s16, $0x7  }
0x26e: {  	[sflag:s14] =	ssyncadd.s32 @!p1 $0xFFFFE000;
	s14 =	sadd.s32 s13, s15;
	s13 =	sand.u32 $0x380, s17  }
0x26f: {  	[hbm4b:s14+s3] =	stream.linear.scatter [tilespmem:s13], [sflag:$0x2], $0x80, $0x38;
	[tilespmem:$0xA000] =	vst v63  }
0x270: {  	s19 =	sadd.s32 $0x80, s14;
	s21 =	sadd.s32 $0x100, s14;
	s17 =	sor.u32 $0x400, s13  }
0x271: {  	[hbm4b:s19+s3] =	stream.linear.scatter [tilespmem:s17], [sflag:$0x2], $0x80, $0x38;
	[tilespmem:$0xA000] =	vst v63  }
0x272: {  	s23 =	sadd.s32 $0x180, s14;
	s31 =	sadd.s32 $0x200, s14;
	s20 =	sor.u32 $0x800, s13  }
0x273: {  	[hbm4b:s21+s3] =	stream.linear.scatter [tilespmem:s20], [sflag:$0x2], $0x80, $0x38;
	[tilespmem:$0xA000] =	vst v63  }
0x274: {  	s1 =	sadd.s32 $0x280, s14;
	s4 =	sadd.s32 $0x300, s14;
	s22 =	sor.u32 $0xC00, s13  }
0x275: {  	[hbm4b:s23+s3] =	stream.linear.scatter [tilespmem:s22], [sflag:$0x2], $0x80, $0x38;
	[tilespmem:$0xA000] =	vst v63  }
0x276: {  	s18 =	sshll.u32 s16, $0x3;
	s30 =	sshrl.u32 s16, $0x1;
	s24 =	sor.u32 $0x1000, s13  }
0x277: {  	[hbm4b:s31+s3] =	stream.linear.scatter [tilespmem:s24], [sflag:$0x2], $0x80, $0x38;
	[tilespmem:$0xA000] =	vst v63  }
0x278: {  	s29 =	sshrl.u32 s16, $0x5;
	s28 =	sshrl.u32 s16, $0x9;
	s0 =	sor.u32 $0x1400, s13  }
0x279: {  	[hbm4b:s1+s3] =	stream.linear.scatter [tilespmem:s0], [sflag:$0x2], $0x80, $0x38;
	[tilespmem:$0xA000] =	vst v63  }
0x27a: {  	s25 =	sshrl.u32 s16, $0xD;
	s2 =	sor.u32 $0x1800, s13;
	s13 =	sor.u32 $0x1C00, s13  }
0x27b: {  	[hbm4b:s4+s3] =	stream.linear.scatter [tilespmem:s2], [sflag:$0x2], $0x80, $0x38;
	[tilespmem:$0xA000] =	vst v63  }
0x27c: {  	s23 =	sshrl.u32 s16, $0x15;
	s24 =	sshrl.u32 s16, $0x11;
	s16 =	sadd.s32 $0x380, s14  }
0x27d: {  	[hbm4b:s16+s3] =	stream.linear.scatter [tilespmem:s13], [sflag:$0x2], $0x80, $0x38;
	[tilespmem:$0xA000] =	vst v63  }
0x27e: {  	s17 =	sadd.s32 $0x10, s14;
	s31 =	sand.u32 $0x380, s18  }
0x27f: {  	[hbm4b:s17+s3] =	stream.linear.scatter [tilespmem:s31], [sflag:$0x2], $0x80, $0x38;
	[tilespmem:$0xA000] =	vst v63  }
0x280: {  	s19 =	sadd.s32 $0x90, s14;
	s18 =	sor.u32 $0x400, s31  }
0x281: {  	[hbm4b:s19+s3] =	stream.linear.scatter [tilespmem:s18], [sflag:$0x2], $0x80, $0x38;
	[tilespmem:$0xA000] =	vst v63  }
0x282: {  	s0 =	sor.u32 $0x800, s31;
	s1 =	sadd.s32 $0x110, s14  }
0x283: {  	[hbm4b:s1+s3] =	stream.linear.scatter [tilespmem:s0], [sflag:$0x2], $0x80, $0x38;
	[tilespmem:$0xA000] =	vst v63  }
0x284: {  	s2 =	sor.u32 $0xC00, s31;
	s4 =	sadd.s32 $0x190, s14  }
0x285: {  	[hbm4b:s4+s3] =	stream.linear.scatter [tilespmem:s2], [sflag:$0x2], $0x80, $0x38;
	[tilespmem:$0xA000] =	vst v63  }
0x286: {  	s16 =	sor.u32 $0x1000, s31;
	s0 =	sadd.s32 $0x210, s14  }
0x287: {  	[hbm4b:s0+s3] =	stream.linear.scatter [tilespmem:s16], [sflag:$0x2], $0x80, $0x38;
	[tilespmem:$0xA000] =	vst v63  }
0x288: {  	s1 =	sor.u32 $0x1400, s31;
	s2 =	sadd.s32 $0x290, s14  }
0x289: {  	[hbm4b:s2+s3] =	stream.linear.scatter [tilespmem:s1], [sflag:$0x2], $0x80, $0x38;
	[tilespmem:$0xA000] =	vst v63  }
0x28a: {  	s4 =	sor.u32 $0x1800, s31;
	s0 =	sadd.s32 $0x310, s14  }
0x28b: {  	[hbm4b:s0+s3] =	stream.linear.scatter [tilespmem:s4], [sflag:$0x2], $0x80, $0x38;
	[tilespmem:$0xA000] =	vst v63  }
0x28c: {  	s26 =	smov.u32 s12;
	s1 =	sor.u32 $0x1C00, s31;
	s2 =	sadd.s32 $0x390, s14  }
0x28d: {  	[hbm4b:s2+s3] =	stream.linear.scatter [tilespmem:s1], [sflag:$0x2], $0x80, $0x38;
	[tilespmem:$0xA000] =	vst v63  }
0x28e: {  	s13 =	smov.u32 s26;
	s26 =	sand.u32 $0x380, s30;
	s4 =	sadd.s32 $0x20, s14  }
0x28f: {  	[hbm4b:s4+s3] =	stream.linear.scatter [tilespmem:s26], [sflag:$0x2], $0x80, $0x38;
	[tilespmem:$0xA000] =	vst v63  }
0x290: {  	s31 =	sor.u32 $0x400, s26;
	s1 =	sadd.s32 $0xA0, s14  }
0x291: {  	[hbm4b:s1+s3] =	stream.linear.scatter [tilespmem:s31], [sflag:$0x2], $0x80, $0x38;
	[tilespmem:$0xA000] =	vst v63  }
0x292: {  	s2 =	sor.u32 $0x800, s26;
	s4 =	sadd.s32 $0x120, s14  }
0x293: {  	[hbm4b:s4+s3] =	stream.linear.scatter [tilespmem:s2], [sflag:$0x2], $0x80, $0x38;
	[tilespmem:$0xA000] =	vst v63  }
0x294: {  	s31 =	sor.u32 $0xC00, s26;
	s1 =	sadd.s32 $0x1A0, s14  }
0x295: {  	[hbm4b:s1+s3] =	stream.linear.scatter [tilespmem:s31], [sflag:$0x2], $0x80, $0x38;
	[tilespmem:$0xA000] =	vst v63  }
0x296: {  	s2 =	sor.u32 $0x1000, s26;
	s4 =	sadd.s32 $0x220, s14  }
0x297: {  	[hbm4b:s4+s3] =	stream.linear.scatter [tilespmem:s2], [sflag:$0x2], $0x80, $0x38;
	[tilespmem:$0xA000] =	vst v63  }
0x298: {  	s31 =	sor.u32 $0x1400, s26;
	s1 =	sadd.s32 $0x2A0, s14  }
0x299: {  	[hbm4b:s1+s3] =	stream.linear.scatter [tilespmem:s31], [sflag:$0x2], $0x80, $0x38;
	[tilespmem:$0xA000] =	vst v63  }
0x29a: {  	s2 =	sor.u32 $0x1800, s26;
	s4 =	sadd.s32 $0x320, s14  }
0x29b: {  	[hbm4b:s4+s3] =	stream.linear.scatter [tilespmem:s2], [sflag:$0x2], $0x80, $0x38;
	[tilespmem:$0xA000] =	vst v63  }
0x29c: {  	s30 =	sor.u32 $0x1C00, s26;
	s31 =	sadd.s32 $0x3A0, s14  }
0x29d: {  	[hbm4b:s31+s3] =	stream.linear.scatter [tilespmem:s30], [sflag:$0x2], $0x80, $0x38;
	[tilespmem:$0xA000] =	vst v63  }
0x29e: {  	s26 =	sand.u32 $0x380, s29;
	s1 =	sadd.s32 $0x30, s14  }
0x29f: {  	[hbm4b:s1+s3] =	stream.linear.scatter [tilespmem:s26], [sflag:$0x2], $0x80, $0x38;
	[tilespmem:$0xA000] =	vst v63  }
0x2a0: {  	s2 =	sor.u32 $0x400, s26;
	s4 =	sadd.s32 $0xB0, s14  }
0x2a1: {  	[hbm4b:s4+s3] =	stream.linear.scatter [tilespmem:s2], [sflag:$0x2], $0x80, $0x38;
	[tilespmem:$0xA000] =	vst v63  }
0x2a2: {  	s30 =	sor.u32 $0x800, s26;
	s31 =	sadd.s32 $0x130, s14  }
0x2a3: {  	[hbm4b:s31+s3] =	stream.linear.scatter [tilespmem:s30], [sflag:$0x2], $0x80, $0x38;
	[tilespmem:$0xA000] =	vst v63  }
0x2a4: {  	s1 =	sor.u32 $0xC00, s26;
	s2 =	sadd.s32 $0x1B0, s14  }
0x2a5: {  	[hbm4b:s2+s3] =	stream.linear.scatter [tilespmem:s1], [sflag:$0x2], $0x80, $0x38;
	[tilespmem:$0xA000] =	vst v63  }
0x2a6: {  	s4 =	sor.u32 $0x1000, s26;
	s30 =	sadd.s32 $0x230, s14  }
0x2a7: {  	[hbm4b:s30+s3] =	stream.linear.scatter [tilespmem:s4], [sflag:$0x2], $0x80, $0x38;
	[tilespmem:$0xA000] =	vst v63  }
0x2a8: {  	s31 =	sor.u32 $0x1400, s26;
	s1 =	sadd.s32 $0x2B0, s14  }
0x2a9: {  	[hbm4b:s1+s3] =	stream.linear.scatter [tilespmem:s31], [sflag:$0x2], $0x80, $0x38;
	[tilespmem:$0xA000] =	vst v63  }
0x2aa: {  	s2 =	sor.u32 $0x1800, s26;
	s4 =	sadd.s32 $0x330, s14  }
0x2ab: {  	[hbm4b:s4+s3] =	stream.linear.scatter [tilespmem:s2], [sflag:$0x2], $0x80, $0x38;
	[tilespmem:$0xA000] =	vst v63  }
0x2ac: {  	s30 =	sor.u32 $0x1C00, s26;
	s31 =	sadd.s32 $0x3B0, s14  }
0x2ad: {  	[hbm4b:s31+s3] =	stream.linear.scatter [tilespmem:s30], [sflag:$0x2], $0x80, $0x38;
	[tilespmem:$0xA000] =	vst v63  }
0x2ae: {  	s26 =	sand.u32 $0x380, s28;
	s1 =	sadd.s32 $0x40, s14  }
0x2af: {  	[hbm4b:s1+s3] =	stream.linear.scatter [tilespmem:s26], [sflag:$0x2], $0x80, $0x38;
	[tilespmem:$0xA000] =	vst v63  }
0x2b0: {  	s2 =	sor.u32 $0x400, s26;
	s4 =	sadd.s32 $0xC0, s14  }
0x2b1: {  	[hbm4b:s4+s3] =	stream.linear.scatter [tilespmem:s2], [sflag:$0x2], $0x80, $0x38;
	[tilespmem:$0xA000] =	vst v63  }
0x2b2: {  	s29 =	sor.u32 $0x800, s26;
	s30 =	sadd.s32 $0x140, s14  }
0x2b3: {  	[hbm4b:s30+s3] =	stream.linear.scatter [tilespmem:s29], [sflag:$0x2], $0x80, $0x38;
	[tilespmem:$0xA000] =	vst v63  }
0x2b4: {  	s31 =	sor.u32 $0xC00, s26;
	s1 =	sadd.s32 $0x1C0, s14  }
0x2b5: {  	[hbm4b:s1+s3] =	stream.linear.scatter [tilespmem:s31], [sflag:$0x2], $0x80, $0x38;
	[tilespmem:$0xA000] =	vst v63  }
0x2b6: {  	s2 =	sor.u32 $0x1000, s26;
	s4 =	sadd.s32 $0x240, s14  }
0x2b7: {  	[hbm4b:s4+s3] =	stream.linear.scatter [tilespmem:s2], [sflag:$0x2], $0x80, $0x38;
	[tilespmem:$0xA000] =	vst v63  }
0x2b8: {  	s29 =	sor.u32 $0x1400, s26;
	s30 =	sadd.s32 $0x2C0, s14  }
0x2b9: {  	[hbm4b:s30+s3] =	stream.linear.scatter [tilespmem:s29], [sflag:$0x2], $0x80, $0x38;
	[tilespmem:$0xA000] =	vst v63  }
0x2ba: {  	s31 =	sor.u32 $0x1800, s26;
	s1 =	sadd.s32 $0x340, s14  }
0x2bb: {  	[hbm4b:s1+s3] =	stream.linear.scatter [tilespmem:s31], [sflag:$0x2], $0x80, $0x38;
	[tilespmem:$0xA000] =	vst v63  }
0x2bc: {  	s2 =	sor.u32 $0x1C00, s26;
	s4 =	sadd.s32 $0x3C0, s14  }
0x2bd: {  	[hbm4b:s4+s3] =	stream.linear.scatter [tilespmem:s2], [sflag:$0x2], $0x80, $0x38;
	[tilespmem:$0xA000] =	vst v63  }
0x2be: {  	s25 =	sand.u32 $0x380, s25;
	s28 =	sadd.s32 $0x50, s14  }
0x2bf: {  	[hbm4b:s28+s3] =	stream.linear.scatter [tilespmem:s25], [sflag:$0x2], $0x80, $0x38;
	[tilespmem:$0xA000] =	vst v63  }
0x2c0: {  	s29 =	sor.u32 $0x400, s25;
	s30 =	sadd.s32 $0xD0, s14  }
0x2c1: {  	[hbm4b:s30+s3] =	stream.linear.scatter [tilespmem:s29], [sflag:$0x2], $0x80, $0x38;
	[tilespmem:$0xA000] =	vst v63  }
0x2c2: {  	s31 =	sor.u32 $0x800, s25;
	s1 =	sadd.s32 $0x150, s14  }
0x2c3: {  	[hbm4b:s1+s3] =	stream.linear.scatter [tilespmem:s31], [sflag:$0x2], $0x80, $0x38;
	[tilespmem:$0xA000] =	vst v63  }
0x2c4: {  	s2 =	sor.u32 $0xC00, s25;
	s4 =	sadd.s32 $0x1D0, s14  }
0x2c5: {  	[hbm4b:s4+s3] =	stream.linear.scatter [tilespmem:s2], [sflag:$0x2], $0x80, $0x38;
	[tilespmem:$0xA000] =	vst v63  }
0x2c6: {  	s26 =	sor.u32 $0x1000, s25;
	s28 =	sadd.s32 $0x250, s14  }
0x2c7: {  	[hbm4b:s28+s3] =	stream.linear.scatter [tilespmem:s26], [sflag:$0x2], $0x80, $0x38;
	[tilespmem:$0xA000] =	vst v63  }
0x2c8: {  	s29 =	sor.u32 $0x1400, s25;
	s30 =	sadd.s32 $0x2D0, s14  }
0x2c9: {  	[hbm4b:s30+s3] =	stream.linear.scatter [tilespmem:s29], [sflag:$0x2], $0x80, $0x38;
	[tilespmem:$0xA000] =	vst v63  }
0x2ca: {  	s31 =	sor.u32 $0x1800, s25;
	s1 =	sadd.s32 $0x350, s14  }
0x2cb: {  	[hbm4b:s1+s3] =	stream.linear.scatter [tilespmem:s31], [sflag:$0x2], $0x80, $0x38;
	[tilespmem:$0xA000] =	vst v63  }
0x2cc: {  	s2 =	sor.u32 $0x1C00, s25;
	s4 =	sadd.s32 $0x3D0, s14  }
0x2cd: {  	[hbm4b:s4+s3] =	stream.linear.scatter [tilespmem:s2], [sflag:$0x2], $0x80, $0x38;
	[tilespmem:$0xA000] =	vst v63  }
0x2ce: {  	s24 =	sand.u32 $0x380, s24;
	s25 =	sadd.s32 $0x60, s14  }
0x2cf: {  	[hbm4b:s25+s3] =	stream.linear.scatter [tilespmem:s24], [sflag:$0x2], $0x80, $0x38;
	[tilespmem:$0xA000] =	vst v63  }
0x2d0: {  	s26 =	sor.u32 $0x400, s24;
	s28 =	sadd.s32 $0xE0, s14  }
0x2d1: {  	[hbm4b:s28+s3] =	stream.linear.scatter [tilespmem:s26], [sflag:$0x2], $0x80, $0x38;
	[tilespmem:$0xA000] =	vst v63  }
0x2d2: {  	s29 =	sor.u32 $0x800, s24;
	s30 =	sadd.s32 $0x160, s14  }
0x2d3: {  	[hbm4b:s30+s3] =	stream.linear.scatter [tilespmem:s29], [sflag:$0x2], $0x80, $0x38;
	[tilespmem:$0xA000] =	vst v63  }
0x2d4: {  	s31 =	sor.u32 $0xC00, s24;
	s1 =	sadd.s32 $0x1E0, s14  }
0x2d5: {  	[hbm4b:s1+s3] =	stream.linear.scatter [tilespmem:s31], [sflag:$0x2], $0x80, $0x38;
	[tilespmem:$0xA000] =	vst v63  }
0x2d6: {  	s2 =	sor.u32 $0x1000, s24;
	s4 =	sadd.s32 $0x260, s14  }
0x2d7: {  	[hbm4b:s4+s3] =	stream.linear.scatter [tilespmem:s2], [sflag:$0x2], $0x80, $0x38;
	[tilespmem:$0xA000] =	vst v63  }
0x2d8: {  	s25 =	sor.u32 $0x1400, s24;
	s26 =	sadd.s32 $0x2E0, s14  }
0x2d9: {  	[hbm4b:s26+s3] =	stream.linear.scatter [tilespmem:s25], [sflag:$0x2], $0x80, $0x38;
	[tilespmem:$0xA000] =	vst v63  }
0x2da: {  	s28 =	sor.u32 $0x1800, s24;
	s29 =	sadd.s32 $0x360, s14  }
0x2db: {  	(v2sf) =	vpush v3, $0xF;
	[hbm4b:s29+s3] =	stream.linear.scatter [tilespmem:s28], [sflag:$0x2], $0x80, $0x38;
	[tilespmem:$0xA000] =	vst v63  }
0x2dc: {  	s30 =	sor.u32 $0x1C00, s24;
	s31 =	sadd.s32 $0x3E0, s14  }
0x2dd: {  	[hbm4b:s31+s3] =	stream.linear.scatter [tilespmem:s30], [sflag:$0x2], $0x80, $0x38;
	[tilespmem:$0xA000] =	vst v63  }
0x2de: {  	s23 =	sand.u32 $0x380, s23;
	s1 =	sadd.s32 $0x70, s14  }
0x2df: {  	[hbm4b:s1+s3] =	stream.linear.scatter [tilespmem:s23], [sflag:$0x2], $0x80, $0x38;
	[tilespmem:$0xA000] =	vst v63  }
0x2e0: {  	s2 =	sor.u32 $0x400, s23;
	s4 =	sadd.s32 $0xF0, s14  }
0x2e1: {  	[hbm4b:s4+s3] =	stream.linear.scatter [tilespmem:s2], [sflag:$0x2], $0x80, $0x38;
	[tilespmem:$0xA000] =	vst v63  }
0x2e2: {  	s24 =	sor.u32 $0x800, s23;
	s25 =	sadd.s32 $0x170, s14  }
0x2e3: {  	[hbm4b:s25+s3] =	stream.linear.scatter [tilespmem:s24], [sflag:$0x2], $0x80, $0x38;
	[tilespmem:$0xA000] =	vst v63  }
0x2e4: {  	s26 =	sor.u32 $0xC00, s23;
	s28 =	sadd.s32 $0x1F0, s14  }
0x2e5: {  	[hbm4b:s28+s3] =	stream.linear.scatter [tilespmem:s26], [sflag:$0x2], $0x80, $0x38;
	[tilespmem:$0xA000] =	vst v63  }
0x2e6: {  	s29 =	sor.u32 $0x1000, s23;
	s30 =	sadd.s32 $0x270, s14  }
0x2e7: {  	[hbm4b:s30+s3] =	stream.linear.scatter [tilespmem:s29], [sflag:$0x2], $0x80, $0x38;
	[tilespmem:$0xA000] =	vst v63  }
0x2e8: {  	s31 =	sor.u32 $0x1400, s23;
	s1 =	sadd.s32 $0x2F0, s14  }
0x2e9: {  	[hbm4b:s1+s3] =	stream.linear.scatter [tilespmem:s31], [sflag:$0x2], $0x80, $0x38;
	[tilespmem:$0xA000] =	vst v63  }
0x2ea: {  	s20 =	spop (v2sf);
	s2 =	sor.u32 $0x1800, s23;
	s4 =	sadd.s32 $0x370, s14  }
0x2eb: {  	[hbm4b:s4+s3] =	stream.linear.scatter [tilespmem:s2], [sflag:$0x2], $0x80, $0x38;
	[tilespmem:$0xA000] =	vst v63  }
0x2ec: {  	s22 =	sshll.u32 s20, $0x7;
	s25 =	sor.u32 $0x1C00, s23;
	s26 =	sadd.s32 $0x3F0, s14  }
0x2ed: {  	[hbm4b:s26+s3] =	stream.linear.scatter [tilespmem:s25], [sflag:$0x2], $0x80, $0x38;
	[tilespmem:$0xA000] =	vst v63  }
0x2ee: {  	s22 =	sand.u32 $0x380, s22;
	s28 =	sadd.s32 $0x400, s14  }
0x2ef: {  	[hbm4b:s28+s3] =	stream.linear.scatter [tilespmem:s22], [sflag:$0x2], $0x80, $0x38;
	[tilespmem:$0xA000] =	vst v63  }
0x2f0: {  	s29 =	sor.u32 $0x400, s22;
	s30 =	sadd.s32 $0x480, s14  }
0x2f1: {  	[hbm4b:s30+s3] =	stream.linear.scatter [tilespmem:s29], [sflag:$0x2], $0x80, $0x38;
	[tilespmem:$0xA000] =	vst v63  }
0x2f2: {  	s31 =	sor.u32 $0x800, s22;
	s1 =	sadd.s32 $0x500, s14  }
0x2f3: {  	[hbm4b:s1+s3] =	stream.linear.scatter [tilespmem:s31], [sflag:$0x2], $0x80, $0x38;
	[tilespmem:$0xA000] =	vst v63  }
0x2f4: {  	s2 =	sor.u32 $0xC00, s22;
	s4 =	sadd.s32 $0x580, s14  }
0x2f5: {  	[hbm4b:s4+s3] =	stream.linear.scatter [tilespmem:s2], [sflag:$0x2], $0x80, $0x38;
	[tilespmem:$0xA000] =	vst v63  }
0x2f6: {  	s23 =	sor.u32 $0x1000, s22;
	s24 =	sadd.s32 $0x600, s14  }
0x2f7: {  	[hbm4b:s24+s3] =	stream.linear.scatter [tilespmem:s23], [sflag:$0x2], $0x80, $0x38;
	[tilespmem:$0xA000] =	vst v63  }
0x2f8: {  	s25 =	sor.u32 $0x1400, s22;
	s26 =	sadd.s32 $0x680, s14  }
0x2f9: {  	[hbm4b:s26+s3] =	stream.linear.scatter [tilespmem:s25], [sflag:$0x2], $0x80, $0x38;
	[tilespmem:$0xA000] =	vst v63  }
0x2fa: {  	s28 =	sor.u32 $0x1800, s22;
	s29 =	sadd.s32 $0x700, s14  }
0x2fb: {  	[hbm4b:s29+s3] =	stream.linear.scatter [tilespmem:s28], [sflag:$0x2], $0x80, $0x38;
	[tilespmem:$0xA000] =	vst v63  }
0x2fc: {  	s21 =	sshll.u32 s20, $0x3;
	s30 =	sor.u32 $0x1C00, s22;
	s31 =	sadd.s32 $0x780, s14  }
0x2fd: {  	[hbm4b:s31+s3] =	stream.linear.scatter [tilespmem:s30], [sflag:$0x2], $0x80, $0x38;
	[tilespmem:$0xA000] =	vst v63  }
0x2fe: {  	s21 =	sand.u32 $0x380, s21;
	s1 =	sadd.s32 $0x410, s14  }
0x2ff: {  	[hbm4b:s1+s3] =	stream.linear.scatter [tilespmem:s21], [sflag:$0x2], $0x80, $0x38;
	[tilespmem:$0xA000] =	vst v63  }
0x300: {  	s2 =	sor.u32 $0x400, s21;
	s4 =	sadd.s32 $0x490, s14  }
0x301: {  	[hbm4b:s4+s3] =	stream.linear.scatter [tilespmem:s2], [sflag:$0x2], $0x80, $0x38;
	[tilespmem:$0xA000] =	vst v63  }
0x302: {  	s15 =	sshrl.u32 s20, $0x15;
	s22 =	sor.u32 $0x800, s21;
	s23 =	sadd.s32 $0x510, s14  }
0x303: {  	[hbm4b:s23+s3] =	stream.linear.scatter [tilespmem:s22], [sflag:$0x2], $0x80, $0x38;
	[tilespmem:$0xA000] =	vst v63  }
0x304: {  	s17 =	sshrl.u32 s20, $0xD;
	s24 =	sor.u32 $0xC00, s21;
	s25 =	sadd.s32 $0x590, s14  }
0x305: {  	[hbm4b:s25+s3] =	stream.linear.scatter [tilespmem:s24], [sflag:$0x2], $0x80, $0x38;
	[tilespmem:$0xA000] =	vst v63  }
0x306: {  	s19 =	sshrl.u32 s20, $0x5;
	s26 =	sor.u32 $0x1000, s21;
	s28 =	sadd.s32 $0x610, s14  }
0x307: {  	[hbm4b:s28+s3] =	stream.linear.scatter [tilespmem:s26], [sflag:$0x2], $0x80, $0x38;
	[tilespmem:$0xA000] =	vst v63  }
0x308: {  	s18 =	sshrl.u32 s20, $0x9;
	s29 =	sor.u32 $0x1400, s21;
	s30 =	sadd.s32 $0x690, s14  }
0x309: {  	[hbm4b:s30+s3] =	stream.linear.scatter [tilespmem:s29], [sflag:$0x2], $0x80, $0x38;
	[tilespmem:$0xA000] =	vst v63  }
0x30a: {  	s16 =	sshrl.u32 s20, $0x11;
	s31 =	sor.u32 $0x1800, s21;
	s1 =	sadd.s32 $0x710, s14  }
0x30b: {  	[hbm4b:s1+s3] =	stream.linear.scatter [tilespmem:s31], [sflag:$0x2], $0x80, $0x38;
	[tilespmem:$0xA000] =	vst v63  }
0x30c: {  	s20 =	sshrl.u32 s20, $0x1;
	s2 =	sor.u32 $0x1C00, s21;
	s4 =	sadd.s32 $0x790, s14  }
0x30d: {  	[hbm4b:s4+s3] =	stream.linear.scatter [tilespmem:s2], [sflag:$0x2], $0x80, $0x38;
	[tilespmem:$0xA000] =	vst v63  }
0x30e: {  	s20 =	sand.u32 $0x380, s20;
	s21 =	sadd.s32 $0x420, s14  }
0x30f: {  	[hbm4b:s21+s3] =	stream.linear.scatter [tilespmem:s20], [sflag:$0x2], $0x80, $0x38;
	[tilespmem:$0xA000] =	vst v63  }
0x310: {  	s22 =	sor.u32 $0x400, s20;
	s23 =	sadd.s32 $0x4A0, s14  }
0x311: {  	[hbm4b:s23+s3] =	stream.linear.scatter [tilespmem:s22], [sflag:$0x2], $0x80, $0x38;
	[tilespmem:$0xA000] =	vst v63  }
0x312: {  	s24 =	sor.u32 $0x800, s20;
	s25 =	sadd.s32 $0x520, s14  }
0x313: {  	[hbm4b:s25+s3] =	stream.linear.scatter [tilespmem:s24], [sflag:$0x2], $0x80, $0x38;
	[tilespmem:$0xA000] =	vst v63  }
0x314: {  	s26 =	sor.u32 $0xC00, s20;
	s28 =	sadd.s32 $0x5A0, s14  }
0x315: {  	[hbm4b:s28+s3] =	stream.linear.scatter [tilespmem:s26], [sflag:$0x2], $0x80, $0x38;
	[tilespmem:$0xA000] =	vst v63  }
0x316: {  	s29 =	sor.u32 $0x1000, s20;
	s30 =	sadd.s32 $0x620, s14  }
0x317: {  	[hbm4b:s30+s3] =	stream.linear.scatter [tilespmem:s29], [sflag:$0x2], $0x80, $0x38;
	[tilespmem:$0xA000] =	vst v63  }
0x318: {  	s31 =	sor.u32 $0x1400, s20;
	s1 =	sadd.s32 $0x6A0, s14  }
0x319: {  	[hbm4b:s1+s3] =	stream.linear.scatter [tilespmem:s31], [sflag:$0x2], $0x80, $0x38;
	[tilespmem:$0xA000] =	vst v63  }
0x31a: {  	s2 =	sor.u32 $0x1800, s20;
	s4 =	sadd.s32 $0x720, s14  }
0x31b: {  	[hbm4b:s4+s3] =	stream.linear.scatter [tilespmem:s2], [sflag:$0x2], $0x80, $0x38;
	[tilespmem:$0xA000] =	vst v63  }
0x31c: {  	s21 =	sor.u32 $0x1C00, s20;
	s22 =	sadd.s32 $0x7A0, s14  }
0x31d: {  	[hbm4b:s22+s3] =	stream.linear.scatter [tilespmem:s21], [sflag:$0x2], $0x80, $0x38;
	[tilespmem:$0xA000] =	vst v63  }
0x31e: {  	s19 =	sand.u32 $0x380, s19;
	s23 =	sadd.s32 $0x430, s14  }
0x31f: {  	[hbm4b:s23+s3] =	stream.linear.scatter [tilespmem:s19], [sflag:$0x2], $0x80, $0x38;
	[tilespmem:$0xA000] =	vst v63  }
0x320: {  	s24 =	sor.u32 $0x400, s19;
	s25 =	sadd.s32 $0x4B0, s14  }
0x321: {  	[hbm4b:s25+s3] =	stream.linear.scatter [tilespmem:s24], [sflag:$0x2], $0x80, $0x38;
	[tilespmem:$0xA000] =	vst v63  }
0x322: {  	s26 =	sor.u32 $0x800, s19;
	s28 =	sadd.s32 $0x530, s14  }
0x323: {  	[hbm4b:s28+s3] =	stream.linear.scatter [tilespmem:s26], [sflag:$0x2], $0x80, $0x38;
	[tilespmem:$0xA000] =	vst v63  }
0x324: {  	s29 =	sor.u32 $0xC00, s19;
	s30 =	sadd.s32 $0x5B0, s14  }
0x325: {  	[hbm4b:s30+s3] =	stream.linear.scatter [tilespmem:s29], [sflag:$0x2], $0x80, $0x38;
	[tilespmem:$0xA000] =	vst v63  }
0x326: {  	s31 =	sor.u32 $0x1000, s19;
	s1 =	sadd.s32 $0x630, s14  }
0x327: {  	[hbm4b:s1+s3] =	stream.linear.scatter [tilespmem:s31], [sflag:$0x2], $0x80, $0x38;
	[tilespmem:$0xA000] =	vst v63  }
0x328: {  	s2 =	sor.u32 $0x1400, s19;
	s4 =	sadd.s32 $0x6B0, s14  }
0x329: {  	[hbm4b:s4+s3] =	stream.linear.scatter [tilespmem:s2], [sflag:$0x2], $0x80, $0x38;
	[tilespmem:$0xA000] =	vst v63  }
0x32a: {  	s21 =	sor.u32 $0x1800, s19;
	s22 =	sadd.s32 $0x730, s14  }
0x32b: {  	[hbm4b:s22+s3] =	stream.linear.scatter [tilespmem:s21], [sflag:$0x2], $0x80, $0x38;
	[tilespmem:$0xA000] =	vst v63  }
0x32c: {  	s23 =	sor.u32 $0x1C00, s19;
	s24 =	sadd.s32 $0x7B0, s14  }
0x32d: {  	[hbm4b:s24+s3] =	stream.linear.scatter [tilespmem:s23], [sflag:$0x2], $0x80, $0x38;
	[tilespmem:$0xA000] =	vst v63  }
0x32e: {  	s18 =	sand.u32 $0x380, s18;
	s25 =	sadd.s32 $0x440, s14  }
0x32f: {  	[hbm4b:s25+s3] =	stream.linear.scatter [tilespmem:s18], [sflag:$0x2], $0x80, $0x38;
	[tilespmem:$0xA000] =	vst v63  }
0x330: {  	s26 =	sor.u32 $0x400, s18;
	s28 =	sadd.s32 $0x4C0, s14  }
0x331: {  	[hbm4b:s28+s3] =	stream.linear.scatter [tilespmem:s26], [sflag:$0x2], $0x80, $0x38;
	[tilespmem:$0xA000] =	vst v63  }
0x332: {  	s29 =	sor.u32 $0x800, s18;
	s30 =	sadd.s32 $0x540, s14  }
0x333: {  	[hbm4b:s30+s3] =	stream.linear.scatter [tilespmem:s29], [sflag:$0x2], $0x80, $0x38;
	[tilespmem:$0xA000] =	vst v63  }
0x334: {  	s31 =	sor.u32 $0xC00, s18;
	s1 =	sadd.s32 $0x5C0, s14  }
0x335: {  	[hbm4b:s1+s3] =	stream.linear.scatter [tilespmem:s31], [sflag:$0x2], $0x80, $0x38;
	[tilespmem:$0xA000] =	vst v63  }
0x336: {  	s2 =	sor.u32 $0x1000, s18;
	s4 =	sadd.s32 $0x640, s14  }
0x337: {  	[hbm4b:s4+s3] =	stream.linear.scatter [tilespmem:s2], [sflag:$0x2], $0x80, $0x38;
	[tilespmem:$0xA000] =	vst v63  }
0x338: {  	s20 =	sadd.s32 $0x6C0, s14;
	s19 =	sor.u32 $0x1400, s18  }
0x339: {  	[hbm4b:s20+s3] =	stream.linear.scatter [tilespmem:s19], [sflag:$0x2], $0x80, $0x38;
	[tilespmem:$0xA000] =	vst v63  }
0x33a: {  	s21 =	sor.u32 $0x1800, s18;
	s22 =	sadd.s32 $0x740, s14  }
0x33b: {  	[hbm4b:s22+s3] =	stream.linear.scatter [tilespmem:s21], [sflag:$0x2], $0x80, $0x38;
	[tilespmem:$0xA000] =	vst v63  }
0x33c: {  	s23 =	sor.u32 $0x1C00, s18;
	s24 =	sadd.s32 $0x7C0, s14  }
0x33d: {  	[hbm4b:s24+s3] =	stream.linear.scatter [tilespmem:s23], [sflag:$0x2], $0x80, $0x38;
	[tilespmem:$0xA000] =	vst v63  }
0x33e: {  	s17 =	sand.u32 $0x380, s17;
	s25 =	sadd.s32 $0x450, s14  }
0x33f: {  	[hbm4b:s25+s3] =	stream.linear.scatter [tilespmem:s17], [sflag:$0x2], $0x80, $0x38;
	[tilespmem:$0xA000] =	vst v63  }
0x340: {  	s26 =	sor.u32 $0x400, s17;
	s28 =	sadd.s32 $0x4D0, s14  }
0x341: {  	[hbm4b:s28+s3] =	stream.linear.scatter [tilespmem:s26], [sflag:$0x2], $0x80, $0x38;
	[tilespmem:$0xA000] =	vst v63  }
0x342: {  	s29 =	sor.u32 $0x800, s17;
	s30 =	sadd.s32 $0x550, s14  }
0x343: {  	[hbm4b:s30+s3] =	stream.linear.scatter [tilespmem:s29], [sflag:$0x2], $0x80, $0x38;
	[tilespmem:$0xA000] =	vst v63  }
0x344: {  	s31 =	sor.u32 $0xC00, s17;
	s1 =	sadd.s32 $0x5D0, s14  }
0x345: {  	[hbm4b:s1+s3] =	stream.linear.scatter [tilespmem:s31], [sflag:$0x2], $0x80, $0x38;
	[tilespmem:$0xA000] =	vst v63  }
0x346: {  	s2 =	sor.u32 $0x1000, s17;
	s4 =	sadd.s32 $0x650, s14  }
0x347: {  	[hbm4b:s4+s3] =	stream.linear.scatter [tilespmem:s2], [sflag:$0x2], $0x80, $0x38;
	[tilespmem:$0xA000] =	vst v63  }
0x348: {  	s19 =	sor.u32 $0x1400, s17;
	s20 =	sadd.s32 $0x6D0, s14  }
0x349: {  	[hbm4b:s20+s3] =	stream.linear.scatter [tilespmem:s19], [sflag:$0x2], $0x80, $0x38;
	[tilespmem:$0xA000] =	vst v63  }
0x34a: {  	s21 =	sor.u32 $0x1800, s17;
	s22 =	sadd.s32 $0x750, s14  }
0x34b: {  	[hbm4b:s22+s3] =	stream.linear.scatter [tilespmem:s21], [sflag:$0x2], $0x80, $0x38;
	[tilespmem:$0xA000] =	vst v63  }
0x34c: {  	s23 =	sor.u32 $0x1C00, s17;
	s24 =	sadd.s32 $0x7D0, s14  }
0x34d: {  	[hbm4b:s24+s3] =	stream.linear.scatter [tilespmem:s23], [sflag:$0x2], $0x80, $0x38;
	[tilespmem:$0xA000] =	vst v63  }
0x34e: {  	s16 =	sand.u32 $0x380, s16;
	s25 =	sadd.s32 $0x460, s14  }
0x34f: {  	[hbm4b:s25+s3] =	stream.linear.scatter [tilespmem:s16], [sflag:$0x2], $0x80, $0x38;
	[tilespmem:$0xA000] =	vst v63  }
0x350: {  	s26 =	sor.u32 $0x400, s16;
	s28 =	sadd.s32 $0x4E0, s14  }
0x351: {  	[hbm4b:s28+s3] =	stream.linear.scatter [tilespmem:s26], [sflag:$0x2], $0x80, $0x38;
	[tilespmem:$0xA000] =	vst v63  }
0x352: {  	s29 =	sor.u32 $0x800, s16;
	s30 =	sadd.s32 $0x560, s14  }
0x353: {  	[hbm4b:s30+s3] =	stream.linear.scatter [tilespmem:s29], [sflag:$0x2], $0x80, $0x38;
	[tilespmem:$0xA000] =	vst v63  }
0x354: {  	s31 =	sor.u32 $0xC00, s16;
	s1 =	sadd.s32 $0x5E0, s14  }
0x355: {  	[hbm4b:s1+s3] =	stream.linear.scatter [tilespmem:s31], [sflag:$0x2], $0x80, $0x38;
	[tilespmem:$0xA000] =	vst v63  }
0x356: {  	s2 =	sor.u32 $0x1000, s16;
	s4 =	sadd.s32 $0x660, s14  }
0x357: {  	[hbm4b:s4+s3] =	stream.linear.scatter [tilespmem:s2], [sflag:$0x2], $0x80, $0x38;
	[tilespmem:$0xA000] =	vst v63  }
0x358: {  	s18 =	sadd.s32 $0x6E0, s14;
	s17 =	sor.u32 $0x1400, s16  }
0x359: {  	[hbm4b:s18+s3] =	stream.linear.scatter [tilespmem:s17], [sflag:$0x2], $0x80, $0x38;
	[tilespmem:$0xA000] =	vst v63  }
0x35a: {  	s19 =	sor.u32 $0x1800, s16;
	s20 =	sadd.s32 $0x760, s14  }
0x35b: {  	[hbm4b:s20+s3] =	stream.linear.scatter [tilespmem:s19], [sflag:$0x2], $0x80, $0x38;
	[tilespmem:$0xA000] =	vst v63  }
0x35c: {  	s21 =	sor.u32 $0x1C00, s16;
	s22 =	sadd.s32 $0x7E0, s14  }
0x35d: {  	[hbm4b:s22+s3] =	stream.linear.scatter [tilespmem:s21], [sflag:$0x2], $0x80, $0x38;
	[tilespmem:$0xA000] =	vst v63  }
0x35e: {  	s15 =	sand.u32 $0x380, s15;
	s23 =	sadd.s32 $0x470, s14  }
0x35f: {  	[hbm4b:s23+s3] =	stream.linear.scatter [tilespmem:s15], [sflag:$0x2], $0x80, $0x38;
	[tilespmem:$0xA000] =	vst v63  }
0x360: {  	s24 =	sor.u32 $0x400, s15;
	s25 =	sadd.s32 $0x4F0, s14  }
0x361: {  	[hbm4b:s25+s3] =	stream.linear.scatter [tilespmem:s24], [sflag:$0x2], $0x80, $0x38;
	[tilespmem:$0xA000] =	vst v63  }
0x362: {  	s26 =	sor.u32 $0x800, s15;
	s28 =	sadd.s32 $0x570, s14  }
0x363: {  	[hbm4b:s28+s3] =	stream.linear.scatter [tilespmem:s26], [sflag:$0x2], $0x80, $0x38;
	[tilespmem:$0xA000] =	vst v63  }
0x364: {  	s29 =	sor.u32 $0xC00, s15;
	s30 =	sadd.s32 $0x5F0, s14  }
0x365: {  	[hbm4b:s30+s3] =	stream.linear.scatter [tilespmem:s29], [sflag:$0x2], $0x80, $0x38;
	[tilespmem:$0xA000] =	vst v63  }
0x366: {  	s31 =	sor.u32 $0x1000, s15;
	s1 =	sadd.s32 $0x670, s14  }
0x367: {  	v3 =	vmov s11;
	[hbm4b:s1+s3] =	stream.linear.scatter [tilespmem:s31], [sflag:$0x2], $0x80, $0x38;
	[tilespmem:$0xA000] =	vst v63  }
0x368: {  	v3 =	vshll.u32 v3, $0x7;
	s2 =	sor.u32 $0x1400, s15;
	s4 =	sadd.s32 $0x6F0, s14  }
0x369: {  	v3 =	vor.u32 v0, v3;
	[hbm4b:s4+s3] =	stream.linear.scatter [tilespmem:s2], [sflag:$0x2], $0x80, $0x38;
	[tilespmem:$0xA000] =	vst v63  }
0x36a: {  	v4 =	vor.u32 $0x1, v3;
	s16 =	sor.u32 $0x1800, s15;
	s17 =	sadd.s32 $0x770, s14  }
0x36b: {  	[hbm4b:s17+s3] =	stream.linear.scatter [tilespmem:s16], [sflag:$0x2], $0x80, $0x38;
	[tilespmem:$0xA000] =	vst v63  }
0x36c: {  	v5 =	vor.u32 $0x2, v3;
	s18 =	sor.u32 $0x1C00, s15;
	s19 =	sadd.s32 $0x7F0, s14  }
0x36d: {  	[hbm4b:s19+s3] =	stream.linear.scatter [tilespmem:s18], [sflag:$0x2], $0x80, $0x38;
	[tilespmem:$0xA000] =	vst v63  }
0x36e: {  	v7 =	vor.u32 $0x3, v3;
	v6 =	vld.idx.msk [tilespmem:v3+s6+$0x0], $0xffff  }
0x36f: {  	v4 =	vld.idx.msk [tilespmem:v4+s6+$0x0], $0xffff  }
0x370: {  	v8 =	vor.u32 $0x4, v3  }
0x371: {  	v5 =	vld.idx.msk [tilespmem:v5+s6+$0x0], $0xffff  }
0x372: {  	v9 =	vor.u32 $0x5, v3  }
0x373: {  	v7 =	vld.idx.msk [tilespmem:v7+s6+$0x0], $0xffff  }
0x374: {  	v10 =	vor.u32 $0x6, v3;
	vm1 =	vgt.f32 v4, v6  }
0x375: {  	v8 =	vld.idx.msk [tilespmem:v8+s6+$0x0], $0xffff;
	v4 =	vsel vm1, v4, v6  }
0x376: {  	v3 =	vor.u32 $0x7, v3;
	vm2 =	vgt.f32 v5, v4  }
0x377: {  	v6 =	vld.idx.msk [tilespmem:v9+s6+$0x0], $0xffff;
	v4 =	vsel vm2, v5, v4  }
0x378: {  	vm3 =	vgt.f32 v7, v4  }
0x379: {  	v5 =	vld.idx.msk [tilespmem:v10+s6+$0x0], $0xffff;
	v4 =	vsel vm3, v7, v4  }
0x37a: {  	v7 =	vsel vm1, $0x1, v1;
	vm1 =	vgt.f32 v8, v4  }
0x37b: {  	v3 =	vld.idx.msk [tilespmem:v3+s6+$0x0], $0xffff;
	v4 =	vsel vm1, v8, v4  }
0x37c: {  	v7 =	vsel vm2, $0x2, v7;
	vm2 =	vgt.f32 v6, v4  }
0x37d: {  	v7 =	vsel vm3, $0x3, v7;
	v4 =	vsel vm2, v6, v4  }
0x37e: {  	v7 =	vsel vm1, $0x4, v7;
	vm1 =	vgt.f32 v5, v4  }
0x37f: {  	v6 =	vsel vm2, $0x5, v7;
	v4 =	vsel vm1, v5, v4  }
0x380: {  	v5 =	vsel vm1, $0x6, v6;
	vm1 =	vgt.f32 v3, v4  }
0x381: {  	v3 =	vsel vm1, $0x7, v5  }
0x382: {  	v3 =	vshll.u32 v3, v2  }
0x383: {  	v4 =	vnsel vm0, $0x0, v3  }
0x384: {  	(xrf0) =	vadd.scan.msk.s32 $0xffff, v4;
	_ =	sdelay $0x2  }
0x385: {  	v3 =	vsel vm0, $0x0, v3;
	_ =	sdelay $0x2  }
0x386: {  	(xrf0) =	vadd.scan.msk.s32 $0xffff, v3;
	v3, _, _ =	vpop (xrf0)  }
0x387: {  	(v2sf) =	vpush v3, $0xF;
	_ =	sdelay $0xa  }
0x388: {  	v3, _, _ =	vpop (xrf0)  }
0x389: {  	(v2sf) =	vpush v3, $0xF;
	_ =	sdelay $0x2  }
0x38a: {  	s23 =	spop (v2sf)  }
0x38b: {  	s1 =	sshll.u32 s23, $0x7  }
0x38c: {  	s20 =	sadd.s32 $0x800, s14;
	s1 =	sand.u32 $0x380, s1  }
0x38d: {  	[hbm4b:s20+s3] =	stream.linear.scatter [tilespmem:s1], [sflag:$0x2], $0x80, $0x38;
	[tilespmem:$0xA000] =	vst v63  }
0x38e: {  	s0 =	sadd.s32 $0xB00, s14;
	s22 =	sadd.s32 $0x880, s14;
	s4 =	sor.u32 $0x400, s1  }
0x38f: {  	[hbm4b:s22+s3] =	stream.linear.scatter [tilespmem:s4], [sflag:$0x2], $0x80, $0x38;
	[tilespmem:$0xA000] =	vst v63  }
0x390: {  	s15 =	sadd.s32 $0x900, s14;
	s30 =	sadd.s32 $0x810, s14;
	s21 =	sor.u32 $0x800, s1  }
0x391: {  	[hbm4b:s15+s3] =	stream.linear.scatter [tilespmem:s21], [sflag:$0x2], $0x80, $0x38;
	[tilespmem:$0xA000] =	vst v63  }
0x392: {  	s31 =	sadd.s32 $0xB80, s14;
	s16 =	sadd.s32 $0x980, s14;
	s22 =	sor.u32 $0xC00, s1  }
0x393: {  	[hbm4b:s16+s3] =	stream.linear.scatter [tilespmem:s22], [sflag:$0x2], $0x80, $0x38;
	[tilespmem:$0xA000] =	vst v63  }
0x394: {  	s17 =	sadd.s32 $0xA80, s14;
	s19 =	sor.u32 $0x1000, s1;
	s20 =	sadd.s32 $0xA00, s14  }
0x395: {  	[hbm4b:s20+s3] =	stream.linear.scatter [tilespmem:s19], [sflag:$0x2], $0x80, $0x38;
	[tilespmem:$0xA000] =	vst v63  }
0x396: {  	s2 =	sshll.u32 s23, $0x3;
	s18 =	sor.u32 $0x1400, s1;
	s4 =	spop (v2sf)  }
0x397: {  	[hbm4b:s17+s3] =	stream.linear.scatter [tilespmem:s18], [sflag:$0x2], $0x80, $0x38;
	[tilespmem:$0xA000] =	vst v63  }
0x398: {  	s21 =	sshll.u32 s4, $0x3;
	s15 =	sor.u32 $0x1800, s1;
	s1 =	sor.u32 $0x1C00, s1  }
0x399: {  	[hbm4b:s0+s3] =	stream.linear.scatter [tilespmem:s15], [sflag:$0x2], $0x80, $0x38;
	[tilespmem:$0xA000] =	vst v63  }
0x39a: {  	s22 =	sshll.u32 s4, $0x7;
	s16 =	sshrl.u32 s4, $0x11;
	s20 =	sshrl.u32 s4, $0x1  }
0x39b: {  	[hbm4b:s31+s3] =	stream.linear.scatter [tilespmem:s1], [sflag:$0x2], $0x80, $0x38;
	[tilespmem:$0xA000] =	vst v63  }
0x39c: {  	s19 =	sshrl.u32 s4, $0x5;
	s18 =	sshrl.u32 s4, $0x9;
	s0 =	sand.u32 $0x380, s2  }
0x39d: {  	[hbm4b:s30+s3] =	stream.linear.scatter [tilespmem:s0], [sflag:$0x2], $0x80, $0x38;
	[tilespmem:$0xA000] =	vst v63  }
0x39e: {  	s17 =	sshrl.u32 s4, $0xD;
	s2 =	sadd.s32 $0x890, s14;
	s1 =	sor.u32 $0x400, s0  }
0x39f: {  	[hbm4b:s2+s3] =	stream.linear.scatter [tilespmem:s1], [sflag:$0x2], $0x80, $0x38;
	[tilespmem:$0xA000] =	vst v63  }
0x3a0: {  	s15 =	sshrl.u32 s4, $0x15;
	s4 =	sor.u32 $0x800, s0;
	s31 =	sadd.s32 $0x910, s14  }
0x3a1: {  	[hbm4b:s31+s3] =	stream.linear.scatter [tilespmem:s4], [sflag:$0x2], $0x80, $0x38;
	[tilespmem:$0xA000] =	vst v63  }
0x3a2: {  	s1 =	sor.u32 $0xC00, s0;
	s2 =	sadd.s32 $0x990, s14  }
0x3a3: {  	[hbm4b:s2+s3] =	stream.linear.scatter [tilespmem:s1], [sflag:$0x2], $0x80, $0x38;
	[tilespmem:$0xA000] =	vst v63  }
0x3a4: {  	s4 =	sor.u32 $0x1000, s0;
	s31 =	sadd.s32 $0xA10, s14  }
0x3a5: {  	[hbm4b:s31+s3] =	stream.linear.scatter [tilespmem:s4], [sflag:$0x2], $0x80, $0x38;
	[tilespmem:$0xA000] =	vst v63  }
0x3a6: {  	s1 =	sor.u32 $0x1400, s0;
	s2 =	sadd.s32 $0xA90, s14  }
0x3a7: {  	[hbm4b:s2+s3] =	stream.linear.scatter [tilespmem:s1], [sflag:$0x2], $0x80, $0x38;
	[tilespmem:$0xA000] =	vst v63  }
0x3a8: {  	s4 =	sor.u32 $0x1800, s0;
	s31 =	sadd.s32 $0xB10, s14  }
0x3a9: {  	[hbm4b:s31+s3] =	stream.linear.scatter [tilespmem:s4], [sflag:$0x2], $0x80, $0x38;
	[tilespmem:$0xA000] =	vst v63  }
0x3aa: {  	s29 =	sshrl.u32 s23, $0x1;
	s0 =	sor.u32 $0x1C00, s0;
	s2 =	sadd.s32 $0xB90, s14  }
0x3ab: {  	[hbm4b:s2+s3] =	stream.linear.scatter [tilespmem:s0], [sflag:$0x2], $0x80, $0x38;
	[tilespmem:$0xA000] =	vst v63  }
0x3ac: {  	s31 =	sadd.s32 $0x820, s14;
	s4 =	sand.u32 $0x380, s29  }
0x3ad: {  	[hbm4b:s31+s3] =	stream.linear.scatter [tilespmem:s4], [sflag:$0x2], $0x80, $0x38;
	[tilespmem:$0xA000] =	vst v63  }
0x3ae: {  	s30 =	sadd.s32 $0x8A0, s14;
	s1 =	sor.u32 $0x400, s4  }
0x3af: {  	[hbm4b:s30+s3] =	stream.linear.scatter [tilespmem:s1], [sflag:$0x2], $0x80, $0x38;
	[tilespmem:$0xA000] =	vst v63  }
0x3b0: {  	s2 =	sor.u32 $0x800, s4;
	s31 =	sadd.s32 $0x920, s14  }
0x3b1: {  	[hbm4b:s31+s3] =	stream.linear.scatter [tilespmem:s2], [sflag:$0x2], $0x80, $0x38;
	[tilespmem:$0xA000] =	vst v63  }
0x3b2: {  	s1 =	sor.u32 $0xC00, s4;
	s30 =	sadd.s32 $0x9A0, s14  }
0x3b3: {  	[hbm4b:s30+s3] =	stream.linear.scatter [tilespmem:s1], [sflag:$0x2], $0x80, $0x38;
	[tilespmem:$0xA000] =	vst v63  }
0x3b4: {  	s2 =	sor.u32 $0x1000, s4;
	s31 =	sadd.s32 $0xA20, s14  }
0x3b5: {  	[hbm4b:s31+s3] =	stream.linear.scatter [tilespmem:s2], [sflag:$0x2], $0x80, $0x38;
	[tilespmem:$0xA000] =	vst v63  }
0x3b6: {  	s1 =	sor.u32 $0x1400, s4;
	s30 =	sadd.s32 $0xAA0, s14  }
0x3b7: {  	[hbm4b:s30+s3] =	stream.linear.scatter [tilespmem:s1], [sflag:$0x2], $0x80, $0x38;
	[tilespmem:$0xA000] =	vst v63  }
0x3b8: {  	s2 =	sor.u32 $0x1800, s4;
	s31 =	sadd.s32 $0xB20, s14  }
0x3b9: {  	[hbm4b:s31+s3] =	stream.linear.scatter [tilespmem:s2], [sflag:$0x2], $0x80, $0x38;
	[tilespmem:$0xA000] =	vst v63  }
0x3ba: {  	s28 =	sshrl.u32 s23, $0x5;
	s1 =	sor.u32 $0x1C00, s4;
	s30 =	sadd.s32 $0xBA0, s14  }
0x3bb: {  	[hbm4b:s30+s3] =	stream.linear.scatter [tilespmem:s1], [sflag:$0x2], $0x80, $0x38;
	[tilespmem:$0xA000] =	vst v63  }
0x3bc: {  	s4 =	sand.u32 $0x380, s28;
	s31 =	sadd.s32 $0x830, s14  }
0x3bd: {  	[hbm4b:s31+s3] =	stream.linear.scatter [tilespmem:s4], [sflag:$0x2], $0x80, $0x38;
	[tilespmem:$0xA000] =	vst v63  }
0x3be: {  	s29 =	sor.u32 $0x400, s4;
	s30 =	sadd.s32 $0x8B0, s14  }
0x3bf: {  	[hbm4b:s30+s3] =	stream.linear.scatter [tilespmem:s29], [sflag:$0x2], $0x80, $0x38;
	[tilespmem:$0xA000] =	vst v63  }
0x3c0: {  	s2 =	sor.u32 $0x800, s4;
	s31 =	sadd.s32 $0x930, s14  }
0x3c1: {  	[hbm4b:s31+s3] =	stream.linear.scatter [tilespmem:s2], [sflag:$0x2], $0x80, $0x38;
	[tilespmem:$0xA000] =	vst v63  }
0x3c2: {  	s29 =	sor.u32 $0xC00, s4;
	s30 =	sadd.s32 $0x9B0, s14  }
0x3c3: {  	[hbm4b:s30+s3] =	stream.linear.scatter [tilespmem:s29], [sflag:$0x2], $0x80, $0x38;
	[tilespmem:$0xA000] =	vst v63  }
0x3c4: {  	s2 =	sor.u32 $0x1000, s4;
	s31 =	sadd.s32 $0xA30, s14  }
0x3c5: {  	[hbm4b:s31+s3] =	stream.linear.scatter [tilespmem:s2], [sflag:$0x2], $0x80, $0x38;
	[tilespmem:$0xA000] =	vst v63  }
0x3c6: {  	s29 =	sor.u32 $0x1400, s4;
	s30 =	sadd.s32 $0xAB0, s14  }
0x3c7: {  	[hbm4b:s30+s3] =	stream.linear.scatter [tilespmem:s29], [sflag:$0x2], $0x80, $0x38;
	[tilespmem:$0xA000] =	vst v63  }
0x3c8: {  	s2 =	sor.u32 $0x1800, s4;
	s31 =	sadd.s32 $0xB30, s14  }
0x3c9: {  	[hbm4b:s31+s3] =	stream.linear.scatter [tilespmem:s2], [sflag:$0x2], $0x80, $0x38;
	[tilespmem:$0xA000] =	vst v63  }
0x3ca: {  	s26 =	sshrl.u32 s23, $0x9;
	s29 =	sor.u32 $0x1C00, s4;
	s30 =	sadd.s32 $0xBB0, s14  }
0x3cb: {  	[hbm4b:s30+s3] =	stream.linear.scatter [tilespmem:s29], [sflag:$0x2], $0x80, $0x38;
	[tilespmem:$0xA000] =	vst v63  }
0x3cc: {  	s4 =	sand.u32 $0x380, s26;
	s31 =	sadd.s32 $0x840, s14  }
0x3cd: {  	[hbm4b:s31+s3] =	stream.linear.scatter [tilespmem:s4], [sflag:$0x2], $0x80, $0x38;
	[tilespmem:$0xA000] =	vst v63  }
0x3ce: {  	s26 =	sadd.s32 $0x8C0, s14;
	s1 =	sor.u32 $0x400, s4  }
0x3cf: {  	[hbm4b:s26+s3] =	stream.linear.scatter [tilespmem:s1], [sflag:$0x2], $0x80, $0x38;
	[tilespmem:$0xA000] =	vst v63  }
0x3d0: {  	s28 =	sor.u32 $0x800, s4;
	s29 =	sadd.s32 $0x940, s14  }
0x3d1: {  	[hbm4b:s29+s3] =	stream.linear.scatter [tilespmem:s28], [sflag:$0x2], $0x80, $0x38;
	[tilespmem:$0xA000] =	vst v63  }
0x3d2: {  	s30 =	sor.u32 $0xC00, s4;
	s31 =	sadd.s32 $0x9C0, s14  }
0x3d3: {  	[hbm4b:s31+s3] =	stream.linear.scatter [tilespmem:s30], [sflag:$0x2], $0x80, $0x38;
	[tilespmem:$0xA000] =	vst v63  }
0x3d4: {  	s28 =	sor.u32 $0x1000, s4;
	s29 =	sadd.s32 $0xA40, s14  }
0x3d5: {  	[hbm4b:s29+s3] =	stream.linear.scatter [tilespmem:s28], [sflag:$0x2], $0x80, $0x38;
	[tilespmem:$0xA000] =	vst v63  }
0x3d6: {  	s30 =	sor.u32 $0x1400, s4;
	s31 =	sadd.s32 $0xAC0, s14  }
0x3d7: {  	[hbm4b:s31+s3] =	stream.linear.scatter [tilespmem:s30], [sflag:$0x2], $0x80, $0x38;
	[tilespmem:$0xA000] =	vst v63  }
0x3d8: {  	s28 =	sor.u32 $0x1800, s4;
	s29 =	sadd.s32 $0xB40, s14  }
0x3d9: {  	[hbm4b:s29+s3] =	stream.linear.scatter [tilespmem:s28], [sflag:$0x2], $0x80, $0x38;
	[tilespmem:$0xA000] =	vst v63  }
0x3da: {  	s25 =	sshrl.u32 s23, $0xD;
	s30 =	sor.u32 $0x1C00, s4;
	s31 =	sadd.s32 $0xBC0, s14  }
0x3db: {  	[hbm4b:s31+s3] =	stream.linear.scatter [tilespmem:s30], [sflag:$0x2], $0x80, $0x38;
	[tilespmem:$0xA000] =	vst v63  }
0x3dc: {  	s26 =	sadd.s32 $0x850, s14;
	s4 =	sand.u32 $0x380, s25  }
0x3dd: {  	[hbm4b:s26+s3] =	stream.linear.scatter [tilespmem:s4], [sflag:$0x2], $0x80, $0x38;
	[tilespmem:$0xA000] =	vst v63  }
0x3de: {  	s28 =	sor.u32 $0x400, s4;
	s29 =	sadd.s32 $0x8D0, s14  }
0x3df: {  	[hbm4b:s29+s3] =	stream.linear.scatter [tilespmem:s28], [sflag:$0x2], $0x80, $0x38;
	[tilespmem:$0xA000] =	vst v63  }
0x3e0: {  	s30 =	sor.u32 $0x800, s4;
	s31 =	sadd.s32 $0x950, s14  }
0x3e1: {  	[hbm4b:s31+s3] =	stream.linear.scatter [tilespmem:s30], [sflag:$0x2], $0x80, $0x38;
	[tilespmem:$0xA000] =	vst v63  }
0x3e2: {  	s1 =	sor.u32 $0xC00, s4;
	s26 =	sadd.s32 $0x9D0, s14  }
0x3e3: {  	[hbm4b:s26+s3] =	stream.linear.scatter [tilespmem:s1], [sflag:$0x2], $0x80, $0x38;
	[tilespmem:$0xA000] =	vst v63  }
0x3e4: {  	s28 =	sor.u32 $0x1000, s4;
	s29 =	sadd.s32 $0xA50, s14  }
0x3e5: {  	[hbm4b:s29+s3] =	stream.linear.scatter [tilespmem:s28], [sflag:$0x2], $0x80, $0x38;
	[tilespmem:$0xA000] =	vst v63  }
0x3e6: {  	s30 =	sor.u32 $0x1400, s4;
	s31 =	sadd.s32 $0xAD0, s14  }
0x3e7: {  	[hbm4b:s31+s3] =	stream.linear.scatter [tilespmem:s30], [sflag:$0x2], $0x80, $0x38;
	[tilespmem:$0xA000] =	vst v63  }
0x3e8: {  	s26 =	sor.u32 $0x1800, s4;
	s28 =	sadd.s32 $0xB50, s14  }
0x3e9: {  	[hbm4b:s28+s3] =	stream.linear.scatter [tilespmem:s26], [sflag:$0x2], $0x80, $0x38;
	[tilespmem:$0xA000] =	vst v63  }
0x3ea: {  	s24 =	sshrl.u32 s23, $0x11;
	s29 =	sor.u32 $0x1C00, s4;
	s30 =	sadd.s32 $0xBD0, s14  }
0x3eb: {  	[hbm4b:s30+s3] =	stream.linear.scatter [tilespmem:s29], [sflag:$0x2], $0x80, $0x38;
	[tilespmem:$0xA000] =	vst v63  }
0x3ec: {  	s4 =	sand.u32 $0x380, s24;
	s31 =	sadd.s32 $0x860, s14  }
0x3ed: {  	[hbm4b:s31+s3] =	stream.linear.scatter [tilespmem:s4], [sflag:$0x2], $0x80, $0x38;
	[tilespmem:$0xA000] =	vst v63  }
0x3ee: {  	s24 =	sadd.s32 $0x8E0, s14;
	s1 =	sor.u32 $0x400, s4  }
0x3ef: {  	[hbm4b:s24+s3] =	stream.linear.scatter [tilespmem:s1], [sflag:$0x2], $0x80, $0x38;
	[tilespmem:$0xA000] =	vst v63  }
0x3f0: {  	s25 =	sor.u32 $0x800, s4;
	s26 =	sadd.s32 $0x960, s14  }
0x3f1: {  	[hbm4b:s26+s3] =	stream.linear.scatter [tilespmem:s25], [sflag:$0x2], $0x80, $0x38;
	[tilespmem:$0xA000] =	vst v63  }
0x3f2: {  	s28 =	sor.u32 $0xC00, s4;
	s29 =	sadd.s32 $0x9E0, s14  }
0x3f3: {  	[hbm4b:s29+s3] =	stream.linear.scatter [tilespmem:s28], [sflag:$0x2], $0x80, $0x38;
	[tilespmem:$0xA000] =	vst v63  }
0x3f4: {  	s30 =	sor.u32 $0x1000, s4;
	s31 =	sadd.s32 $0xA60, s14  }
0x3f5: {  	[hbm4b:s31+s3] =	stream.linear.scatter [tilespmem:s30], [sflag:$0x2], $0x80, $0x38;
	[tilespmem:$0xA000] =	vst v63  }
0x3f6: {  	s25 =	sor.u32 $0x1400, s4;
	s26 =	sadd.s32 $0xAE0, s14  }
0x3f7: {  	[hbm4b:s26+s3] =	stream.linear.scatter [tilespmem:s25], [sflag:$0x2], $0x80, $0x38;
	[tilespmem:$0xA000] =	vst v63  }
0x3f8: {  	s28 =	sor.u32 $0x1800, s4;
	s29 =	sadd.s32 $0xB60, s14  }
0x3f9: {  	[hbm4b:s29+s3] =	stream.linear.scatter [tilespmem:s28], [sflag:$0x2], $0x80, $0x38;
	[tilespmem:$0xA000] =	vst v63  }
0x3fa: {  	s23 =	sshrl.u32 s23, $0x15;
	s30 =	sor.u32 $0x1C00, s4;
	s31 =	sadd.s32 $0xBE0, s14  }
0x3fb: {  	[hbm4b:s31+s3] =	stream.linear.scatter [tilespmem:s30], [sflag:$0x2], $0x80, $0x38;
	[tilespmem:$0xA000] =	vst v63  }
0x3fc: {  	s24 =	sadd.s32 $0x870, s14;
	s4 =	sand.u32 $0x380, s23  }
0x3fd: {  	[hbm4b:s24+s3] =	stream.linear.scatter [tilespmem:s4], [sflag:$0x2], $0x80, $0x38;
	[tilespmem:$0xA000] =	vst v63  }
0x3fe: {  	s25 =	sor.u32 $0x400, s4;
	s26 =	sadd.s32 $0x8F0, s14  }
0x3ff: {  	[hbm4b:s26+s3] =	stream.linear.scatter [tilespmem:s25], [sflag:$0x2], $0x80, $0x38;
	[tilespmem:$0xA000] =	vst v63  }
0x400: {  	s28 =	sor.u32 $0x800, s4;
	s29 =	sadd.s32 $0x970, s14  }
0x401: {  	[hbm4b:s29+s3] =	stream.linear.scatter [tilespmem:s28], [sflag:$0x2], $0x80, $0x38;
	[tilespmem:$0xA000] =	vst v63  }
0x402: {  	s30 =	sor.u32 $0xC00, s4;
	s31 =	sadd.s32 $0x9F0, s14  }
0x403: {  	[hbm4b:s31+s3] =	stream.linear.scatter [tilespmem:s30], [sflag:$0x2], $0x80, $0x38;
	[tilespmem:$0xA000] =	vst v63  }
0x404: {  	s23 =	sor.u32 $0x1000, s4;
	s24 =	sadd.s32 $0xA70, s14  }
0x405: {  	[hbm4b:s24+s3] =	stream.linear.scatter [tilespmem:s23], [sflag:$0x2], $0x80, $0x38;
	[tilespmem:$0xA000] =	vst v63  }
0x406: {  	s25 =	sor.u32 $0x1400, s4;
	s26 =	sadd.s32 $0xAF0, s14  }
0x407: {  	[hbm4b:s26+s3] =	stream.linear.scatter [tilespmem:s25], [sflag:$0x2], $0x80, $0x38;
	[tilespmem:$0xA000] =	vst v63  }
0x408: {  	s28 =	sor.u32 $0x1800, s4;
	s29 =	sadd.s32 $0xB70, s14  }
0x409: {  	[hbm4b:s29+s3] =	stream.linear.scatter [tilespmem:s28], [sflag:$0x2], $0x80, $0x38;
	[tilespmem:$0xA000] =	vst v63  }
0x40a: {  	s30 =	sor.u32 $0x1C00, s4;
	s31 =	sadd.s32 $0xBF0, s14  }
0x40b: {  	[hbm4b:s31+s3] =	stream.linear.scatter [tilespmem:s30], [sflag:$0x2], $0x80, $0x38;
	[tilespmem:$0xA000] =	vst v63  }
0x40c: {  	s4 =	sand.u32 $0x380, s22;
	s24 =	sadd.s32 $0xC00, s14  }
0x40d: {  	[hbm4b:s24+s3] =	stream.linear.scatter [tilespmem:s4], [sflag:$0x2], $0x80, $0x38;
	[tilespmem:$0xA000] =	vst v63  }
0x40e: {  	s25 =	sor.u32 $0x400, s4;
	s26 =	sadd.s32 $0xC80, s14  }
0x40f: {  	[hbm4b:s26+s3] =	stream.linear.scatter [tilespmem:s25], [sflag:$0x2], $0x80, $0x38;
	[tilespmem:$0xA000] =	vst v63  }
0x410: {  	s28 =	sor.u32 $0x800, s4;
	s29 =	sadd.s32 $0xD00, s14  }
0x411: {  	[hbm4b:s29+s3] =	stream.linear.scatter [tilespmem:s28], [sflag:$0x2], $0x80, $0x38;
	[tilespmem:$0xA000] =	vst v63  }
0x412: {  	s30 =	sor.u32 $0xC00, s4;
	s31 =	sadd.s32 $0xD80, s14  }
0x413: {  	[hbm4b:s31+s3] =	stream.linear.scatter [tilespmem:s30], [sflag:$0x2], $0x80, $0x38;
	[tilespmem:$0xA000] =	vst v63  }
0x414: {  	s22 =	sor.u32 $0x1000, s4;
	s23 =	sadd.s32 $0xE00, s14  }
0x415: {  	[hbm4b:s23+s3] =	stream.linear.scatter [tilespmem:s22], [sflag:$0x2], $0x80, $0x38;
	[tilespmem:$0xA000] =	vst v63  }
0x416: {  	s24 =	sor.u32 $0x1400, s4;
	s25 =	sadd.s32 $0xE80, s14  }
0x417: {  	[hbm4b:s25+s3] =	stream.linear.scatter [tilespmem:s24], [sflag:$0x2], $0x80, $0x38;
	[tilespmem:$0xA000] =	vst v63  }
0x418: {  	s26 =	sor.u32 $0x1800, s4;
	s28 =	sadd.s32 $0xF00, s14  }
0x419: {  	[hbm4b:s28+s3] =	stream.linear.scatter [tilespmem:s26], [sflag:$0x2], $0x80, $0x38;
	[tilespmem:$0xA000] =	vst v63  }
0x41a: {  	s29 =	sor.u32 $0x1C00, s4;
	s30 =	sadd.s32 $0xF80, s14  }
0x41b: {  	[hbm4b:s30+s3] =	stream.linear.scatter [tilespmem:s29], [sflag:$0x2], $0x80, $0x38;
	[tilespmem:$0xA000] =	vst v63  }
0x41c: {  	s4 =	sand.u32 $0x380, s21;
	s31 =	sadd.s32 $0xC10, s14  }
0x41d: {  	[hbm4b:s31+s3] =	stream.linear.scatter [tilespmem:s4], [sflag:$0x2], $0x80, $0x38;
	[tilespmem:$0xA000] =	vst v63  }
0x41e: {  	s21 =	sor.u32 $0x400, s4;
	s22 =	sadd.s32 $0xC90, s14  }
0x41f: {  	[hbm4b:s22+s3] =	stream.linear.scatter [tilespmem:s21], [sflag:$0x2], $0x80, $0x38;
	[tilespmem:$0xA000] =	vst v63  }
0x420: {  	s23 =	sor.u32 $0x800, s4;
	s24 =	sadd.s32 $0xD10, s14  }
0x421: {  	[hbm4b:s24+s3] =	stream.linear.scatter [tilespmem:s23], [sflag:$0x2], $0x80, $0x38;
	[tilespmem:$0xA000] =	vst v63  }
0x422: {  	s25 =	sor.u32 $0xC00, s4;
	s26 =	sadd.s32 $0xD90, s14  }
0x423: {  	[hbm4b:s26+s3] =	stream.linear.scatter [tilespmem:s25], [sflag:$0x2], $0x80, $0x38;
	[tilespmem:$0xA000] =	vst v63  }
0x424: {  	s28 =	sor.u32 $0x1000, s4;
	s29 =	sadd.s32 $0xE10, s14  }
0x425: {  	[hbm4b:s29+s3] =	stream.linear.scatter [tilespmem:s28], [sflag:$0x2], $0x80, $0x38;
	[tilespmem:$0xA000] =	vst v63  }
0x426: {  	s30 =	sor.u32 $0x1400, s4;
	s31 =	sadd.s32 $0xE90, s14  }
0x427: {  	[hbm4b:s31+s3] =	stream.linear.scatter [tilespmem:s30], [sflag:$0x2], $0x80, $0x38;
	[tilespmem:$0xA000] =	vst v63  }
0x428: {  	s22 =	sor.u32 $0x1800, s4;
	s23 =	sadd.s32 $0xF10, s14  }
0x429: {  	[hbm4b:s23+s3] =	stream.linear.scatter [tilespmem:s22], [sflag:$0x2], $0x80, $0x38;
	[tilespmem:$0xA000] =	vst v63  }
0x42a: {  	s24 =	sor.u32 $0x1C00, s4;
	s25 =	sadd.s32 $0xF90, s14  }
0x42b: {  	[hbm4b:s25+s3] =	stream.linear.scatter [tilespmem:s24], [sflag:$0x2], $0x80, $0x38;
	[tilespmem:$0xA000] =	vst v63  }
0x42c: {  	s4 =	sand.u32 $0x380, s20;
	s26 =	sadd.s32 $0xC20, s14  }
0x42d: {  	[hbm4b:s26+s3] =	stream.linear.scatter [tilespmem:s4], [sflag:$0x2], $0x80, $0x38;
	[tilespmem:$0xA000] =	vst v63  }
0x42e: {  	s28 =	sor.u32 $0x400, s4;
	s29 =	sadd.s32 $0xCA0, s14  }
0x42f: {  	[hbm4b:s29+s3] =	stream.linear.scatter [tilespmem:s28], [sflag:$0x2], $0x80, $0x38;
	[tilespmem:$0xA000] =	vst v63  }
0x430: {  	s30 =	sor.u32 $0x800, s4;
	s31 =	sadd.s32 $0xD20, s14  }
0x431: {  	[hbm4b:s31+s3] =	stream.linear.scatter [tilespmem:s30], [sflag:$0x2], $0x80, $0x38;
	[tilespmem:$0xA000] =	vst v63  }
0x432: {  	s21 =	sor.u32 $0xC00, s4;
	s22 =	sadd.s32 $0xDA0, s14  }
0x433: {  	[hbm4b:s22+s3] =	stream.linear.scatter [tilespmem:s21], [sflag:$0x2], $0x80, $0x38;
	[tilespmem:$0xA000] =	vst v63  }
0x434: {  	s23 =	sor.u32 $0x1000, s4;
	s24 =	sadd.s32 $0xE20, s14  }
0x435: {  	[hbm4b:s24+s3] =	stream.linear.scatter [tilespmem:s23], [sflag:$0x2], $0x80, $0x38;
	[tilespmem:$0xA000] =	vst v63  }
0x436: {  	s25 =	sor.u32 $0x1400, s4;
	s26 =	sadd.s32 $0xEA0, s14  }
0x437: {  	[hbm4b:s26+s3] =	stream.linear.scatter [tilespmem:s25], [sflag:$0x2], $0x80, $0x38;
	[tilespmem:$0xA000] =	vst v63  }
0x438: {  	s28 =	sor.u32 $0x1800, s4;
	s29 =	sadd.s32 $0xF20, s14  }
0x439: {  	[hbm4b:s29+s3] =	stream.linear.scatter [tilespmem:s28], [sflag:$0x2], $0x80, $0x38;
	[tilespmem:$0xA000] =	vst v63  }
0x43a: {  	s30 =	sor.u32 $0x1C00, s4;
	s31 =	sadd.s32 $0xFA0, s14  }
0x43b: {  	[hbm4b:s31+s3] =	stream.linear.scatter [tilespmem:s30], [sflag:$0x2], $0x80, $0x38;
	[tilespmem:$0xA000] =	vst v63  }
0x43c: {  	s20 =	sadd.s32 $0xC30, s14;
	s4 =	sand.u32 $0x380, s19  }
0x43d: {  	[hbm4b:s20+s3] =	stream.linear.scatter [tilespmem:s4], [sflag:$0x2], $0x80, $0x38;
	[tilespmem:$0xA000] =	vst v63  }
0x43e: {  	s21 =	sor.u32 $0x400, s4;
	s22 =	sadd.s32 $0xCB0, s14  }
0x43f: {  	[hbm4b:s22+s3] =	stream.linear.scatter [tilespmem:s21], [sflag:$0x2], $0x80, $0x38;
	[tilespmem:$0xA000] =	vst v63  }
0x440: {  	s23 =	sor.u32 $0x800, s4;
	s24 =	sadd.s32 $0xD30, s14  }
0x441: {  	[hbm4b:s24+s3] =	stream.linear.scatter [tilespmem:s23], [sflag:$0x2], $0x80, $0x38;
	[tilespmem:$0xA000] =	vst v63  }
0x442: {  	s25 =	sor.u32 $0xC00, s4;
	s26 =	sadd.s32 $0xDB0, s14  }
0x443: {  	[hbm4b:s26+s3] =	stream.linear.scatter [tilespmem:s25], [sflag:$0x2], $0x80, $0x38;
	[tilespmem:$0xA000] =	vst v63  }
0x444: {  	s28 =	sor.u32 $0x1000, s4;
	s29 =	sadd.s32 $0xE30, s14  }
0x445: {  	[hbm4b:s29+s3] =	stream.linear.scatter [tilespmem:s28], [sflag:$0x2], $0x80, $0x38;
	[tilespmem:$0xA000] =	vst v63  }
0x446: {  	s30 =	sor.u32 $0x1400, s4;
	s31 =	sadd.s32 $0xEB0, s14  }
0x447: {  	[hbm4b:s31+s3] =	stream.linear.scatter [tilespmem:s30], [sflag:$0x2], $0x80, $0x38;
	[tilespmem:$0xA000] =	vst v63  }
0x448: {  	s20 =	sor.u32 $0x1800, s4;
	s21 =	sadd.s32 $0xF30, s14  }
0x449: {  	[hbm4b:s21+s3] =	stream.linear.scatter [tilespmem:s20], [sflag:$0x2], $0x80, $0x38;
	[tilespmem:$0xA000] =	vst v63  }
0x44a: {  	s22 =	sor.u32 $0x1C00, s4;
	s23 =	sadd.s32 $0xFB0, s14  }
0x44b: {  	[hbm4b:s23+s3] =	stream.linear.scatter [tilespmem:s22], [sflag:$0x2], $0x80, $0x38;
	[tilespmem:$0xA000] =	vst v63  }
0x44c: {  	s4 =	sand.u32 $0x380, s18;
	s24 =	sadd.s32 $0xC40, s14  }
0x44d: {  	[hbm4b:s24+s3] =	stream.linear.scatter [tilespmem:s4], [sflag:$0x2], $0x80, $0x38;
	[tilespmem:$0xA000] =	vst v63  }
0x44e: {  	s25 =	sor.u32 $0x400, s4;
	s26 =	sadd.s32 $0xCC0, s14  }
0x44f: {  	[hbm4b:s26+s3] =	stream.linear.scatter [tilespmem:s25], [sflag:$0x2], $0x80, $0x38;
	[tilespmem:$0xA000] =	vst v63  }
0x450: {  	s28 =	sor.u32 $0x800, s4;
	s29 =	sadd.s32 $0xD40, s14  }
0x451: {  	[hbm4b:s29+s3] =	stream.linear.scatter [tilespmem:s28], [sflag:$0x2], $0x80, $0x38;
	[tilespmem:$0xA000] =	vst v63  }
0x452: {  	s30 =	sor.u32 $0xC00, s4;
	s31 =	sadd.s32 $0xDC0, s14  }
0x453: {  	[hbm4b:s31+s3] =	stream.linear.scatter [tilespmem:s30], [sflag:$0x2], $0x80, $0x38;
	[tilespmem:$0xA000] =	vst v63  }
0x454: {  	s19 =	sor.u32 $0x1000, s4;
	s20 =	sadd.s32 $0xE40, s14  }
0x455: {  	[hbm4b:s20+s3] =	stream.linear.scatter [tilespmem:s19], [sflag:$0x2], $0x80, $0x38;
	[tilespmem:$0xA000] =	vst v63  }
0x456: {  	s21 =	sor.u32 $0x1400, s4;
	s22 =	sadd.s32 $0xEC0, s14  }
0x457: {  	[hbm4b:s22+s3] =	stream.linear.scatter [tilespmem:s21], [sflag:$0x2], $0x80, $0x38;
	[tilespmem:$0xA000] =	vst v63  }
0x458: {  	s23 =	sor.u32 $0x1800, s4;
	s24 =	sadd.s32 $0xF40, s14  }
0x459: {  	[hbm4b:s24+s3] =	stream.linear.scatter [tilespmem:s23], [sflag:$0x2], $0x80, $0x38;
	[tilespmem:$0xA000] =	vst v63  }
0x45a: {  	s25 =	sor.u32 $0x1C00, s4;
	s26 =	sadd.s32 $0xFC0, s14  }
0x45b: {  	[hbm4b:s26+s3] =	stream.linear.scatter [tilespmem:s25], [sflag:$0x2], $0x80, $0x38;
	[tilespmem:$0xA000] =	vst v63  }
0x45c: {  	s28 =	sadd.s32 $0xC50, s14;
	s29 =	sand.u32 $0x380, s17  }
0x45d: {  	[hbm4b:s28+s3] =	stream.linear.scatter [tilespmem:s29], [sflag:$0x2], $0x80, $0x38;
	[tilespmem:$0xA000] =	vst v63  }
0x45e: {  	s30 =	sor.u32 $0x400, s29;
	s31 =	sadd.s32 $0xCD0, s14  }
0x45f: {  	[hbm4b:s31+s3] =	stream.linear.scatter [tilespmem:s30], [sflag:$0x2], $0x80, $0x38;
	[tilespmem:$0xA000] =	vst v63  }
0x460: {  	s18 =	sadd.s32 $0xD50, s14;
	s17 =	sor.u32 $0x800, s29  }
0x461: {  	[hbm4b:s18+s3] =	stream.linear.scatter [tilespmem:s17], [sflag:$0x2], $0x80, $0x38;
	[tilespmem:$0xA000] =	vst v63  }
0x462: {  	s19 =	sor.u32 $0xC00, s29;
	s20 =	sadd.s32 $0xDD0, s14  }
0x463: {  	[hbm4b:s20+s3] =	stream.linear.scatter [tilespmem:s19], [sflag:$0x2], $0x80, $0x38;
	[tilespmem:$0xA000] =	vst v63  }
0x464: {  	s21 =	sor.u32 $0x1000, s29;
	s22 =	sadd.s32 $0xE50, s14  }
0x465: {  	[hbm4b:s22+s3] =	stream.linear.scatter [tilespmem:s21], [sflag:$0x2], $0x80, $0x38;
	[tilespmem:$0xA000] =	vst v63  }
0x466: {  	s23 =	sor.u32 $0x1400, s29;
	s24 =	sadd.s32 $0xED0, s14  }
0x467: {  	[hbm4b:s24+s3] =	stream.linear.scatter [tilespmem:s23], [sflag:$0x2], $0x80, $0x38;
	[tilespmem:$0xA000] =	vst v63  }
0x468: {  	s25 =	sor.u32 $0x1800, s29;
	s26 =	sadd.s32 $0xF50, s14  }
0x469: {  	[hbm4b:s26+s3] =	stream.linear.scatter [tilespmem:s25], [sflag:$0x2], $0x80, $0x38;
	[tilespmem:$0xA000] =	vst v63  }
0x46a: {  	s28 =	sor.u32 $0x1C00, s29;
	s29 =	sadd.s32 $0xFD0, s14  }
0x46b: {  	[hbm4b:s29+s3] =	stream.linear.scatter [tilespmem:s28], [sflag:$0x2], $0x80, $0x38;
	[tilespmem:$0xA000] =	vst v63  }
0x46c: {  	s30 =	sadd.s32 $0xC60, s14;
	s31 =	sand.u32 $0x380, s16  }
0x46d: {  	[hbm4b:s30+s3] =	stream.linear.scatter [tilespmem:s31], [sflag:$0x2], $0x80, $0x38;
	[tilespmem:$0xA000] =	vst v63  }
0x46e: {  	s16 =	sadd.s32 $0xCE0, s14;
	s1 =	sor.u32 $0x400, s31  }
0x46f: {  	[hbm4b:s16+s3] =	stream.linear.scatter [tilespmem:s1], [sflag:$0x2], $0x80, $0x38;
	[tilespmem:$0xA000] =	vst v63  }
0x470: {  	s17 =	sor.u32 $0x800, s31;
	s18 =	sadd.s32 $0xD60, s14  }
0x471: {  	[hbm4b:s18+s3] =	stream.linear.scatter [tilespmem:s17], [sflag:$0x2], $0x80, $0x38;
	[tilespmem:$0xA000] =	vst v63  }
0x472: {  	s19 =	sor.u32 $0xC00, s31;
	s20 =	sadd.s32 $0xDE0, s14  }
0x473: {  	[hbm4b:s20+s3] =	stream.linear.scatter [tilespmem:s19], [sflag:$0x2], $0x80, $0x38;
	[tilespmem:$0xA000] =	vst v63  }
0x474: {  	s21 =	sor.u32 $0x1000, s31;
	s22 =	sadd.s32 $0xE60, s14  }
0x475: {  	[hbm4b:s22+s3] =	stream.linear.scatter [tilespmem:s21], [sflag:$0x2], $0x80, $0x38;
	[tilespmem:$0xA000] =	vst v63  }
0x476: {  	s23 =	sor.u32 $0x1400, s31;
	s24 =	sadd.s32 $0xEE0, s14  }
0x477: {  	[hbm4b:s24+s3] =	stream.linear.scatter [tilespmem:s23], [sflag:$0x2], $0x80, $0x38;
	[tilespmem:$0xA000] =	vst v63  }
0x478: {  	s25 =	sor.u32 $0x1800, s31;
	s26 =	sadd.s32 $0xF60, s14  }
0x479: {  	[hbm4b:s26+s3] =	stream.linear.scatter [tilespmem:s25], [sflag:$0x2], $0x80, $0x38;
	[tilespmem:$0xA000] =	vst v63  }
0x47a: {  	s28 =	sor.u32 $0x1C00, s31;
	s29 =	sadd.s32 $0xFE0, s14  }
0x47b: {  	[hbm4b:s29+s3] =	stream.linear.scatter [tilespmem:s28], [sflag:$0x2], $0x80, $0x38;
	[tilespmem:$0xA000] =	vst v63  }
0x47c: {  	s10 =	sadd.s32 $0x1, s10;
	s30 =	sadd.s32 $0xC70, s14;
	s31 =	sand.u32 $0x380, s15  }
0x47d: {  	[hbm4b:s30+s3] =	stream.linear.scatter [tilespmem:s31], [sflag:$0x2], $0x80, $0x38;
	[tilespmem:$0xA000] =	vst v63  }
0x47e: {  	s12 =	sadd.s32 $0x1000, s12;
	s16 =	sor.u32 $0x400, s31;
	s17 =	sadd.s32 $0xCF0, s14  }
0x47f: {  	[hbm4b:s17+s3] =	stream.linear.scatter [tilespmem:s16], [sflag:$0x2], $0x80, $0x38;
	[tilespmem:$0xA000] =	vst v63  }
0x480: {  	p0 =	sne.s32 s12, $0x8000;
	s18 =	sor.u32 $0x800, s31;
	s19 =	sadd.s32 $0xD70, s14  }
0x481: {  	[hbm4b:s19+s3] =	stream.linear.scatter [tilespmem:s18], [sflag:$0x2], $0x80, $0x38;
	[tilespmem:$0xA000] =	vst v63  }
0x482: {  	p1 =	slt.u32 s10, $0x2;
	s20 =	sor.u32 $0xC00, s31;
	s21 =	sadd.s32 $0xDF0, s14  }
0x483: {  	[hbm4b:s21+s3] =	stream.linear.scatter [tilespmem:s20], [sflag:$0x2], $0x80, $0x38;
	[tilespmem:$0xA000] =	vst v63  }
0x484: {  	s11 =	sadd.s32 $0x20, s11;
	s22 =	sor.u32 $0x1000, s31;
	s23 =	sadd.s32 $0xE70, s14  }
0x485: {  	[hbm4b:s23+s3] =	stream.linear.scatter [tilespmem:s22], [sflag:$0x2], $0x80, $0x38;
	[tilespmem:$0xA000] =	vst v63  }
0x486: {  	s24 =	sor.u32 $0x1400, s31;
	s25 =	sadd.s32 $0xEF0, s14;
	s26 =	sadd.s32 $0xFFFFFFF0, s11  }
0x487: {  	[hbm4b:s25+s3] =	stream.linear.scatter [tilespmem:s24], [sflag:$0x2], $0x80, $0x38;
	[tilespmem:$0xA000] =	vst v63  }
.Ltmp0:
0x488: {  	v3 =	vmov s26;
	s28 =	sor.u32 $0x1800, s31;
	s29 =	sadd.s32 $0xF70, s14;
	(pc) =	sbr.rel @p0 .LBB2_2-.Ltmp0, $4  }
0x489: {  	v3 =	vshll.u32 v3, $0x7;
	[hbm4b:s29+s3] =	stream.linear.scatter [tilespmem:s28], [sflag:$0x2], $0x80, $0x38;
	[tilespmem:$0xA000] =	vst v63  }
0x48a: {  	v4 =	vor.u32 v0, v3;
	s30 =	sor.u32 $0x1C00, s31;
	s31 =	sadd.s32 $0xFF0, s14;
	s14 =	simm.s32 @!p1 $0x2  }
0x48b: {  	v9 =	vor.u32 $0x1, v4;
	v8 =	vor.u32 $0x2, v4;
	v7 =	vor.u32 $0x3, v4;
	[hbm4b:s31+s3] =	stream.linear.scatter [tilespmem:s30], [sflag:$0x2], $0x80, $0x38;
	[tilespmem:$0xA000] =	vst v63  }
0x48c: {  	v6 =	vor.u32 $0x4, v4;
	v5 =	vor.u32 $0x5, v4;
	v3 =	vor.u32 $0x6, v4;
	_ =	swait.ge @!p1 [sflag:s14], $0x8000  }
0x48d: {  	_ =	sdelay $0x1  }
0x48e: {  	[sflag:s14] =	ssyncset.done @!p1 $0x0  }
0x48f: {  	[sflag:s14] =	ssyncadd.s32 @!p1 $0xFFFF8000  }
0x490: {  	v10 =	vld.idx.msk [tilespmem:v4+s6+$0x0], $0xffff  }
0x491: {  	v9 =	vld.idx.msk [tilespmem:v9+s6+$0x0], $0xffff;
	_ =	sdelay $0x1  }
0x492: {  	v8 =	vld.idx.msk [tilespmem:v8+s6+$0x0], $0xffff;
	_ =	sdelay $0x1  }
0x493: {  	v7 =	vld.idx.msk [tilespmem:v7+s6+$0x0], $0xffff  }
0x494: {  	vm1 =	vgt.f32 v9, v10  }
0x495: {  	v6 =	vld.idx.msk [tilespmem:v6+s6+$0x0], $0xffff;
	v9 =	vsel vm1, v9, v10  }
0x496: {  	v45 =	vor.u32 $0x7, v4;
	vm2 =	vgt.f32 v8, v9  }
0x497: {  	v5 =	vld.idx.msk [tilespmem:v5+s6+$0x0], $0xffff;
	v8 =	vsel vm2, v8, v9  }
0x498: {  	vm3 =	vgt.f32 v7, v8  }
0x499: {  	v3 =	vld.idx.msk [tilespmem:v3+s6+$0x0], $0xffff;
	v7 =	vsel vm3, v7, v8  }
0x49a: {  	vm4 =	vgt.f32 v6, v7  }
0x49b: {  	v4 =	vld.idx.msk [tilespmem:v45+s6+$0x0], $0xffff;
	v46 =	vsel vm1, $0x1, v1;
	v6 =	vsel vm4, v6, v7  }
0x49c: {  	v47 =	vsel vm2, $0x2, v46;
	vm1 =	vgt.f32 v5, v6  }
0x49d: {  	v7 =	vsel vm3, $0x3, v47;
	v5 =	vsel vm1, v5, v6  }
0x49e: {  	v48 =	vsel vm4, $0x4, v7;
	vm2 =	vgt.f32 v3, v5  }
0x49f: {  	v6 =	vsel vm1, $0x5, v48;
	v3 =	vsel vm2, v3, v5  }
0x4a0: {  	v49 =	vsel vm2, $0x6, v6;
	vm1 =	vgt.f32 v4, v3  }
0x4a1: {  	v3 =	vsel vm1, $0x7, v49  }
0x4a2: {  	v3 =	vshll.u32 v3, v2  }
0x4a3: {  	v50 =	vnsel vm0, $0x0, v3  }
0x4a4: {  	(xrf0) =	vadd.scan.msk.s32 $0xffff, v50;
	_ =	sdelay $0x5  }
0x4a5: {  	v4, _, _ =	vpop (xrf0)  }
0x4a6: {  	(v2sf) =	vpush v4, $0xF;
	_ =	sdelay $0x5  }
0x4a7: {  	v3 =	vsel vm0, $0x0, v3  }
0x4a8: {  	(xrf0) =	vadd.scan.msk.s32 $0xffff, v3;
	_ =	sdelay $0x4  }
0x4a9: {  	p0 =	sne.s32 s13, $0x0  }
0x4aa: {  	s0 =	simm.s32 @!p0 $0x1;
	v3, _, _ =	vpop (xrf0)  }
0x4ab: {  	_ =	swait.ge @!p0 [sflag:s0], $0x2000  }
0x4ac: {  	s14 =	spop (v2sf)  }
0x4ad: {  	s1 =	rddreg [dreg:$0x4];
	[sflag:s0] =	ssyncset.done @!p0 $0x0;
	s2 =	sshll.u32 s14, $0x7  }
0x4ae: {  	[sflag:s0] =	ssyncadd.s32 @!p0 $0xFFFFE000;
	s12 =	sadd.s32 s13, s1;
	s24 =	sand.u32 $0x380, s2  }
0x4af: {  	[hbm4b:s12+s3] =	stream.linear.scatter [tilespmem:s24], [sflag:$0x2], $0x80, $0x38;
	[tilespmem:$0xA000] =	vst v63  }
0x4b0: {  	s26 =	sadd.s32 $0x80, s12;
	s25 =	sor.u32 $0x400, s24  }
0x4b1: {  	[hbm4b:s26+s3] =	stream.linear.scatter [tilespmem:s25], [sflag:$0x2], $0x80, $0x38;
	[tilespmem:$0xA000] =	vst v63  }
0x4b2: {  	s29 =	sadd.s32 $0x100, s12;
	s28 =	sor.u32 $0x800, s24  }
0x4b3: {  	[hbm4b:s29+s3] =	stream.linear.scatter [tilespmem:s28], [sflag:$0x2], $0x80, $0x38;
	[tilespmem:$0xA000] =	vst v63  }
0x4b4: {  	s31 =	sadd.s32 $0x180, s12;
	s30 =	sor.u32 $0xC00, s24  }
0x4b5: {  	[hbm4b:s31+s3] =	stream.linear.scatter [tilespmem:s30], [sflag:$0x2], $0x80, $0x38;
	[tilespmem:$0xA000] =	vst v63  }
0x4b6: {  	s4 =	sadd.s32 $0x200, s12;
	s2 =	sor.u32 $0x1000, s24  }
0x4b7: {  	[hbm4b:s4+s3] =	stream.linear.scatter [tilespmem:s2], [sflag:$0x2], $0x80, $0x38;
	[tilespmem:$0xA000] =	vst v63  }
0x4b8: {  	s15 =	sadd.s32 $0x280, s12;
	s13 =	sor.u32 $0x1400, s24  }
0x4b9: {  	[hbm4b:s15+s3] =	stream.linear.scatter [tilespmem:s13], [sflag:$0x2], $0x80, $0x38;
	[tilespmem:$0xA000] =	vst v63  }
0x4ba: {  	s17 =	sadd.s32 $0x300, s12;
	s16 =	sor.u32 $0x1800, s24  }
0x4bb: {  	[hbm4b:s17+s3] =	stream.linear.scatter [tilespmem:s16], [sflag:$0x2], $0x80, $0x38;
	[tilespmem:$0xA000] =	vst v63  }
0x4bc: {  	s19 =	sadd.s32 $0x380, s12;
	s18 =	sshll.u32 s14, $0x3;
	s0 =	sor.u32 $0x1C00, s24  }
0x4bd: {  	[hbm4b:s19+s3] =	stream.linear.scatter [tilespmem:s0], [sflag:$0x2], $0x80, $0x38;
	[tilespmem:$0xA000] =	vst v63  }
0x4be: {  	s20 =	sadd.s32 $0x10, s12;
	s1 =	sand.u32 $0x380, s18  }
0x4bf: {  	[hbm4b:s20+s3] =	stream.linear.scatter [tilespmem:s1], [sflag:$0x2], $0x80, $0x38;
	[tilespmem:$0xA000] =	vst v63  }
0x4c0: {  	s22 =	sadd.s32 $0x90, s12;
	s21 =	sor.u32 $0x400, s1  }
0x4c1: {  	[hbm4b:s22+s3] =	stream.linear.scatter [tilespmem:s21], [sflag:$0x2], $0x80, $0x38;
	[tilespmem:$0xA000] =	vst v63  }
0x4c2: {  	s23 =	sor.u32 $0x800, s1;
	s24 =	sadd.s32 $0x110, s12  }
0x4c3: {  	[hbm4b:s24+s3] =	stream.linear.scatter [tilespmem:s23], [sflag:$0x2], $0x80, $0x38;
	[tilespmem:$0xA000] =	vst v63  }
0x4c4: {  	s25 =	sor.u32 $0xC00, s1;
	s26 =	sadd.s32 $0x190, s12  }
0x4c5: {  	[hbm4b:s26+s3] =	stream.linear.scatter [tilespmem:s25], [sflag:$0x2], $0x80, $0x38;
	[tilespmem:$0xA000] =	vst v63  }
0x4c6: {  	s28 =	sor.u32 $0x1000, s1;
	s29 =	sadd.s32 $0x210, s12  }
0x4c7: {  	[hbm4b:s29+s3] =	stream.linear.scatter [tilespmem:s28], [sflag:$0x2], $0x80, $0x38;
	[tilespmem:$0xA000] =	vst v63  }
0x4c8: {  	s30 =	sor.u32 $0x1400, s1;
	s31 =	sadd.s32 $0x290, s12  }
0x4c9: {  	[hbm4b:s31+s3] =	stream.linear.scatter [tilespmem:s30], [sflag:$0x2], $0x80, $0x38;
	[tilespmem:$0xA000] =	vst v63  }
0x4ca: {  	s2 =	sor.u32 $0x1800, s1;
	s4 =	sadd.s32 $0x310, s12  }
0x4cb: {  	[hbm4b:s4+s3] =	stream.linear.scatter [tilespmem:s2], [sflag:$0x2], $0x80, $0x38;
	[tilespmem:$0xA000] =	vst v63  }
0x4cc: {  	s13 =	sshrl.u32 s14, $0x1;
	s15 =	sadd.s32 $0x390, s12;
	s1 =	sor.u32 $0x1C00, s1  }
0x4cd: {  	[hbm4b:s15+s3] =	stream.linear.scatter [tilespmem:s1], [sflag:$0x2], $0x80, $0x38;
	[tilespmem:$0xA000] =	vst v63  }
0x4ce: {  	s16 =	sadd.s32 $0x20, s12;
	s0 =	sand.u32 $0x380, s13  }
0x4cf: {  	[hbm4b:s16+s3] =	stream.linear.scatter [tilespmem:s0], [sflag:$0x2], $0x80, $0x38;
	[tilespmem:$0xA000] =	vst v63  }
0x4d0: {  	s18 =	sadd.s32 $0xA0, s12;
	s17 =	sor.u32 $0x400, s0  }
0x4d1: {  	[hbm4b:s18+s3] =	stream.linear.scatter [tilespmem:s17], [sflag:$0x2], $0x80, $0x38;
	[tilespmem:$0xA000] =	vst v63  }
0x4d2: {  	s19 =	sor.u32 $0x800, s0;
	s20 =	sadd.s32 $0x120, s12  }
0x4d3: {  	[hbm4b:s20+s3] =	stream.linear.scatter [tilespmem:s19], [sflag:$0x2], $0x80, $0x38;
	[tilespmem:$0xA000] =	vst v63  }
0x4d4: {  	s21 =	sor.u32 $0xC00, s0;
	s22 =	sadd.s32 $0x1A0, s12  }
0x4d5: {  	[hbm4b:s22+s3] =	stream.linear.scatter [tilespmem:s21], [sflag:$0x2], $0x80, $0x38;
	[tilespmem:$0xA000] =	vst v63  }
0x4d6: {  	s23 =	sor.u32 $0x1000, s0;
	s24 =	sadd.s32 $0x220, s12  }
0x4d7: {  	[hbm4b:s24+s3] =	stream.linear.scatter [tilespmem:s23], [sflag:$0x2], $0x80, $0x38;
	[tilespmem:$0xA000] =	vst v63  }
0x4d8: {  	s25 =	sor.u32 $0x1400, s0;
	s26 =	sadd.s32 $0x2A0, s12  }
0x4d9: {  	[hbm4b:s26+s3] =	stream.linear.scatter [tilespmem:s25], [sflag:$0x2], $0x80, $0x38;
	[tilespmem:$0xA000] =	vst v63  }
0x4da: {  	s28 =	sor.u32 $0x1800, s0;
	s29 =	sadd.s32 $0x320, s12  }
0x4db: {  	[hbm4b:s29+s3] =	stream.linear.scatter [tilespmem:s28], [sflag:$0x2], $0x80, $0x38;
	[tilespmem:$0xA000] =	vst v63  }
0x4dc: {  	s30 =	sshrl.u32 s14, $0x5;
	s31 =	sadd.s32 $0x3A0, s12;
	s0 =	sor.u32 $0x1C00, s0  }
0x4dd: {  	[hbm4b:s31+s3] =	stream.linear.scatter [tilespmem:s0], [sflag:$0x2], $0x80, $0x38;
	[tilespmem:$0xA000] =	vst v63  }
0x4de: {  	s4 =	sadd.s32 $0x30, s12;
	s1 =	sand.u32 $0x380, s30  }
0x4df: {  	[hbm4b:s4+s3] =	stream.linear.scatter [tilespmem:s1], [sflag:$0x2], $0x80, $0x38;
	[tilespmem:$0xA000] =	vst v63  }
0x4e0: {  	s15 =	sadd.s32 $0xB0, s12;
	s13 =	sor.u32 $0x400, s1  }
0x4e1: {  	[hbm4b:s15+s3] =	stream.linear.scatter [tilespmem:s13], [sflag:$0x2], $0x80, $0x38;
	[tilespmem:$0xA000] =	vst v63  }
0x4e2: {  	s16 =	sor.u32 $0x800, s1;
	s17 =	sadd.s32 $0x130, s12  }
0x4e3: {  	[hbm4b:s17+s3] =	stream.linear.scatter [tilespmem:s16], [sflag:$0x2], $0x80, $0x38;
	[tilespmem:$0xA000] =	vst v63  }
0x4e4: {  	s18 =	sor.u32 $0xC00, s1;
	s19 =	sadd.s32 $0x1B0, s12  }
0x4e5: {  	[hbm4b:s19+s3] =	stream.linear.scatter [tilespmem:s18], [sflag:$0x2], $0x80, $0x38;
	[tilespmem:$0xA000] =	vst v63  }
0x4e6: {  	s20 =	sor.u32 $0x1000, s1;
	s21 =	sadd.s32 $0x230, s12  }
0x4e7: {  	[hbm4b:s21+s3] =	stream.linear.scatter [tilespmem:s20], [sflag:$0x2], $0x80, $0x38;
	[tilespmem:$0xA000] =	vst v63  }
0x4e8: {  	s22 =	sor.u32 $0x1400, s1;
	s23 =	sadd.s32 $0x2B0, s12  }
0x4e9: {  	[hbm4b:s23+s3] =	stream.linear.scatter [tilespmem:s22], [sflag:$0x2], $0x80, $0x38;
	[tilespmem:$0xA000] =	vst v63  }
0x4ea: {  	s24 =	sor.u32 $0x1800, s1;
	s25 =	sadd.s32 $0x330, s12  }
0x4eb: {  	[hbm4b:s25+s3] =	stream.linear.scatter [tilespmem:s24], [sflag:$0x2], $0x80, $0x38;
	[tilespmem:$0xA000] =	vst v63  }
0x4ec: {  	s26 =	sshrl.u32 s14, $0x9;
	s28 =	sadd.s32 $0x3B0, s12;
	s1 =	sor.u32 $0x1C00, s1  }
0x4ed: {  	[hbm4b:s28+s3] =	stream.linear.scatter [tilespmem:s1], [sflag:$0x2], $0x80, $0x38;
	[tilespmem:$0xA000] =	vst v63  }
0x4ee: {  	s29 =	sadd.s32 $0x40, s12;
	s0 =	sand.u32 $0x380, s26  }
0x4ef: {  	[hbm4b:s29+s3] =	stream.linear.scatter [tilespmem:s0], [sflag:$0x2], $0x80, $0x38;
	[tilespmem:$0xA000] =	vst v63  }
0x4f0: {  	s31 =	sadd.s32 $0xC0, s12;
	s30 =	sor.u32 $0x400, s0  }
0x4f1: {  	[hbm4b:s31+s3] =	stream.linear.scatter [tilespmem:s30], [sflag:$0x2], $0x80, $0x38;
	[tilespmem:$0xA000] =	vst v63  }
0x4f2: {  	s2 =	sor.u32 $0x800, s0;
	s4 =	sadd.s32 $0x140, s12  }
0x4f3: {  	[hbm4b:s4+s3] =	stream.linear.scatter [tilespmem:s2], [sflag:$0x2], $0x80, $0x38;
	[tilespmem:$0xA000] =	vst v63  }
0x4f4: {  	s13 =	sor.u32 $0xC00, s0;
	s15 =	sadd.s32 $0x1C0, s12  }
0x4f5: {  	[hbm4b:s15+s3] =	stream.linear.scatter [tilespmem:s13], [sflag:$0x2], $0x80, $0x38;
	[tilespmem:$0xA000] =	vst v63  }
0x4f6: {  	s16 =	sor.u32 $0x1000, s0;
	s17 =	sadd.s32 $0x240, s12  }
0x4f7: {  	[hbm4b:s17+s3] =	stream.linear.scatter [tilespmem:s16], [sflag:$0x2], $0x80, $0x38;
	[tilespmem:$0xA000] =	vst v63  }
0x4f8: {  	s18 =	sor.u32 $0x1400, s0;
	s19 =	sadd.s32 $0x2C0, s12  }
0x4f9: {  	[hbm4b:s19+s3] =	stream.linear.scatter [tilespmem:s18], [sflag:$0x2], $0x80, $0x38;
	[tilespmem:$0xA000] =	vst v63  }
0x4fa: {  	s20 =	sor.u32 $0x1800, s0;
	s21 =	sadd.s32 $0x340, s12  }
0x4fb: {  	[hbm4b:s21+s3] =	stream.linear.scatter [tilespmem:s20], [sflag:$0x2], $0x80, $0x38;
	[tilespmem:$0xA000] =	vst v63  }
0x4fc: {  	s22 =	sshrl.u32 s14, $0xD;
	s23 =	sadd.s32 $0x3C0, s12;
	s0 =	sor.u32 $0x1C00, s0  }
0x4fd: {  	[hbm4b:s23+s3] =	stream.linear.scatter [tilespmem:s0], [sflag:$0x2], $0x80, $0x38;
	[tilespmem:$0xA000] =	vst v63  }
0x4fe: {  	s24 =	sadd.s32 $0x50, s12;
	s1 =	sand.u32 $0x380, s22  }
0x4ff: {  	[hbm4b:s24+s3] =	stream.linear.scatter [tilespmem:s1], [sflag:$0x2], $0x80, $0x38;
	[tilespmem:$0xA000] =	vst v63  }
0x500: {  	s26 =	sadd.s32 $0xD0, s12;
	s25 =	sor.u32 $0x400, s1  }
0x501: {  	[hbm4b:s26+s3] =	stream.linear.scatter [tilespmem:s25], [sflag:$0x2], $0x80, $0x38;
	[tilespmem:$0xA000] =	vst v63  }
0x502: {  	s28 =	sor.u32 $0x800, s1;
	s29 =	sadd.s32 $0x150, s12  }
0x503: {  	[hbm4b:s29+s3] =	stream.linear.scatter [tilespmem:s28], [sflag:$0x2], $0x80, $0x38;
	[tilespmem:$0xA000] =	vst v63  }
0x504: {  	s30 =	sor.u32 $0xC00, s1;
	s31 =	sadd.s32 $0x1D0, s12  }
0x505: {  	[hbm4b:s31+s3] =	stream.linear.scatter [tilespmem:s30], [sflag:$0x2], $0x80, $0x38;
	[tilespmem:$0xA000] =	vst v63  }
0x506: {  	s2 =	sor.u32 $0x1000, s1;
	s4 =	sadd.s32 $0x250, s12  }
0x507: {  	[hbm4b:s4+s3] =	stream.linear.scatter [tilespmem:s2], [sflag:$0x2], $0x80, $0x38;
	[tilespmem:$0xA000] =	vst v63  }
0x508: {  	s13 =	sor.u32 $0x1400, s1;
	s15 =	sadd.s32 $0x2D0, s12  }
0x509: {  	[hbm4b:s15+s3] =	stream.linear.scatter [tilespmem:s13], [sflag:$0x2], $0x80, $0x38;
	[tilespmem:$0xA000] =	vst v63  }
0x50a: {  	s16 =	sor.u32 $0x1800, s1;
	s17 =	sadd.s32 $0x350, s12  }
0x50b: {  	[hbm4b:s17+s3] =	stream.linear.scatter [tilespmem:s16], [sflag:$0x2], $0x80, $0x38;
	[tilespmem:$0xA000] =	vst v63  }
0x50c: {  	s18 =	sshrl.u32 s14, $0x11;
	s19 =	sadd.s32 $0x3D0, s12;
	s1 =	sor.u32 $0x1C00, s1  }
0x50d: {  	[hbm4b:s19+s3] =	stream.linear.scatter [tilespmem:s1], [sflag:$0x2], $0x80, $0x38;
	[tilespmem:$0xA000] =	vst v63  }
0x50e: {  	s20 =	sadd.s32 $0x60, s12;
	s0 =	sand.u32 $0x380, s18  }
0x50f: {  	[hbm4b:s20+s3] =	stream.linear.scatter [tilespmem:s0], [sflag:$0x2], $0x80, $0x38;
	[tilespmem:$0xA000] =	vst v63  }
0x510: {  	s22 =	sadd.s32 $0xE0, s12;
	s21 =	sor.u32 $0x400, s0  }
0x511: {  	[hbm4b:s22+s3] =	stream.linear.scatter [tilespmem:s21], [sflag:$0x2], $0x80, $0x38;
	[tilespmem:$0xA000] =	vst v63  }
0x512: {  	s23 =	sor.u32 $0x800, s0;
	s24 =	sadd.s32 $0x160, s12  }
0x513: {  	[hbm4b:s24+s3] =	stream.linear.scatter [tilespmem:s23], [sflag:$0x2], $0x80, $0x38;
	[tilespmem:$0xA000] =	vst v63  }
0x514: {  	s25 =	sor.u32 $0xC00, s0;
	s26 =	sadd.s32 $0x1E0, s12  }
0x515: {  	[hbm4b:s26+s3] =	stream.linear.scatter [tilespmem:s25], [sflag:$0x2], $0x80, $0x38;
	[tilespmem:$0xA000] =	vst v63  }
0x516: {  	s28 =	sor.u32 $0x1000, s0;
	s29 =	sadd.s32 $0x260, s12  }
0x517: {  	[hbm4b:s29+s3] =	stream.linear.scatter [tilespmem:s28], [sflag:$0x2], $0x80, $0x38;
	[tilespmem:$0xA000] =	vst v63  }
0x518: {  	s30 =	sor.u32 $0x1400, s0;
	s31 =	sadd.s32 $0x2E0, s12  }
0x519: {  	[hbm4b:s31+s3] =	stream.linear.scatter [tilespmem:s30], [sflag:$0x2], $0x80, $0x38;
	[tilespmem:$0xA000] =	vst v63  }
0x51a: {  	s2 =	sor.u32 $0x1800, s0;
	s4 =	sadd.s32 $0x360, s12  }
0x51b: {  	(v2sf) =	vpush v3, $0xF;
	[hbm4b:s4+s3] =	stream.linear.scatter [tilespmem:s2], [sflag:$0x2], $0x80, $0x38;
	[tilespmem:$0xA000] =	vst v63  }
0x51c: {  	s13 =	sshrl.u32 s14, $0x15;
	s14 =	sadd.s32 $0x3E0, s12;
	s0 =	sor.u32 $0x1C00, s0  }
0x51d: {  	[hbm4b:s14+s3] =	stream.linear.scatter [tilespmem:s0], [sflag:$0x2], $0x80, $0x38;
	[tilespmem:$0xA000] =	vst v63  }
0x51e: {  	s15 =	sadd.s32 $0x70, s12;
	s1 =	sand.u32 $0x380, s13  }
0x51f: {  	[hbm4b:s15+s3] =	stream.linear.scatter [tilespmem:s1], [sflag:$0x2], $0x80, $0x38;
	[tilespmem:$0xA000] =	vst v63  }
0x520: {  	s17 =	sadd.s32 $0xF0, s12;
	s16 =	sor.u32 $0x400, s1  }
0x521: {  	[hbm4b:s17+s3] =	stream.linear.scatter [tilespmem:s16], [sflag:$0x2], $0x80, $0x38;
	[tilespmem:$0xA000] =	vst v63  }
0x522: {  	s19 =	sadd.s32 $0x170, s12;
	s18 =	sor.u32 $0x800, s1  }
0x523: {  	[hbm4b:s19+s3] =	stream.linear.scatter [tilespmem:s18], [sflag:$0x2], $0x80, $0x38;
	[tilespmem:$0xA000] =	vst v63  }
0x524: {  	s20 =	sor.u32 $0xC00, s1;
	s21 =	sadd.s32 $0x1F0, s12  }
0x525: {  	[hbm4b:s21+s3] =	stream.linear.scatter [tilespmem:s20], [sflag:$0x2], $0x80, $0x38;
	[tilespmem:$0xA000] =	vst v63  }
0x526: {  	s22 =	sor.u32 $0x1000, s1;
	s23 =	sadd.s32 $0x270, s12  }
0x527: {  	[hbm4b:s23+s3] =	stream.linear.scatter [tilespmem:s22], [sflag:$0x2], $0x80, $0x38;
	[tilespmem:$0xA000] =	vst v63  }
0x528: {  	s24 =	sor.u32 $0x1400, s1;
	s25 =	sadd.s32 $0x2F0, s12  }
0x529: {  	[hbm4b:s25+s3] =	stream.linear.scatter [tilespmem:s24], [sflag:$0x2], $0x80, $0x38;
	[tilespmem:$0xA000] =	vst v63  }
0x52a: {  	s13 =	spop (v2sf);
	s26 =	sor.u32 $0x1800, s1;
	s28 =	sadd.s32 $0x370, s12  }
0x52b: {  	[hbm4b:s28+s3] =	stream.linear.scatter [tilespmem:s26], [sflag:$0x2], $0x80, $0x38;
	[tilespmem:$0xA000] =	vst v63  }
0x52c: {  	s29 =	sshll.u32 s13, $0x7;
	s30 =	sadd.s32 $0x3F0, s12;
	s1 =	sor.u32 $0x1C00, s1  }
0x52d: {  	[hbm4b:s30+s3] =	stream.linear.scatter [tilespmem:s1], [sflag:$0x2], $0x80, $0x38;
	[tilespmem:$0xA000] =	vst v63  }
0x52e: {  	s31 =	sadd.s32 $0x400, s12;
	s0 =	sand.u32 $0x380, s29  }
0x52f: {  	[hbm4b:s31+s3] =	stream.linear.scatter [tilespmem:s0], [sflag:$0x2], $0x80, $0x38;
	[tilespmem:$0xA000] =	vst v63  }
0x530: {  	s4 =	sadd.s32 $0x480, s12;
	s2 =	sor.u32 $0x400, s0  }
0x531: {  	[hbm4b:s4+s3] =	stream.linear.scatter [tilespmem:s2], [sflag:$0x2], $0x80, $0x38;
	[tilespmem:$0xA000] =	vst v63  }
0x532: {  	s14 =	sor.u32 $0x800, s0;
	s15 =	sadd.s32 $0x500, s12  }
0x533: {  	[hbm4b:s15+s3] =	stream.linear.scatter [tilespmem:s14], [sflag:$0x2], $0x80, $0x38;
	[tilespmem:$0xA000] =	vst v63  }
0x534: {  	s16 =	sor.u32 $0xC00, s0;
	s17 =	sadd.s32 $0x580, s12  }
0x535: {  	[hbm4b:s17+s3] =	stream.linear.scatter [tilespmem:s16], [sflag:$0x2], $0x80, $0x38;
	[tilespmem:$0xA000] =	vst v63  }
0x536: {  	s18 =	sor.u32 $0x1000, s0;
	s19 =	sadd.s32 $0x600, s12  }
0x537: {  	[hbm4b:s19+s3] =	stream.linear.scatter [tilespmem:s18], [sflag:$0x2], $0x80, $0x38;
	[tilespmem:$0xA000] =	vst v63  }
0x538: {  	s20 =	sor.u32 $0x1400, s0;
	s21 =	sadd.s32 $0x680, s12  }
0x539: {  	[hbm4b:s21+s3] =	stream.linear.scatter [tilespmem:s20], [sflag:$0x2], $0x80, $0x38;
	[tilespmem:$0xA000] =	vst v63  }
0x53a: {  	s22 =	sor.u32 $0x1800, s0;
	s23 =	sadd.s32 $0x700, s12  }
0x53b: {  	[hbm4b:s23+s3] =	stream.linear.scatter [tilespmem:s22], [sflag:$0x2], $0x80, $0x38;
	[tilespmem:$0xA000] =	vst v63  }
0x53c: {  	s24 =	sshll.u32 s13, $0x3;
	s25 =	sadd.s32 $0x780, s12;
	s0 =	sor.u32 $0x1C00, s0  }
0x53d: {  	[hbm4b:s25+s3] =	stream.linear.scatter [tilespmem:s0], [sflag:$0x2], $0x80, $0x38;
	[tilespmem:$0xA000] =	vst v63  }
0x53e: {  	s26 =	sadd.s32 $0x410, s12;
	s1 =	sand.u32 $0x380, s24  }
0x53f: {  	[hbm4b:s26+s3] =	stream.linear.scatter [tilespmem:s1], [sflag:$0x2], $0x80, $0x38;
	[tilespmem:$0xA000] =	vst v63  }
0x540: {  	s29 =	sadd.s32 $0x490, s12;
	s28 =	sor.u32 $0x400, s1  }
0x541: {  	[hbm4b:s29+s3] =	stream.linear.scatter [tilespmem:s28], [sflag:$0x2], $0x80, $0x38;
	[tilespmem:$0xA000] =	vst v63  }
0x542: {  	s30 =	sor.u32 $0x800, s1;
	s31 =	sadd.s32 $0x510, s12  }
0x543: {  	[hbm4b:s31+s3] =	stream.linear.scatter [tilespmem:s30], [sflag:$0x2], $0x80, $0x38;
	[tilespmem:$0xA000] =	vst v63  }
0x544: {  	s2 =	sor.u32 $0xC00, s1;
	s4 =	sadd.s32 $0x590, s12  }
0x545: {  	[hbm4b:s4+s3] =	stream.linear.scatter [tilespmem:s2], [sflag:$0x2], $0x80, $0x38;
	[tilespmem:$0xA000] =	vst v63  }
0x546: {  	s14 =	sor.u32 $0x1000, s1;
	s15 =	sadd.s32 $0x610, s12  }
0x547: {  	[hbm4b:s15+s3] =	stream.linear.scatter [tilespmem:s14], [sflag:$0x2], $0x80, $0x38;
	[tilespmem:$0xA000] =	vst v63  }
0x548: {  	s16 =	sor.u32 $0x1400, s1;
	s17 =	sadd.s32 $0x690, s12  }
0x549: {  	[hbm4b:s17+s3] =	stream.linear.scatter [tilespmem:s16], [sflag:$0x2], $0x80, $0x38;
	[tilespmem:$0xA000] =	vst v63  }
0x54a: {  	s18 =	sor.u32 $0x1800, s1;
	s19 =	sadd.s32 $0x710, s12  }
0x54b: {  	[hbm4b:s19+s3] =	stream.linear.scatter [tilespmem:s18], [sflag:$0x2], $0x80, $0x38;
	[tilespmem:$0xA000] =	vst v63  }
0x54c: {  	s20 =	sor.u32 $0x1C00, s1;
	s21 =	sadd.s32 $0x790, s12;
	s22 =	sshrl.u32 s13, $0x1  }
0x54d: {  	[hbm4b:s21+s3] =	stream.linear.scatter [tilespmem:s20], [sflag:$0x2], $0x80, $0x38;
	[tilespmem:$0xA000] =	vst v63  }
0x54e: {  	s23 =	sadd.s32 $0x420, s12;
	s24 =	sand.u32 $0x380, s22  }
0x54f: {  	[hbm4b:s23+s3] =	stream.linear.scatter [tilespmem:s24], [sflag:$0x2], $0x80, $0x38;
	[tilespmem:$0xA000] =	vst v63  }
0x550: {  	s25 =	sor.u32 $0x400, s24;
	s26 =	sadd.s32 $0x4A0, s12  }
0x551: {  	[hbm4b:s26+s3] =	stream.linear.scatter [tilespmem:s25], [sflag:$0x2], $0x80, $0x38;
	[tilespmem:$0xA000] =	vst v63  }
0x552: {  	s28 =	sor.u32 $0x800, s24;
	s29 =	sadd.s32 $0x520, s12  }
0x553: {  	[hbm4b:s29+s3] =	stream.linear.scatter [tilespmem:s28], [sflag:$0x2], $0x80, $0x38;
	[tilespmem:$0xA000] =	vst v63  }
0x554: {  	s30 =	sor.u32 $0xC00, s24;
	s31 =	sadd.s32 $0x5A0, s12  }
0x555: {  	[hbm4b:s31+s3] =	stream.linear.scatter [tilespmem:s30], [sflag:$0x2], $0x80, $0x38;
	[tilespmem:$0xA000] =	vst v63  }
0x556: {  	s2 =	sor.u32 $0x1000, s24;
	s4 =	sadd.s32 $0x620, s12  }
0x557: {  	[hbm4b:s4+s3] =	stream.linear.scatter [tilespmem:s2], [sflag:$0x2], $0x80, $0x38;
	[tilespmem:$0xA000] =	vst v63  }
0x558: {  	s14 =	sor.u32 $0x1400, s24;
	s15 =	sadd.s32 $0x6A0, s12  }
0x559: {  	[hbm4b:s15+s3] =	stream.linear.scatter [tilespmem:s14], [sflag:$0x2], $0x80, $0x38;
	[tilespmem:$0xA000] =	vst v63  }
0x55a: {  	s16 =	sor.u32 $0x1800, s24;
	s17 =	sadd.s32 $0x720, s12  }
0x55b: {  	[hbm4b:s17+s3] =	stream.linear.scatter [tilespmem:s16], [sflag:$0x2], $0x80, $0x38;
	[tilespmem:$0xA000] =	vst v63  }
0x55c: {  	s1 =	sor.u32 $0x1C00, s24;
	s18 =	sshrl.u32 s13, $0x5;
	s19 =	sadd.s32 $0x7A0, s12  }
0x55d: {  	[hbm4b:s19+s3] =	stream.linear.scatter [tilespmem:s1], [sflag:$0x2], $0x80, $0x38;
	[tilespmem:$0xA000] =	vst v63  }
0x55e: {  	s0 =	sand.u32 $0x380, s18;
	s20 =	sadd.s32 $0x430, s12  }
0x55f: {  	[hbm4b:s20+s3] =	stream.linear.scatter [tilespmem:s0], [sflag:$0x2], $0x80, $0x38;
	[tilespmem:$0xA000] =	vst v63  }
0x560: {  	s22 =	sadd.s32 $0x4B0, s12;
	s21 =	sor.u32 $0x400, s0  }
0x561: {  	[hbm4b:s22+s3] =	stream.linear.scatter [tilespmem:s21], [sflag:$0x2], $0x80, $0x38;
	[tilespmem:$0xA000] =	vst v63  }
0x562: {  	s23 =	sor.u32 $0x800, s0;
	s24 =	sadd.s32 $0x530, s12  }
0x563: {  	[hbm4b:s24+s3] =	stream.linear.scatter [tilespmem:s23], [sflag:$0x2], $0x80, $0x38;
	[tilespmem:$0xA000] =	vst v63  }
0x564: {  	s25 =	sor.u32 $0xC00, s0;
	s26 =	sadd.s32 $0x5B0, s12  }
0x565: {  	[hbm4b:s26+s3] =	stream.linear.scatter [tilespmem:s25], [sflag:$0x2], $0x80, $0x38;
	[tilespmem:$0xA000] =	vst v63  }
0x566: {  	s28 =	sor.u32 $0x1000, s0;
	s29 =	sadd.s32 $0x630, s12  }
0x567: {  	[hbm4b:s29+s3] =	stream.linear.scatter [tilespmem:s28], [sflag:$0x2], $0x80, $0x38;
	[tilespmem:$0xA000] =	vst v63  }
0x568: {  	s30 =	sor.u32 $0x1400, s0;
	s31 =	sadd.s32 $0x6B0, s12  }
0x569: {  	[hbm4b:s31+s3] =	stream.linear.scatter [tilespmem:s30], [sflag:$0x2], $0x80, $0x38;
	[tilespmem:$0xA000] =	vst v63  }
0x56a: {  	s2 =	sor.u32 $0x1800, s0;
	s4 =	sadd.s32 $0x730, s12  }
0x56b: {  	[hbm4b:s4+s3] =	stream.linear.scatter [tilespmem:s2], [sflag:$0x2], $0x80, $0x38;
	[tilespmem:$0xA000] =	vst v63  }
0x56c: {  	s14 =	sshrl.u32 s13, $0x9;
	s15 =	sadd.s32 $0x7B0, s12;
	s0 =	sor.u32 $0x1C00, s0  }
0x56d: {  	[hbm4b:s15+s3] =	stream.linear.scatter [tilespmem:s0], [sflag:$0x2], $0x80, $0x38;
	[tilespmem:$0xA000] =	vst v63  }
0x56e: {  	s16 =	sadd.s32 $0x440, s12;
	s1 =	sand.u32 $0x380, s14  }
0x56f: {  	[hbm4b:s16+s3] =	stream.linear.scatter [tilespmem:s1], [sflag:$0x2], $0x80, $0x38;
	[tilespmem:$0xA000] =	vst v63  }
0x570: {  	s18 =	sadd.s32 $0x4C0, s12;
	s17 =	sor.u32 $0x400, s1  }
0x571: {  	[hbm4b:s18+s3] =	stream.linear.scatter [tilespmem:s17], [sflag:$0x2], $0x80, $0x38;
	[tilespmem:$0xA000] =	vst v63  }
0x572: {  	s19 =	sor.u32 $0x800, s1;
	s20 =	sadd.s32 $0x540, s12  }
0x573: {  	[hbm4b:s20+s3] =	stream.linear.scatter [tilespmem:s19], [sflag:$0x2], $0x80, $0x38;
	[tilespmem:$0xA000] =	vst v63  }
0x574: {  	s21 =	sor.u32 $0xC00, s1;
	s22 =	sadd.s32 $0x5C0, s12  }
0x575: {  	[hbm4b:s22+s3] =	stream.linear.scatter [tilespmem:s21], [sflag:$0x2], $0x80, $0x38;
	[tilespmem:$0xA000] =	vst v63  }
0x576: {  	s23 =	sor.u32 $0x1000, s1;
	s24 =	sadd.s32 $0x640, s12  }
0x577: {  	[hbm4b:s24+s3] =	stream.linear.scatter [tilespmem:s23], [sflag:$0x2], $0x80, $0x38;
	[tilespmem:$0xA000] =	vst v63  }
0x578: {  	s25 =	sor.u32 $0x1400, s1;
	s26 =	sadd.s32 $0x6C0, s12  }
0x579: {  	[hbm4b:s26+s3] =	stream.linear.scatter [tilespmem:s25], [sflag:$0x2], $0x80, $0x38;
	[tilespmem:$0xA000] =	vst v63  }
0x57a: {  	s28 =	sor.u32 $0x1800, s1;
	s29 =	sadd.s32 $0x740, s12  }
0x57b: {  	[hbm4b:s29+s3] =	stream.linear.scatter [tilespmem:s28], [sflag:$0x2], $0x80, $0x38;
	[tilespmem:$0xA000] =	vst v63  }
0x57c: {  	s30 =	sshrl.u32 s13, $0xD;
	s31 =	sadd.s32 $0x7C0, s12;
	s1 =	sor.u32 $0x1C00, s1  }
0x57d: {  	[hbm4b:s31+s3] =	stream.linear.scatter [tilespmem:s1], [sflag:$0x2], $0x80, $0x38;
	[tilespmem:$0xA000] =	vst v63  }
0x57e: {  	s4 =	sadd.s32 $0x450, s12;
	s0 =	sand.u32 $0x380, s30  }
0x57f: {  	[hbm4b:s4+s3] =	stream.linear.scatter [tilespmem:s0], [sflag:$0x2], $0x80, $0x38;
	[tilespmem:$0xA000] =	vst v63  }
0x580: {  	s15 =	sadd.s32 $0x4D0, s12;
	s14 =	sor.u32 $0x400, s0  }
0x581: {  	[hbm4b:s15+s3] =	stream.linear.scatter [tilespmem:s14], [sflag:$0x2], $0x80, $0x38;
	[tilespmem:$0xA000] =	vst v63  }
0x582: {  	s16 =	sor.u32 $0x800, s0;
	s17 =	sadd.s32 $0x550, s12  }
0x583: {  	[hbm4b:s17+s3] =	stream.linear.scatter [tilespmem:s16], [sflag:$0x2], $0x80, $0x38;
	[tilespmem:$0xA000] =	vst v63  }
0x584: {  	s18 =	sor.u32 $0xC00, s0;
	s19 =	sadd.s32 $0x5D0, s12  }
0x585: {  	[hbm4b:s19+s3] =	stream.linear.scatter [tilespmem:s18], [sflag:$0x2], $0x80, $0x38;
	[tilespmem:$0xA000] =	vst v63  }
0x586: {  	s20 =	sor.u32 $0x1000, s0;
	s21 =	sadd.s32 $0x650, s12  }
0x587: {  	[hbm4b:s21+s3] =	stream.linear.scatter [tilespmem:s20], [sflag:$0x2], $0x80, $0x38;
	[tilespmem:$0xA000] =	vst v63  }
0x588: {  	s22 =	sor.u32 $0x1400, s0;
	s23 =	sadd.s32 $0x6D0, s12  }
0x589: {  	[hbm4b:s23+s3] =	stream.linear.scatter [tilespmem:s22], [sflag:$0x2], $0x80, $0x38;
	[tilespmem:$0xA000] =	vst v63  }
0x58a: {  	s24 =	sor.u32 $0x1800, s0;
	s25 =	sadd.s32 $0x750, s12  }
0x58b: {  	[hbm4b:s25+s3] =	stream.linear.scatter [tilespmem:s24], [sflag:$0x2], $0x80, $0x38;
	[tilespmem:$0xA000] =	vst v63  }
0x58c: {  	s26 =	sshrl.u32 s13, $0x11;
	s28 =	sadd.s32 $0x7D0, s12;
	s0 =	sor.u32 $0x1C00, s0  }
0x58d: {  	[hbm4b:s28+s3] =	stream.linear.scatter [tilespmem:s0], [sflag:$0x2], $0x80, $0x38;
	[tilespmem:$0xA000] =	vst v63  }
0x58e: {  	s29 =	sadd.s32 $0x460, s12;
	s1 =	sand.u32 $0x380, s26  }
0x58f: {  	[hbm4b:s29+s3] =	stream.linear.scatter [tilespmem:s1], [sflag:$0x2], $0x80, $0x38;
	[tilespmem:$0xA000] =	vst v63  }
0x590: {  	s31 =	sadd.s32 $0x4E0, s12;
	s30 =	sor.u32 $0x400, s1  }
0x591: {  	[hbm4b:s31+s3] =	stream.linear.scatter [tilespmem:s30], [sflag:$0x2], $0x80, $0x38;
	[tilespmem:$0xA000] =	vst v63  }
0x592: {  	s2 =	sor.u32 $0x800, s1;
	s4 =	sadd.s32 $0x560, s12  }
0x593: {  	[hbm4b:s4+s3] =	stream.linear.scatter [tilespmem:s2], [sflag:$0x2], $0x80, $0x38;
	[tilespmem:$0xA000] =	vst v63  }
0x594: {  	s14 =	sor.u32 $0xC00, s1;
	s15 =	sadd.s32 $0x5E0, s12  }
0x595: {  	[hbm4b:s15+s3] =	stream.linear.scatter [tilespmem:s14], [sflag:$0x2], $0x80, $0x38;
	[tilespmem:$0xA000] =	vst v63  }
0x596: {  	s16 =	sor.u32 $0x1000, s1;
	s17 =	sadd.s32 $0x660, s12  }
0x597: {  	[hbm4b:s17+s3] =	stream.linear.scatter [tilespmem:s16], [sflag:$0x2], $0x80, $0x38;
	[tilespmem:$0xA000] =	vst v63  }
0x598: {  	s18 =	sor.u32 $0x1400, s1;
	s19 =	sadd.s32 $0x6E0, s12  }
0x599: {  	[hbm4b:s19+s3] =	stream.linear.scatter [tilespmem:s18], [sflag:$0x2], $0x80, $0x38;
	[tilespmem:$0xA000] =	vst v63  }
0x59a: {  	s20 =	sor.u32 $0x1800, s1;
	s21 =	sadd.s32 $0x760, s12  }
0x59b: {  	[hbm4b:s21+s3] =	stream.linear.scatter [tilespmem:s20], [sflag:$0x2], $0x80, $0x38;
	[tilespmem:$0xA000] =	vst v63  }
0x59c: {  	s22 =	sshrl.u32 s13, $0x15;
	s23 =	sadd.s32 $0x7E0, s12;
	s1 =	sor.u32 $0x1C00, s1  }
0x59d: {  	[hbm4b:s23+s3] =	stream.linear.scatter [tilespmem:s1], [sflag:$0x2], $0x80, $0x38;
	[tilespmem:$0xA000] =	vst v63  }
0x59e: {  	s24 =	sadd.s32 $0x470, s12;
	s0 =	sand.u32 $0x380, s22  }
0x59f: {  	[hbm4b:s24+s3] =	stream.linear.scatter [tilespmem:s0], [sflag:$0x2], $0x80, $0x38;
	[tilespmem:$0xA000] =	vst v63  }
0x5a0: {  	s26 =	sadd.s32 $0x4F0, s12;
	s25 =	sor.u32 $0x400, s0  }
0x5a1: {  	[hbm4b:s26+s3] =	stream.linear.scatter [tilespmem:s25], [sflag:$0x2], $0x80, $0x38;
	[tilespmem:$0xA000] =	vst v63  }
0x5a2: {  	s28 =	sor.u32 $0x800, s0;
	s29 =	sadd.s32 $0x570, s12  }
0x5a3: {  	[hbm4b:s29+s3] =	stream.linear.scatter [tilespmem:s28], [sflag:$0x2], $0x80, $0x38;
	[tilespmem:$0xA000] =	vst v63  }
0x5a4: {  	s30 =	sor.u32 $0xC00, s0;
	s31 =	sadd.s32 $0x5F0, s12  }
0x5a5: {  	[hbm4b:s31+s3] =	stream.linear.scatter [tilespmem:s30], [sflag:$0x2], $0x80, $0x38;
	[tilespmem:$0xA000] =	vst v63  }
0x5a6: {  	s13 =	sadd.s32 $0x670, s12;
	s4 =	sor.u32 $0x1000, s0  }
0x5a7: {  	v3 =	vmov s11;
	[hbm4b:s13+s3] =	stream.linear.scatter [tilespmem:s4], [sflag:$0x2], $0x80, $0x38;
	[tilespmem:$0xA000] =	vst v63  }
0x5a8: {  	v3 =	vshll.u32 v3, $0x7;
	s14 =	sor.u32 $0x1400, s0;
	s15 =	sadd.s32 $0x6F0, s12  }
0x5a9: {  	v3 =	vor.u32 v0, v3;
	[hbm4b:s15+s3] =	stream.linear.scatter [tilespmem:s14], [sflag:$0x2], $0x80, $0x38;
	[tilespmem:$0xA000] =	vst v63  }
0x5aa: {  	v51 =	vor.u32 $0x1, v3;
	s16 =	sor.u32 $0x1800, s0;
	s17 =	sadd.s32 $0x770, s12  }
0x5ab: {  	[hbm4b:s17+s3] =	stream.linear.scatter [tilespmem:s16], [sflag:$0x2], $0x80, $0x38;
	[tilespmem:$0xA000] =	vst v63  }
0x5ac: {  	v52 =	vor.u32 $0x2, v3;
	s18 =	sadd.s32 $0x7F0, s12;
	s0 =	sor.u32 $0x1C00, s0  }
0x5ad: {  	[hbm4b:s18+s3] =	stream.linear.scatter [tilespmem:s0], [sflag:$0x2], $0x80, $0x38;
	[tilespmem:$0xA000] =	vst v63  }
0x5ae: {  	v54 =	vor.u32 $0x3, v3;
	v53 =	vld.idx.msk [tilespmem:v3+s6+$0x0], $0xffff  }
0x5af: {  	v4 =	vld.idx.msk [tilespmem:v51+s6+$0x0], $0xffff  }
0x5b0: {  	v55 =	vor.u32 $0x4, v3  }
0x5b1: {  	v5 =	vld.idx.msk [tilespmem:v52+s6+$0x0], $0xffff  }
0x5b2: {  	v56 =	vor.u32 $0x5, v3  }
0x5b3: {  	v7 =	vld.idx.msk [tilespmem:v54+s6+$0x0], $0xffff  }
0x5b4: {  	v57 =	vor.u32 $0x6, v3;
	vm1 =	vgt.f32 v4, v53  }
0x5b5: {  	v8 =	vld.idx.msk [tilespmem:v55+s6+$0x0], $0xffff;
	v4 =	vsel vm1, v4, v53  }
0x5b6: {  	v3 =	vor.u32 $0x7, v3;
	vm2 =	vgt.f32 v5, v4  }
0x5b7: {  	v58 =	vld.idx.msk [tilespmem:v56+s6+$0x0], $0xffff;
	v4 =	vsel vm2, v5, v4  }
0x5b8: {  	vm3 =	vgt.f32 v7, v4  }
0x5b9: {  	v59 =	vld.idx.msk [tilespmem:v57+s6+$0x0], $0xffff;
	v4 =	vsel vm3, v7, v4  }
0x5ba: {  	vm15 =	vgt.f32 v8, v4  }
0x5bb: {  	v3 =	vld.idx.msk [tilespmem:v3+s6+$0x0], $0xffff;
	v60 =	vsel vm1, $0x1, v1;
	v4 =	vsel vm15, v8, v4  }
0x5bc: {  	v7 =	vsel vm2, $0x2, v60;
	vm1 =	vgt.f32 v58, v4  }
0x5bd: {  	v7 =	vsel vm3, $0x3, v7;
	v4 =	vsel vm1, v58, v4  }
0x5be: {  	v61 =	vsel vm15, $0x4, v7;
	vm2 =	vgt.f32 v59, v4  }
0x5bf: {  	v6 =	vsel vm1, $0x5, v61;
	v4 =	vsel vm2, v59, v4  }
0x5c0: {  	v62 =	vsel vm2, $0x6, v6;
	vm1 =	vgt.f32 v3, v4  }
0x5c1: {  	v3 =	vsel vm1, $0x7, v62  }
0x5c2: {  	v3 =	vshll.u32 v3, v2  }
0x5c3: {  	v63 =	vnsel vm0, $0x0, v3  }
0x5c4: {  	(xrf0) =	vadd.scan.msk.s32 $0xffff, v63;
	_ =	sdelay $0x5  }
0x5c5: {  	v4, _, _ =	vpop (xrf0)  }
0x5c6: {  	(v2sf) =	vpush v4, $0xF;
	_ =	sdelay $0xe  }
0x5c7: {  	s11 =	spop (v2sf)  }
0x5c8: {  	s19 =	sshll.u32 s11, $0x7  }
0x5c9: {  	s20 =	sadd.s32 $0x800, s12;
	s0 =	sand.u32 $0x380, s19  }
0x5ca: {  	[hbm4b:s20+s3] =	stream.linear.scatter [tilespmem:s0], [sflag:$0x2], $0x80, $0x38;
	[tilespmem:$0xA000] =	vst v63  }
0x5cb: {  	s21 =	sadd.s32 $0x880, s12;
	s22 =	sor.u32 $0x400, s0  }
0x5cc: {  	[hbm4b:s21+s3] =	stream.linear.scatter [tilespmem:s22], [sflag:$0x2], $0x80, $0x38;
	[tilespmem:$0xA000] =	vst v63  }
0x5cd: {  	s23 =	sadd.s32 $0x900, s12;
	s24 =	sor.u32 $0x800, s0  }
0x5ce: {  	[hbm4b:s23+s3] =	stream.linear.scatter [tilespmem:s24], [sflag:$0x2], $0x80, $0x38;
	[tilespmem:$0xA000] =	vst v63  }
0x5cf: {  	s25 =	sadd.s32 $0x980, s12;
	s26 =	sor.u32 $0xC00, s0  }
0x5d0: {  	[hbm4b:s25+s3] =	stream.linear.scatter [tilespmem:s26], [sflag:$0x2], $0x80, $0x38;
	[tilespmem:$0xA000] =	vst v63  }
0x5d1: {  	s29 =	sadd.s32 $0xA00, s12;
	s28 =	sor.u32 $0x1000, s0  }
0x5d2: {  	[hbm4b:s29+s3] =	stream.linear.scatter [tilespmem:s28], [sflag:$0x2], $0x80, $0x38;
	[tilespmem:$0xA000] =	vst v63  }
0x5d3: {  	s30 =	sadd.s32 $0xA80, s12;
	s31 =	sor.u32 $0x1400, s0  }
0x5d4: {  	[hbm4b:s30+s3] =	stream.linear.scatter [tilespmem:s31], [sflag:$0x2], $0x80, $0x38;
	[tilespmem:$0xA000] =	vst v63  }
0x5d5: {  	s4 =	sadd.s32 $0xB00, s12;
	s13 =	sor.u32 $0x1800, s0  }
0x5d6: {  	[hbm4b:s4+s3] =	stream.linear.scatter [tilespmem:s13], [sflag:$0x2], $0x80, $0x38;
	[tilespmem:$0xA000] =	vst v63  }
0x5d7: {  	s14 =	sadd.s32 $0xB80, s12;
	s15 =	sshll.u32 s11, $0x3;
	s0 =	sor.u32 $0x1C00, s0  }
0x5d8: {  	[hbm4b:s14+s3] =	stream.linear.scatter [tilespmem:s0], [sflag:$0x2], $0x80, $0x38;
	[tilespmem:$0xA000] =	vst v63  }
0x5d9: {  	s16 =	sadd.s32 $0x810, s12;
	s17 =	sand.u32 $0x380, s15  }
0x5da: {  	[hbm4b:s16+s3] =	stream.linear.scatter [tilespmem:s17], [sflag:$0x2], $0x80, $0x38;
	[tilespmem:$0xA000] =	vst v63  }
0x5db: {  	s19 =	sadd.s32 $0x890, s12;
	s18 =	sor.u32 $0x400, s17  }
0x5dc: {  	[hbm4b:s19+s3] =	stream.linear.scatter [tilespmem:s18], [sflag:$0x2], $0x80, $0x38;
	[tilespmem:$0xA000] =	vst v63  }
0x5dd: {  	s20 =	sor.u32 $0x800, s17;
	s21 =	sadd.s32 $0x910, s12  }
0x5de: {  	[hbm4b:s21+s3] =	stream.linear.scatter [tilespmem:s20], [sflag:$0x2], $0x80, $0x38;
	[tilespmem:$0xA000] =	vst v63  }
0x5df: {  	s22 =	sor.u32 $0xC00, s17;
	s23 =	sadd.s32 $0x990, s12  }
0x5e0: {  	[hbm4b:s23+s3] =	stream.linear.scatter [tilespmem:s22], [sflag:$0x2], $0x80, $0x38;
	[tilespmem:$0xA000] =	vst v63  }
0x5e1: {  	s24 =	sor.u32 $0x1000, s17;
	s25 =	sadd.s32 $0xA10, s12  }
0x5e2: {  	[hbm4b:s25+s3] =	stream.linear.scatter [tilespmem:s24], [sflag:$0x2], $0x80, $0x38;
	[tilespmem:$0xA000] =	vst v63  }
0x5e3: {  	s26 =	sor.u32 $0x1400, s17;
	s28 =	sadd.s32 $0xA90, s12  }
0x5e4: {  	[hbm4b:s28+s3] =	stream.linear.scatter [tilespmem:s26], [sflag:$0x2], $0x80, $0x38;
	[tilespmem:$0xA000] =	vst v63  }
0x5e5: {  	s29 =	sor.u32 $0x1800, s17;
	s30 =	sadd.s32 $0xB10, s12  }
0x5e6: {  	[hbm4b:s30+s3] =	stream.linear.scatter [tilespmem:s29], [sflag:$0x2], $0x80, $0x38;
	[tilespmem:$0xA000] =	vst v63  }
0x5e7: {  	s1 =	sor.u32 $0x1C00, s17;
	s31 =	sshrl.u32 s11, $0x1;
	s4 =	sadd.s32 $0xB90, s12  }
0x5e8: {  	[hbm4b:s4+s3] =	stream.linear.scatter [tilespmem:s1], [sflag:$0x2], $0x80, $0x38;
	[tilespmem:$0xA000] =	vst v63  }
0x5e9: {  	s13 =	sadd.s32 $0x820, s12;
	s0 =	sand.u32 $0x380, s31  }
0x5ea: {  	[hbm4b:s13+s3] =	stream.linear.scatter [tilespmem:s0], [sflag:$0x2], $0x80, $0x38;
	[tilespmem:$0xA000] =	vst v63  }
0x5eb: {  	s15 =	sadd.s32 $0x8A0, s12;
	s14 =	sor.u32 $0x400, s0  }
0x5ec: {  	[hbm4b:s15+s3] =	stream.linear.scatter [tilespmem:s14], [sflag:$0x2], $0x80, $0x38;
	[tilespmem:$0xA000] =	vst v63  }
0x5ed: {  	s16 =	sor.u32 $0x800, s0;
	s17 =	sadd.s32 $0x920, s12  }
0x5ee: {  	[hbm4b:s17+s3] =	stream.linear.scatter [tilespmem:s16], [sflag:$0x2], $0x80, $0x38;
	[tilespmem:$0xA000] =	vst v63  }
0x5ef: {  	s18 =	sor.u32 $0xC00, s0;
	s19 =	sadd.s32 $0x9A0, s12  }
0x5f0: {  	[hbm4b:s19+s3] =	stream.linear.scatter [tilespmem:s18], [sflag:$0x2], $0x80, $0x38;
	[tilespmem:$0xA000] =	vst v63  }
0x5f1: {  	s20 =	sor.u32 $0x1000, s0;
	s21 =	sadd.s32 $0xA20, s12  }
0x5f2: {  	[hbm4b:s21+s3] =	stream.linear.scatter [tilespmem:s20], [sflag:$0x2], $0x80, $0x38;
	[tilespmem:$0xA000] =	vst v63  }
0x5f3: {  	s22 =	sor.u32 $0x1400, s0;
	s23 =	sadd.s32 $0xAA0, s12  }
0x5f4: {  	[hbm4b:s23+s3] =	stream.linear.scatter [tilespmem:s22], [sflag:$0x2], $0x80, $0x38;
	[tilespmem:$0xA000] =	vst v63  }
0x5f5: {  	s24 =	sor.u32 $0x1800, s0;
	s25 =	sadd.s32 $0xB20, s12  }
0x5f6: {  	[hbm4b:s25+s3] =	stream.linear.scatter [tilespmem:s24], [sflag:$0x2], $0x80, $0x38;
	[tilespmem:$0xA000] =	vst v63  }
0x5f7: {  	s26 =	sshrl.u32 s11, $0x5;
	s28 =	sadd.s32 $0xBA0, s12;
	s0 =	sor.u32 $0x1C00, s0  }
0x5f8: {  	[hbm4b:s28+s3] =	stream.linear.scatter [tilespmem:s0], [sflag:$0x2], $0x80, $0x38;
	[tilespmem:$0xA000] =	vst v63  }
0x5f9: {  	s29 =	sadd.s32 $0x830, s12;
	s1 =	sand.u32 $0x380, s26  }
0x5fa: {  	[hbm4b:s29+s3] =	stream.linear.scatter [tilespmem:s1], [sflag:$0x2], $0x80, $0x38;
	[tilespmem:$0xA000] =	vst v63  }
0x5fb: {  	s31 =	sadd.s32 $0x8B0, s12;
	s30 =	sor.u32 $0x400, s1  }
0x5fc: {  	[hbm4b:s31+s3] =	stream.linear.scatter [tilespmem:s30], [sflag:$0x2], $0x80, $0x38;
	[tilespmem:$0xA000] =	vst v63  }
0x5fd: {  	s4 =	sor.u32 $0x800, s1;
	s13 =	sadd.s32 $0x930, s12  }
0x5fe: {  	[hbm4b:s13+s3] =	stream.linear.scatter [tilespmem:s4], [sflag:$0x2], $0x80, $0x38;
	[tilespmem:$0xA000] =	vst v63  }
0x5ff: {  	s14 =	sor.u32 $0xC00, s1;
	s15 =	sadd.s32 $0x9B0, s12  }
0x600: {  	[hbm4b:s15+s3] =	stream.linear.scatter [tilespmem:s14], [sflag:$0x2], $0x80, $0x38;
	[tilespmem:$0xA000] =	vst v63  }
0x601: {  	s16 =	sor.u32 $0x1000, s1;
	s17 =	sadd.s32 $0xA30, s12  }
0x602: {  	[hbm4b:s17+s3] =	stream.linear.scatter [tilespmem:s16], [sflag:$0x2], $0x80, $0x38;
	[tilespmem:$0xA000] =	vst v63  }
0x603: {  	s18 =	sor.u32 $0x1400, s1;
	s19 =	sadd.s32 $0xAB0, s12  }
0x604: {  	[hbm4b:s19+s3] =	stream.linear.scatter [tilespmem:s18], [sflag:$0x2], $0x80, $0x38;
	[tilespmem:$0xA000] =	vst v63  }
0x605: {  	s20 =	sor.u32 $0x1800, s1;
	s21 =	sadd.s32 $0xB30, s12  }
0x606: {  	[hbm4b:s21+s3] =	stream.linear.scatter [tilespmem:s20], [sflag:$0x2], $0x80, $0x38;
	[tilespmem:$0xA000] =	vst v63  }
0x607: {  	s22 =	sshrl.u32 s11, $0x9;
	s23 =	sadd.s32 $0xBB0, s12;
	s1 =	sor.u32 $0x1C00, s1  }
0x608: {  	[hbm4b:s23+s3] =	stream.linear.scatter [tilespmem:s1], [sflag:$0x2], $0x80, $0x38;
	[tilespmem:$0xA000] =	vst v63  }
0x609: {  	s24 =	sadd.s32 $0x840, s12;
	s0 =	sand.u32 $0x380, s22  }
0x60a: {  	[hbm4b:s24+s3] =	stream.linear.scatter [tilespmem:s0], [sflag:$0x2], $0x80, $0x38;
	[tilespmem:$0xA000] =	vst v63  }
0x60b: {  	s26 =	sadd.s32 $0x8C0, s12;
	s25 =	sor.u32 $0x400, s0  }
0x60c: {  	[hbm4b:s26+s3] =	stream.linear.scatter [tilespmem:s25], [sflag:$0x2], $0x80, $0x38;
	[tilespmem:$0xA000] =	vst v63  }
0x60d: {  	s28 =	sor.u32 $0x800, s0;
	s29 =	sadd.s32 $0x940, s12  }
0x60e: {  	[hbm4b:s29+s3] =	stream.linear.scatter [tilespmem:s28], [sflag:$0x2], $0x80, $0x38;
	[tilespmem:$0xA000] =	vst v63  }
0x60f: {  	s30 =	sor.u32 $0xC00, s0;
	s31 =	sadd.s32 $0x9C0, s12  }
0x610: {  	[hbm4b:s31+s3] =	stream.linear.scatter [tilespmem:s30], [sflag:$0x2], $0x80, $0x38;
	[tilespmem:$0xA000] =	vst v63  }
0x611: {  	s4 =	sor.u32 $0x1000, s0;
	s13 =	sadd.s32 $0xA40, s12  }
0x612: {  	[hbm4b:s13+s3] =	stream.linear.scatter [tilespmem:s4], [sflag:$0x2], $0x80, $0x38;
	[tilespmem:$0xA000] =	vst v63  }
0x613: {  	s14 =	sor.u32 $0x1400, s0;
	s15 =	sadd.s32 $0xAC0, s12  }
0x614: {  	[hbm4b:s15+s3] =	stream.linear.scatter [tilespmem:s14], [sflag:$0x2], $0x80, $0x38;
	[tilespmem:$0xA000] =	vst v63  }
0x615: {  	s16 =	sor.u32 $0x1800, s0;
	s17 =	sadd.s32 $0xB40, s12  }
0x616: {  	[hbm4b:s17+s3] =	stream.linear.scatter [tilespmem:s16], [sflag:$0x2], $0x80, $0x38;
	[tilespmem:$0xA000] =	vst v63  }
0x617: {  	s18 =	sshrl.u32 s11, $0xD;
	s19 =	sadd.s32 $0xBC0, s12;
	s0 =	sor.u32 $0x1C00, s0  }
0x618: {  	[hbm4b:s19+s3] =	stream.linear.scatter [tilespmem:s0], [sflag:$0x2], $0x80, $0x38;
	[tilespmem:$0xA000] =	vst v63  }
0x619: {  	s20 =	sadd.s32 $0x850, s12;
	s1 =	sand.u32 $0x380, s18  }
0x61a: {  	[hbm4b:s20+s3] =	stream.linear.scatter [tilespmem:s1], [sflag:$0x2], $0x80, $0x38;
	[tilespmem:$0xA000] =	vst v63  }
0x61b: {  	s22 =	sadd.s32 $0x8D0, s12;
	s21 =	sor.u32 $0x400, s1  }
0x61c: {  	[hbm4b:s22+s3] =	stream.linear.scatter [tilespmem:s21], [sflag:$0x2], $0x80, $0x38;
	[tilespmem:$0xA000] =	vst v63  }
0x61d: {  	s23 =	sor.u32 $0x800, s1;
	s24 =	sadd.s32 $0x950, s12  }
0x61e: {  	[hbm4b:s24+s3] =	stream.linear.scatter [tilespmem:s23], [sflag:$0x2], $0x80, $0x38;
	[tilespmem:$0xA000] =	vst v63  }
0x61f: {  	s25 =	sor.u32 $0xC00, s1;
	s26 =	sadd.s32 $0x9D0, s12  }
0x620: {  	[hbm4b:s26+s3] =	stream.linear.scatter [tilespmem:s25], [sflag:$0x2], $0x80, $0x38;
	[tilespmem:$0xA000] =	vst v63  }
0x621: {  	s28 =	sor.u32 $0x1000, s1;
	s29 =	sadd.s32 $0xA50, s12  }
0x622: {  	[hbm4b:s29+s3] =	stream.linear.scatter [tilespmem:s28], [sflag:$0x2], $0x80, $0x38;
	[tilespmem:$0xA000] =	vst v63  }
0x623: {  	s30 =	sor.u32 $0x1400, s1;
	s31 =	sadd.s32 $0xAD0, s12  }
0x624: {  	[hbm4b:s31+s3] =	stream.linear.scatter [tilespmem:s30], [sflag:$0x2], $0x80, $0x38;
	[tilespmem:$0xA000] =	vst v63  }
0x625: {  	s4 =	sor.u32 $0x1800, s1;
	s13 =	sadd.s32 $0xB50, s12  }
0x626: {  	[hbm4b:s13+s3] =	stream.linear.scatter [tilespmem:s4], [sflag:$0x2], $0x80, $0x38;
	[tilespmem:$0xA000] =	vst v63  }
0x627: {  	s14 =	sshrl.u32 s11, $0x11;
	s15 =	sadd.s32 $0xBD0, s12;
	s1 =	sor.u32 $0x1C00, s1  }
0x628: {  	[hbm4b:s15+s3] =	stream.linear.scatter [tilespmem:s1], [sflag:$0x2], $0x80, $0x38;
	[tilespmem:$0xA000] =	vst v63  }
0x629: {  	s16 =	sadd.s32 $0x860, s12;
	s0 =	sand.u32 $0x380, s14  }
0x62a: {  	[hbm4b:s16+s3] =	stream.linear.scatter [tilespmem:s0], [sflag:$0x2], $0x80, $0x38;
	[tilespmem:$0xA000] =	vst v63  }
0x62b: {  	s18 =	sadd.s32 $0x8E0, s12;
	s17 =	sor.u32 $0x400, s0  }
0x62c: {  	[hbm4b:s18+s3] =	stream.linear.scatter [tilespmem:s17], [sflag:$0x2], $0x80, $0x38;
	[tilespmem:$0xA000] =	vst v63  }
0x62d: {  	s19 =	sor.u32 $0x800, s0;
	s20 =	sadd.s32 $0x960, s12  }
0x62e: {  	v3 =	vsel vm0, $0x0, v3;
	[hbm4b:s20+s3] =	stream.linear.scatter [tilespmem:s19], [sflag:$0x2], $0x80, $0x38;
	[tilespmem:$0xA000] =	vst v63  }
0x62f: {  	(xrf0) =	vadd.scan.msk.s32 $0xffff, v3;
	s21 =	sor.u32 $0xC00, s0;
	s22 =	sadd.s32 $0x9E0, s12  }
0x630: {  	[hbm4b:s22+s3] =	stream.linear.scatter [tilespmem:s21], [sflag:$0x2], $0x80, $0x38;
	[tilespmem:$0xA000] =	vst v63  }
0x631: {  	s23 =	sor.u32 $0x1000, s0;
	s24 =	sadd.s32 $0xA60, s12  }
0x632: {  	[hbm4b:s24+s3] =	stream.linear.scatter [tilespmem:s23], [sflag:$0x2], $0x80, $0x38;
	[tilespmem:$0xA000] =	vst v63  }
0x633: {  	s25 =	sor.u32 $0x1400, s0;
	s26 =	sadd.s32 $0xAE0, s12  }
0x634: {  	[hbm4b:s26+s3] =	stream.linear.scatter [tilespmem:s25], [sflag:$0x2], $0x80, $0x38;
	[tilespmem:$0xA000] =	vst v63  }
0x635: {  	v3, _, _ =	vpop (xrf0);
	s28 =	sor.u32 $0x1800, s0;
	s29 =	sadd.s32 $0xB60, s12  }
0x636: {  	(v2sf) =	vpush v3, $0xF;
	[hbm4b:s29+s3] =	stream.linear.scatter [tilespmem:s28], [sflag:$0x2], $0x80, $0x38;
	[tilespmem:$0xA000] =	vst v63  }
0x637: {  	s30 =	sshrl.u32 s11, $0x15;
	s31 =	sadd.s32 $0xBE0, s12;
	s0 =	sor.u32 $0x1C00, s0  }
0x638: {  	[hbm4b:s31+s3] =	stream.linear.scatter [tilespmem:s0], [sflag:$0x2], $0x80, $0x38;
	[tilespmem:$0xA000] =	vst v63  }
0x639: {  	s4 =	sadd.s32 $0x870, s12;
	s1 =	sand.u32 $0x380, s30  }
0x63a: {  	[hbm4b:s4+s3] =	stream.linear.scatter [tilespmem:s1], [sflag:$0x2], $0x80, $0x38;
	[tilespmem:$0xA000] =	vst v63  }
0x63b: {  	s13 =	sadd.s32 $0x8F0, s12;
	s11 =	sor.u32 $0x400, s1  }
0x63c: {  	[hbm4b:s13+s3] =	stream.linear.scatter [tilespmem:s11], [sflag:$0x2], $0x80, $0x38;
	[tilespmem:$0xA000] =	vst v63  }
0x63d: {  	s15 =	sadd.s32 $0x970, s12;
	s14 =	sor.u32 $0x800, s1  }
0x63e: {  	[hbm4b:s15+s3] =	stream.linear.scatter [tilespmem:s14], [sflag:$0x2], $0x80, $0x38;
	[tilespmem:$0xA000] =	vst v63  }
0x63f: {  	s16 =	sor.u32 $0xC00, s1;
	s17 =	sadd.s32 $0x9F0, s12  }
0x640: {  	[hbm4b:s17+s3] =	stream.linear.scatter [tilespmem:s16], [sflag:$0x2], $0x80, $0x38;
	[tilespmem:$0xA000] =	vst v63  }
0x641: {  	s18 =	sor.u32 $0x1000, s1;
	s19 =	sadd.s32 $0xA70, s12  }
0x642: {  	[hbm4b:s19+s3] =	stream.linear.scatter [tilespmem:s18], [sflag:$0x2], $0x80, $0x38;
	[tilespmem:$0xA000] =	vst v63  }
0x643: {  	s20 =	sor.u32 $0x1400, s1;
	s21 =	sadd.s32 $0xAF0, s12  }
0x644: {  	[hbm4b:s21+s3] =	stream.linear.scatter [tilespmem:s20], [sflag:$0x2], $0x80, $0x38;
	[tilespmem:$0xA000] =	vst v63  }
0x645: {  	s22 =	sor.u32 $0x1800, s1;
	s23 =	sadd.s32 $0xB70, s12;
	s11 =	spop (v2sf)  }
0x646: {  	[hbm4b:s23+s3] =	stream.linear.scatter [tilespmem:s22], [sflag:$0x2], $0x80, $0x38;
	[tilespmem:$0xA000] =	vst v63  }
0x647: {  	s25 =	sadd.s32 $0xBF0, s12;
	s1 =	sor.u32 $0x1C00, s1;
	s24 =	sshll.u32 s11, $0x7  }
0x648: {  	[hbm4b:s25+s3] =	stream.linear.scatter [tilespmem:s1], [sflag:$0x2], $0x80, $0x38;
	[tilespmem:$0xA000] =	vst v63  }
0x649: {  	s26 =	sadd.s32 $0xC00, s12;
	s0 =	sand.u32 $0x380, s24  }
0x64a: {  	[hbm4b:s26+s3] =	stream.linear.scatter [tilespmem:s0], [sflag:$0x2], $0x80, $0x38;
	[tilespmem:$0xA000] =	vst v63  }
0x64b: {  	s29 =	sadd.s32 $0xC80, s12;
	s28 =	sor.u32 $0x400, s0  }
0x64c: {  	[hbm4b:s29+s3] =	stream.linear.scatter [tilespmem:s28], [sflag:$0x2], $0x80, $0x38;
	[tilespmem:$0xA000] =	vst v63  }
0x64d: {  	s31 =	sadd.s32 $0xD00, s12;
	s30 =	sor.u32 $0x800, s0  }
0x64e: {  	[hbm4b:s31+s3] =	stream.linear.scatter [tilespmem:s30], [sflag:$0x2], $0x80, $0x38;
	[tilespmem:$0xA000] =	vst v63  }
0x64f: {  	s13 =	sadd.s32 $0xD80, s12;
	s4 =	sor.u32 $0xC00, s0  }
0x650: {  	[hbm4b:s13+s3] =	stream.linear.scatter [tilespmem:s4], [sflag:$0x2], $0x80, $0x38;
	[tilespmem:$0xA000] =	vst v63  }
0x651: {  	s15 =	sadd.s32 $0xE00, s12;
	s14 =	sor.u32 $0x1000, s0  }
0x652: {  	[hbm4b:s15+s3] =	stream.linear.scatter [tilespmem:s14], [sflag:$0x2], $0x80, $0x38;
	[tilespmem:$0xA000] =	vst v63  }
0x653: {  	s16 =	sor.u32 $0x1400, s0;
	s17 =	sadd.s32 $0xE80, s12  }
0x654: {  	[hbm4b:s17+s3] =	stream.linear.scatter [tilespmem:s16], [sflag:$0x2], $0x80, $0x38;
	[tilespmem:$0xA000] =	vst v63  }
0x655: {  	s18 =	sor.u32 $0x1800, s0;
	s19 =	sadd.s32 $0xF00, s12  }
0x656: {  	[hbm4b:s19+s3] =	stream.linear.scatter [tilespmem:s18], [sflag:$0x2], $0x80, $0x38;
	[tilespmem:$0xA000] =	vst v63  }
0x657: {  	s20 =	sshll.u32 s11, $0x3;
	s21 =	sadd.s32 $0xF80, s12;
	s0 =	sor.u32 $0x1C00, s0  }
0x658: {  	[hbm4b:s21+s3] =	stream.linear.scatter [tilespmem:s0], [sflag:$0x2], $0x80, $0x38;
	[tilespmem:$0xA000] =	vst v63  }
0x659: {  	s22 =	sadd.s32 $0xC10, s12;
	s1 =	sand.u32 $0x380, s20  }
0x65a: {  	[hbm4b:s22+s3] =	stream.linear.scatter [tilespmem:s1], [sflag:$0x2], $0x80, $0x38;
	[tilespmem:$0xA000] =	vst v63  }
0x65b: {  	s24 =	sadd.s32 $0xC90, s12;
	s23 =	sor.u32 $0x400, s1  }
0x65c: {  	[hbm4b:s24+s3] =	stream.linear.scatter [tilespmem:s23], [sflag:$0x2], $0x80, $0x38;
	[tilespmem:$0xA000] =	vst v63  }
0x65d: {  	s25 =	sor.u32 $0x800, s1;
	s26 =	sadd.s32 $0xD10, s12  }
0x65e: {  	[hbm4b:s26+s3] =	stream.linear.scatter [tilespmem:s25], [sflag:$0x2], $0x80, $0x38;
	[tilespmem:$0xA000] =	vst v63  }
0x65f: {  	s28 =	sor.u32 $0xC00, s1;
	s29 =	sadd.s32 $0xD90, s12  }
0x660: {  	[hbm4b:s29+s3] =	stream.linear.scatter [tilespmem:s28], [sflag:$0x2], $0x80, $0x38;
	[tilespmem:$0xA000] =	vst v63  }
0x661: {  	s30 =	sor.u32 $0x1000, s1;
	s31 =	sadd.s32 $0xE10, s12  }
0x662: {  	[hbm4b:s31+s3] =	stream.linear.scatter [tilespmem:s30], [sflag:$0x2], $0x80, $0x38;
	[tilespmem:$0xA000] =	vst v63  }
0x663: {  	s2 =	sor.u32 $0x1400, s1;
	s4 =	sadd.s32 $0xE90, s12  }
0x664: {  	[hbm4b:s4+s3] =	stream.linear.scatter [tilespmem:s2], [sflag:$0x2], $0x80, $0x38;
	[tilespmem:$0xA000] =	vst v63  }
0x665: {  	s13 =	sor.u32 $0x1800, s1;
	s14 =	sadd.s32 $0xF10, s12  }
0x666: {  	[hbm4b:s14+s3] =	stream.linear.scatter [tilespmem:s13], [sflag:$0x2], $0x80, $0x38;
	[tilespmem:$0xA000] =	vst v63  }
0x667: {  	s15 =	sshrl.u32 s11, $0x1;
	s16 =	sadd.s32 $0xF90, s12;
	s1 =	sor.u32 $0x1C00, s1  }
0x668: {  	[hbm4b:s16+s3] =	stream.linear.scatter [tilespmem:s1], [sflag:$0x2], $0x80, $0x38;
	[tilespmem:$0xA000] =	vst v63  }
0x669: {  	s17 =	sadd.s32 $0xC20, s12;
	s0 =	sand.u32 $0x380, s15  }
0x66a: {  	[hbm4b:s17+s3] =	stream.linear.scatter [tilespmem:s0], [sflag:$0x2], $0x80, $0x38;
	[tilespmem:$0xA000] =	vst v63  }
0x66b: {  	s19 =	sadd.s32 $0xCA0, s12;
	s18 =	sor.u32 $0x400, s0  }
0x66c: {  	[hbm4b:s19+s3] =	stream.linear.scatter [tilespmem:s18], [sflag:$0x2], $0x80, $0x38;
	[tilespmem:$0xA000] =	vst v63  }
0x66d: {  	s21 =	sadd.s32 $0xD20, s12;
	s20 =	sor.u32 $0x800, s0  }
0x66e: {  	[hbm4b:s21+s3] =	stream.linear.scatter [tilespmem:s20], [sflag:$0x2], $0x80, $0x38;
	[tilespmem:$0xA000] =	vst v63  }
0x66f: {  	s22 =	sor.u32 $0xC00, s0;
	s23 =	sadd.s32 $0xDA0, s12  }
0x670: {  	[hbm4b:s23+s3] =	stream.linear.scatter [tilespmem:s22], [sflag:$0x2], $0x80, $0x38;
	[tilespmem:$0xA000] =	vst v63  }
0x671: {  	s24 =	sor.u32 $0x1000, s0;
	s25 =	sadd.s32 $0xE20, s12  }
0x672: {  	[hbm4b:s25+s3] =	stream.linear.scatter [tilespmem:s24], [sflag:$0x2], $0x80, $0x38;
	[tilespmem:$0xA000] =	vst v63  }
0x673: {  	s26 =	sor.u32 $0x1400, s0;
	s28 =	sadd.s32 $0xEA0, s12  }
0x674: {  	[hbm4b:s28+s3] =	stream.linear.scatter [tilespmem:s26], [sflag:$0x2], $0x80, $0x38;
	[tilespmem:$0xA000] =	vst v63  }
0x675: {  	s29 =	sor.u32 $0x1800, s0;
	s30 =	sadd.s32 $0xF20, s12  }
0x676: {  	[hbm4b:s30+s3] =	stream.linear.scatter [tilespmem:s29], [sflag:$0x2], $0x80, $0x38;
	[tilespmem:$0xA000] =	vst v63  }
0x677: {  	s31 =	sshrl.u32 s11, $0x5;
	s4 =	sadd.s32 $0xFA0, s12;
	s0 =	sor.u32 $0x1C00, s0  }
0x678: {  	[hbm4b:s4+s3] =	stream.linear.scatter [tilespmem:s0], [sflag:$0x2], $0x80, $0x38;
	[tilespmem:$0xA000] =	vst v63  }
0x679: {  	s13 =	sadd.s32 $0xC30, s12;
	s1 =	sand.u32 $0x380, s31  }
0x67a: {  	[hbm4b:s13+s3] =	stream.linear.scatter [tilespmem:s1], [sflag:$0x2], $0x80, $0x38;
	[tilespmem:$0xA000] =	vst v63  }
0x67b: {  	s15 =	sadd.s32 $0xCB0, s12;
	s14 =	sor.u32 $0x400, s1  }
0x67c: {  	[hbm4b:s15+s3] =	stream.linear.scatter [tilespmem:s14], [sflag:$0x2], $0x80, $0x38;
	[tilespmem:$0xA000] =	vst v63  }
0x67d: {  	s16 =	sor.u32 $0x800, s1;
	s17 =	sadd.s32 $0xD30, s12  }
0x67e: {  	[hbm4b:s17+s3] =	stream.linear.scatter [tilespmem:s16], [sflag:$0x2], $0x80, $0x38;
	[tilespmem:$0xA000] =	vst v63  }
0x67f: {  	s18 =	sor.u32 $0xC00, s1;
	s19 =	sadd.s32 $0xDB0, s12  }
0x680: {  	[hbm4b:s19+s3] =	stream.linear.scatter [tilespmem:s18], [sflag:$0x2], $0x80, $0x38;
	[tilespmem:$0xA000] =	vst v63  }
0x681: {  	s20 =	sor.u32 $0x1000, s1;
	s21 =	sadd.s32 $0xE30, s12  }
0x682: {  	[hbm4b:s21+s3] =	stream.linear.scatter [tilespmem:s20], [sflag:$0x2], $0x80, $0x38;
	[tilespmem:$0xA000] =	vst v63  }
0x683: {  	s22 =	sor.u32 $0x1400, s1;
	s23 =	sadd.s32 $0xEB0, s12  }
0x684: {  	[hbm4b:s23+s3] =	stream.linear.scatter [tilespmem:s22], [sflag:$0x2], $0x80, $0x38;
	[tilespmem:$0xA000] =	vst v63  }
0x685: {  	s24 =	sor.u32 $0x1800, s1;
	s25 =	sadd.s32 $0xF30, s12  }
0x686: {  	[hbm4b:s25+s3] =	stream.linear.scatter [tilespmem:s24], [sflag:$0x2], $0x80, $0x38;
	[tilespmem:$0xA000] =	vst v63  }
0x687: {  	s26 =	sshrl.u32 s11, $0x9;
	s28 =	sadd.s32 $0xFB0, s12;
	s1 =	sor.u32 $0x1C00, s1  }
0x688: {  	[hbm4b:s28+s3] =	stream.linear.scatter [tilespmem:s1], [sflag:$0x2], $0x80, $0x38;
	[tilespmem:$0xA000] =	vst v63  }
0x689: {  	s29 =	sadd.s32 $0xC40, s12;
	s0 =	sand.u32 $0x380, s26  }
0x68a: {  	[hbm4b:s29+s3] =	stream.linear.scatter [tilespmem:s0], [sflag:$0x2], $0x80, $0x38;
	[tilespmem:$0xA000] =	vst v63  }
0x68b: {  	s31 =	sadd.s32 $0xCC0, s12;
	s30 =	sor.u32 $0x400, s0  }
0x68c: {  	[hbm4b:s31+s3] =	stream.linear.scatter [tilespmem:s30], [sflag:$0x2], $0x80, $0x38;
	[tilespmem:$0xA000] =	vst v63  }
0x68d: {  	s4 =	sor.u32 $0x800, s0;
	s13 =	sadd.s32 $0xD40, s12  }
0x68e: {  	[hbm4b:s13+s3] =	stream.linear.scatter [tilespmem:s4], [sflag:$0x2], $0x80, $0x38;
	[tilespmem:$0xA000] =	vst v63  }
0x68f: {  	s14 =	sor.u32 $0xC00, s0;
	s15 =	sadd.s32 $0xDC0, s12  }
0x690: {  	[hbm4b:s15+s3] =	stream.linear.scatter [tilespmem:s14], [sflag:$0x2], $0x80, $0x38;
	[tilespmem:$0xA000] =	vst v63  }
0x691: {  	s16 =	sor.u32 $0x1000, s0;
	s17 =	sadd.s32 $0xE40, s12  }
0x692: {  	[hbm4b:s17+s3] =	stream.linear.scatter [tilespmem:s16], [sflag:$0x2], $0x80, $0x38;
	[tilespmem:$0xA000] =	vst v63  }
0x693: {  	s18 =	sor.u32 $0x1400, s0;
	s19 =	sadd.s32 $0xEC0, s12  }
0x694: {  	[hbm4b:s19+s3] =	stream.linear.scatter [tilespmem:s18], [sflag:$0x2], $0x80, $0x38;
	[tilespmem:$0xA000] =	vst v63  }
0x695: {  	s20 =	sor.u32 $0x1800, s0;
	s21 =	sadd.s32 $0xF40, s12  }
0x696: {  	[hbm4b:s21+s3] =	stream.linear.scatter [tilespmem:s20], [sflag:$0x2], $0x80, $0x38;
	[tilespmem:$0xA000] =	vst v63  }
0x697: {  	s22 =	sshrl.u32 s11, $0xD;
	s23 =	sadd.s32 $0xFC0, s12;
	s0 =	sor.u32 $0x1C00, s0  }
0x698: {  	[hbm4b:s23+s3] =	stream.linear.scatter [tilespmem:s0], [sflag:$0x2], $0x80, $0x38;
	[tilespmem:$0xA000] =	vst v63  }
0x699: {  	s24 =	sadd.s32 $0xC50, s12;
	s1 =	sand.u32 $0x380, s22  }
0x69a: {  	[hbm4b:s24+s3] =	stream.linear.scatter [tilespmem:s1], [sflag:$0x2], $0x80, $0x38;
	[tilespmem:$0xA000] =	vst v63  }
0x69b: {  	s26 =	sadd.s32 $0xCD0, s12;
	s25 =	sor.u32 $0x400, s1  }
0x69c: {  	[hbm4b:s26+s3] =	stream.linear.scatter [tilespmem:s25], [sflag:$0x2], $0x80, $0x38;
	[tilespmem:$0xA000] =	vst v63  }
0x69d: {  	s28 =	sor.u32 $0x800, s1;
	s29 =	sadd.s32 $0xD50, s12  }
0x69e: {  	[hbm4b:s29+s3] =	stream.linear.scatter [tilespmem:s28], [sflag:$0x2], $0x80, $0x38;
	[tilespmem:$0xA000] =	vst v63  }
0x69f: {  	s30 =	sor.u32 $0xC00, s1;
	s31 =	sadd.s32 $0xDD0, s12  }
0x6a0: {  	[hbm4b:s31+s3] =	stream.linear.scatter [tilespmem:s30], [sflag:$0x2], $0x80, $0x38;
	[tilespmem:$0xA000] =	vst v63  }
0x6a1: {  	s4 =	sor.u32 $0x1000, s1;
	s13 =	sadd.s32 $0xE50, s12  }
0x6a2: {  	[hbm4b:s13+s3] =	stream.linear.scatter [tilespmem:s4], [sflag:$0x2], $0x80, $0x38;
	[tilespmem:$0xA000] =	vst v63  }
0x6a3: {  	s14 =	sor.u32 $0x1400, s1;
	s15 =	sadd.s32 $0xED0, s12  }
0x6a4: {  	[hbm4b:s15+s3] =	stream.linear.scatter [tilespmem:s14], [sflag:$0x2], $0x80, $0x38;
	[tilespmem:$0xA000] =	vst v63  }
0x6a5: {  	s16 =	sor.u32 $0x1800, s1;
	s17 =	sadd.s32 $0xF50, s12  }
0x6a6: {  	[hbm4b:s17+s3] =	stream.linear.scatter [tilespmem:s16], [sflag:$0x2], $0x80, $0x38;
	[tilespmem:$0xA000] =	vst v63  }
0x6a7: {  	s18 =	sshrl.u32 s11, $0x11;
	s19 =	sadd.s32 $0xFD0, s12;
	s1 =	sor.u32 $0x1C00, s1  }
0x6a8: {  	[hbm4b:s19+s3] =	stream.linear.scatter [tilespmem:s1], [sflag:$0x2], $0x80, $0x38;
	[tilespmem:$0xA000] =	vst v63  }
0x6a9: {  	s20 =	sadd.s32 $0xC60, s12;
	s0 =	sand.u32 $0x380, s18  }
0x6aa: {  	[hbm4b:s20+s3] =	stream.linear.scatter [tilespmem:s0], [sflag:$0x2], $0x80, $0x38;
	[tilespmem:$0xA000] =	vst v63  }
0x6ab: {  	s22 =	sadd.s32 $0xCE0, s12;
	s21 =	sor.u32 $0x400, s0  }
0x6ac: {  	[hbm4b:s22+s3] =	stream.linear.scatter [tilespmem:s21], [sflag:$0x2], $0x80, $0x38;
	[tilespmem:$0xA000] =	vst v63  }
0x6ad: {  	s23 =	sor.u32 $0x800, s0;
	s24 =	sadd.s32 $0xD60, s12  }
0x6ae: {  	[hbm4b:s24+s3] =	stream.linear.scatter [tilespmem:s23], [sflag:$0x2], $0x80, $0x38;
	[tilespmem:$0xA000] =	vst v63  }
0x6af: {  	s25 =	sor.u32 $0xC00, s0;
	s26 =	sadd.s32 $0xDE0, s12  }
0x6b0: {  	[hbm4b:s26+s3] =	stream.linear.scatter [tilespmem:s25], [sflag:$0x2], $0x80, $0x38;
	[tilespmem:$0xA000] =	vst v63  }
0x6b1: {  	s28 =	sor.u32 $0x1000, s0;
	s29 =	sadd.s32 $0xE60, s12  }
0x6b2: {  	[hbm4b:s29+s3] =	stream.linear.scatter [tilespmem:s28], [sflag:$0x2], $0x80, $0x38;
	[tilespmem:$0xA000] =	vst v63  }
0x6b3: {  	s30 =	sor.u32 $0x1400, s0;
	s31 =	sadd.s32 $0xEE0, s12  }
0x6b4: {  	[hbm4b:s31+s3] =	stream.linear.scatter [tilespmem:s30], [sflag:$0x2], $0x80, $0x38;
	[tilespmem:$0xA000] =	vst v63  }
0x6b5: {  	s4 =	sor.u32 $0x1800, s0;
	s13 =	sadd.s32 $0xF60, s12  }
0x6b6: {  	[hbm4b:s13+s3] =	stream.linear.scatter [tilespmem:s4], [sflag:$0x2], $0x80, $0x38;
	[tilespmem:$0xA000] =	vst v63  }
0x6b7: {  	s14 =	sshrl.u32 s11, $0x15;
	s15 =	sadd.s32 $0xFE0, s12;
	s0 =	sor.u32 $0x1C00, s0  }
0x6b8: {  	[hbm4b:s15+s3] =	stream.linear.scatter [tilespmem:s0], [sflag:$0x2], $0x80, $0x38;
	[tilespmem:$0xA000] =	vst v63  }
0x6b9: {  	s16 =	sadd.s32 $0xC70, s12;
	s1 =	sand.u32 $0x380, s14  }
0x6ba: {  	[hbm4b:s16+s3] =	stream.linear.scatter [tilespmem:s1], [sflag:$0x2], $0x80, $0x38;
	[tilespmem:$0xA000] =	vst v63  }
0x6bb: {  	s18 =	sadd.s32 $0xCF0, s12;
	s17 =	sor.u32 $0x400, s1  }
0x6bc: {  	[hbm4b:s18+s3] =	stream.linear.scatter [tilespmem:s17], [sflag:$0x2], $0x80, $0x38;
	[tilespmem:$0xA000] =	vst v63  }
0x6bd: {  	s19 =	sor.u32 $0x800, s1;
	s20 =	sadd.s32 $0xD70, s12  }
0x6be: {  	[hbm4b:s20+s3] =	stream.linear.scatter [tilespmem:s19], [sflag:$0x2], $0x80, $0x38;
	[tilespmem:$0xA000] =	vst v63  }
0x6bf: {  	s21 =	sor.u32 $0xC00, s1;
	s22 =	sadd.s32 $0xDF0, s12  }
0x6c0: {  	[hbm4b:s22+s3] =	stream.linear.scatter [tilespmem:s21], [sflag:$0x2], $0x80, $0x38;
	[tilespmem:$0xA000] =	vst v63  }
0x6c1: {  	s23 =	sor.u32 $0x1000, s1;
	s24 =	sadd.s32 $0xE70, s12  }
0x6c2: {  	[hbm4b:s24+s3] =	stream.linear.scatter [tilespmem:s23], [sflag:$0x2], $0x80, $0x38;
	[tilespmem:$0xA000] =	vst v63  }
0x6c3: {  	s25 =	sadd.s32 $0x1, s10;
	s26 =	sor.u32 $0x1400, s1;
	s4 =	sadd.s32 $0xEF0, s12  }
0x6c4: {  	[hbm4b:s4+s3] =	stream.linear.scatter [tilespmem:s26], [sflag:$0x2], $0x80, $0x38;
	[tilespmem:$0xA000] =	vst v63  }
0x6c5: {  	p0 =	slt.u32 s25, $0x2;
	s28 =	sor.u32 $0x1800, s1;
	s29 =	sadd.s32 $0xF70, s12  }
0x6c6: {  	[hbm4b:s29+s3] =	stream.linear.scatter [tilespmem:s28], [sflag:$0x2], $0x80, $0x38;
	[tilespmem:$0xA000] =	vst v63  }
0x6c7: {  	s2 =	simm.s32 @!p0 $0x2;
	s30 =	sor.u32 $0x1C00, s1;
	s31 =	sadd.s32 $0xFF0, s12  }
0x6c8: {  	[hbm4b:s31+s3] =	stream.linear.scatter [tilespmem:s30], [sflag:$0x2], $0x80, $0x38;
	[tilespmem:$0xA000] =	vst v63  }
0x6c9: {  	_ =	swait.ge @!p0 [sflag:s2], $0x8000  }
0x6ca: {  	[sflag:s2] =	ssyncset.done @!p0 $0x0  }
0x6cb: {  	s9 =	sadd.s32 $0x1, s9;
	[sflag:s2] =	ssyncadd.s32 @!p0 $0xFFFF8000  }
0x6cc: {  	p0 =	sne.s32 s9, s5;
	_ =	swait.ge [sflag:s8], $0x8000  }
.Ltmp1:
0x6cd: {  	[sflag:s8] =	ssyncset.done $0x0;
	(pc) =	sbr.rel @p0 .LBB2_1-.Ltmp1, $4  }
0x6ce: {  	[sflag:s8] =	ssyncadd.s32 $0xFFFF8000  }
0x6cf: {  	_ =	swait.ge [sflag:s8], $0x8000  }
0x6d0: {  	[sflag:s8] =	ssyncset.done $0x0  }
0x6d1: {  	[sflag:s8] =	ssyncadd.s32 $0xFFFF8000  }
0x6d2: {  	_ =	sfence.sel $0x180000  }
0x6d3: {  	[bflag:$0x0] =	sbarrier.arrive $0xFFFF  }
0x6d4: {  	_ =	strace $0x90000047  }
0x6d5: {  	s0 =	stileid.u32;
	[bflag:$0x2] =	sbarrier.arrive $0xFFFF  }
0x6d6: {  	p0 =	sne.s32 s0, $0x0;
	s0 =	rddreg [dreg:$0x3]  }
0x6d7: {  	s0 =	sadd.s32 @!p0 $0x100000, s0  }
0x6d8: {  	[sflag:s0] =	ssyncadd.tile.s32 @!p0 $0x1;
	_ =	shalt  }
.Lfunc_end2:
_tile_overlayer_lowered:
.L_overlay_start_2:
0x6d9: {  	(tag) =	ssettag $0x2  }
0x6da: {  	s0 =	rddreg [dreg:$0x0];
	s2 =	stileid.u32  }
0x6db: {  	s1 =	rddreg [dreg:$0x1];
	p0 =	sne.s32 s2, $0x0  }
0x6dc: {  	s3 =	rddreg [dreg:$0x2];
	[bflag:$0x3] =	sbarrier.arrive $0xFFFF;
	s2 =	simm.s32 @!p0 $0x1C03  }
0x6dd: {  	[timem:s3], [sflag:s2] =	dma.local @!p0 [hbm:s0], s1  }
0x6de: {  	s0 =	simm.s32 @!p0 $0x3  }
0x6df: {  	_ =	swait.ge @!p0 [sflag:s0], s1  }
0x6e0: {  	s1 =	ssub.s32 @!p0 $0x0, s1;
	[sflag:s0] =	ssyncset.done @!p0 $0x0  }
0x6e1: {  	[sflag:s0] =	ssyncadd.s32 @!p0 s1  }
0x6e2: {  	[bflag:$0x3] =	sbarrier.arrive $0xFFFF  }
0x6e3: {  	_ =	shalt  }

</sc_bundles>
